<compile_context>
chip_gen: v7x
topology: tpu7x:2x2x1
jax: 0.10.2.dev20260603
libtpu: 0.0.44.dev20260713+nightly
codegen_flags: <defaults>
</compile_context>

<pallas_src>
import functools

import jax
import jax.numpy as jnp
from jax import lax
from jax.experimental import pallas as pl
from jax.experimental.pallas import tpu as pltpu
from jax.experimental.pallas import tpu_sc as plsc

N_NODES = 50000
N_PAD = 51200
E = 800000
G = 256
NC, NS = 2, 16
EG = 256
NGRP = E // EG
NG_BASE = NGRP // NS
NG_REM = NGRP - NS * NG_BASE
NOUT = (NG_BASE + 1 + 2 + 2) // 3
SLICE = N_PAD // NS
BLK = 2048
GRID = N_PAD // BLK
M = N_PAD // 2
MBLK = BLK // 2

_SC_PARAMS = dict(needs_layout_passes=False, use_tc_tiling_on_sc=False)


def _mesh():
    return plsc.VectorSubcoreMesh(core_axis_name="c", subcore_axis_name="s",
                                  num_cores=NC, num_subcores=NS)


DEG_CHUNK = E // 32
DEG_FULL = DEG_CHUNK // 16


DROWS = N_PAD // 128
DR_PS = DROWS // NS


XQ_PS = M // NS


def _deg_body(edge_hbm, xf_hbm, out_hbm, xq_hbm, stage, hist, iota_r,
              xstage, xob, degacc):
    c = lax.axis_index("c")
    s = lax.axis_index("s")
    wid = s * NC + c

    @pl.when(c == 0)
    def _():
        pltpu.sync_copy(xf_hbm.at[pl.ds(s * 4 * XQ_PS, 4 * XQ_PS)], xstage)
        lanes4 = lax.iota(jnp.int32, 16) * 4

        def xl(k, _):
            base = lanes4 + k * 64
            for r, off in ((0, 0), (1, 2), (2, 1), (3, 3)):
                xob[r, pl.ds(k * 16, 16)] = plsc.load_gather(
                    xstage, [base + off])
            return 0
        lax.fori_loop(0, XQ_PS // 16, xl, 0)
        for r in range(4):
            pltpu.sync_copy(xob.at[r], xq_hbm.at[r, pl.ds(s * XQ_PS, XQ_PS)])

    zero16 = jnp.zeros((16,), jnp.float32)
    ones16 = jnp.ones((16,), jnp.float32)

    def zb(i, _):
        hist[lax.div(i, jnp.int32(8)), pl.ds(lax.rem(i, jnp.int32(8)) * 16, 16)] = zero16
        return 0
    lax.fori_loop(0, DROWS * 8, zb, 0)

    def ib(i, _):
        iota_r[pl.ds(i * 16, 16)] = lax.iota(jnp.int32, 16) + i * 16
        return 0
    lax.fori_loop(0, DROWS // 16, ib, 0)

    pltpu.sync_copy(hist.at[pl.ds(0, DR_PS)], degacc.at[pl.ds(s * DR_PS, DR_PS)])
    plsc.subcore_barrier()

    pltpu.sync_copy(edge_hbm.at[1, pl.ds(wid * DEG_CHUNK, DEG_CHUNK)],
                    stage.at[pl.ds(0, DEG_CHUNK)])

    def scatter(idx, mask=None):
        pp = lax.shift_right_logical(idx, 1) + (idx & 1) * M
        plsc.addupdate_scatter(
            hist, [lax.shift_right_logical(pp, 7), pp & 127], ones16,
            mask=mask)

    def kloop(k, _):
        scatter(stage[pl.ds(k * 16, 16)])
        return 0
    lax.fori_loop(0, DEG_FULL, kloop, 0)
    scatter(stage[pl.ds(DEG_FULL * 16, 16)],
            lax.iota(jnp.int32, 16) < (DEG_CHUNK - DEG_FULL * 16))

    plsc.subcore_barrier()
    pltpu.sync_copy(hist, degacc.at[iota_r], add=True)
    plsc.subcore_barrier()
    pltpu.sync_copy(degacc.at[pl.ds(s * DR_PS, DR_PS)],
                    out_hbm.at[c, pl.ds(s * DR_PS, DR_PS)])


@functools.lru_cache(maxsize=None)
def _deg_kernel_fn():
    return pl.kernel(
        _deg_body,
        mesh=_mesh(),
        out_type=(jax.ShapeDtypeStruct((NC, DROWS, 128), jnp.float32),
                  jax.ShapeDtypeStruct((4, M), jnp.int32)),
        scratch_types=[
            pltpu.VMEM((DEG_CHUNK + 16,), jnp.int32),
            pltpu.VMEM((DROWS, 128), jnp.float32),
            pltpu.VMEM((DROWS,), jnp.int32),
            pltpu.VMEM((4 * XQ_PS,), jnp.int32),
            pltpu.VMEM((4, XQ_PS), jnp.int32),
            pltpu.VMEM_SHARED((DROWS, 128), jnp.float32),
        ],
        compiler_params=pltpu.CompilerParams(**_SC_PARAMS),
    )


def _deg_kernel(edge_index, xf):
    return _deg_kernel_fn()(edge_index, xf)




def _conv_body(y2_hbm, edge_hbm, zeros_hbm, acc_hbm,
               accsh, sg0, sg1, sg2, dg0, dg1, dg2, rb0, rb1, rb2,
               si0, si1, si2, sgm0, sgm1, sgm2, ssm0, ssm1, ssm2):
    c = lax.axis_index("c")
    s = lax.axis_index("s")
    srcg = [sg0, sg1, sg2]
    dstg = [dg0, dg1, dg2]
    rowb = [rb0, rb1, rb2]
    sem_i = [si0, si1, si2]
    sem_g = [sgm0, sgm1, sgm2]
    sem_s = [ssm0, ssm1, ssm2]

    pltpu.sync_copy(zeros_hbm, accsh.at[pl.ds(s * SLICE, SLICE)])
    plsc.subcore_barrier()

    ng = NG_BASE + jnp.where(s < NG_REM, 1, 0)
    cvec = jnp.full((16,), c, jnp.int32)

    def idx_issue(j, slot):
        e0 = (s + NS * j) * EG
        pltpu.async_copy(edge_hbm.at[0, pl.ds(e0, EG)], srcg[slot],
                         sem_i[slot])
        pltpu.async_copy(edge_hbm.at[1, pl.ds(e0, EG)], dstg[slot],
                         sem_i[slot])

    def idx_wait(slot):
        pltpu.make_async_copy(edge_hbm.at[0, pl.ds(0, EG)], srcg[slot],
                              sem_i[slot]).wait()
        pltpu.make_async_copy(edge_hbm.at[1, pl.ds(0, EG)], dstg[slot],
                              sem_i[slot]).wait()

    def transform(slot):
        def t(k, _):
            v = srcg[slot][pl.ds(k * 16, 16)]
            srcg[slot][pl.ds(k * 16, 16)] = v + v + cvec
            return 0
        lax.fori_loop(0, EG // 16, t, 0)

    def gat_issue(slot):
        pltpu.async_copy(y2_hbm.at[srcg[slot]], rowb[slot], sem_g[slot])

    def gat_wait(slot):
        pltpu.make_async_copy(y2_hbm.at[srcg[slot]], rowb[slot],
                              sem_g[slot]).wait()

    def sct_issue(slot):
        pltpu.async_copy(rowb[slot], accsh.at[dstg[slot]], sem_s[slot],
                         add=True)

    def sct_wait(slot):
        pltpu.make_async_copy(rowb[slot], accsh.at[dstg[slot]],
                              sem_s[slot]).wait()

    idx_issue(0, 0)
    idx_issue(1, 1)
    idx_wait(0)
    transform(0)
    gat_issue(0)

    def outer(jo, _):
        for b in range(3):
            g = 3 * jo + b
            qs = (b + 1) % 3
            rs = (b + 2) % 3

            @pl.when(g < ng - 1)
            def _():
                idx_wait(qs)
                transform(qs)
                gat_issue(qs)

            @pl.when(g < ng)
            def _():
                gat_wait(b)
                sct_issue(b)

            @pl.when(g < ng - 2)
            def _():
                @pl.when(g >= 1)
                def _():
                    sct_wait(rs)
                idx_issue(g + 2, rs)
        return 0
    lax.fori_loop(0, NOUT, outer, 0)

    sct_wait(0)
    sct_wait(1)
    sct_wait(2)
    plsc.subcore_barrier()
    pltpu.sync_copy(accsh.at[pl.ds(s * SLICE, SLICE)],
                    acc_hbm.at[pl.ds(s * SLICE, SLICE), pl.ds(c * 32, 32)])


@functools.lru_cache(maxsize=None)
def _conv_kernel_fn():
    return pl.kernel(
        _conv_body,
        mesh=_mesh(),
        out_type=jax.ShapeDtypeStruct((N_PAD, 64), jnp.float32),
        scratch_types=[
            pltpu.VMEM_SHARED((N_PAD, 32), jnp.float32),
            pltpu.VMEM((EG,), jnp.int32),
            pltpu.VMEM((EG,), jnp.int32),
            pltpu.VMEM((EG,), jnp.int32),
            pltpu.VMEM((EG,), jnp.int32),
            pltpu.VMEM((EG,), jnp.int32),
            pltpu.VMEM((EG,), jnp.int32),
            pltpu.VMEM((EG, 32), jnp.float32),
            pltpu.VMEM((EG, 32), jnp.float32),
            pltpu.VMEM((EG, 32), jnp.float32),
            pltpu.SemaphoreType.DMA,
            pltpu.SemaphoreType.DMA,
            pltpu.SemaphoreType.DMA,
            pltpu.SemaphoreType.DMA,
            pltpu.SemaphoreType.DMA,
            pltpu.SemaphoreType.DMA,
            pltpu.SemaphoreType.DMA,
            pltpu.SemaphoreType.DMA,
            pltpu.SemaphoreType.DMA,
        ],
        compiler_params=pltpu.CompilerParams(**_SC_PARAMS),
    )


def _conv_kernel(y2, edge_index, zeros_sl):
    return _conv_kernel_fn()(y2, edge_index, zeros_sl)




def _embed_body(xq_ref, dege_ref, dego_ref, emb_ref, dep_ref, pw_ref, pb_ref,
                w1_ref, y_ref, dinv_ref):
    t1 = jnp.concatenate(
        [emb_ref[...] @ pw_ref[:16, :], jnp.zeros((7, 64), jnp.float32)], axis=0)
    t2 = jnp.concatenate(
        [dep_ref[...] @ pw_ref[16:, :], jnp.zeros((12, 64), jnp.float32)], axis=0)
    xq = xq_ref[...]
    w1 = w1_ref[...]

    def node_y(comb0, comb1, deg):
        oh0 = (lax.broadcasted_iota(jnp.int32, (MBLK, 16), 1)
               == comb0[:, None]).astype(jnp.float32)
        oh1 = (lax.broadcasted_iota(jnp.int32, (MBLK, 32), 1)
               == jnp.clip(comb1, 0, 19)[:, None]).astype(jnp.float32)
        h0 = (oh0 @ t1) + (oh1 @ t2) + pb_ref[...][None, :]
        dinv = lax.rsqrt(deg + 1.0)
        return (h0 @ w1) * dinv[:, None], dinv

    ye, de = node_y(xq[0], xq[2], jnp.sum(dege_ref[...], axis=0))
    yo, do = node_y(xq[1], xq[3], jnp.sum(dego_ref[...], axis=0))
    y_ref[...] = jnp.concatenate([ye, yo], axis=1)
    dinv_ref[...] = jnp.stack([de, do])


def _embed_call(xq, deg_parts, emb_table, depth_table, proj_W, proj_b, g1_W):
    return pl.pallas_call(
        _embed_body,
        grid=(GRID,),
        in_specs=[
            pl.BlockSpec((4, MBLK), lambda i: (0, i)),
            pl.BlockSpec((NC, MBLK), lambda i: (0, i)),
            pl.BlockSpec((NC, MBLK), lambda i: (0, i + GRID)),
            pl.BlockSpec((9, 16), lambda i: (0, 0)),
            pl.BlockSpec((20, 16), lambda i: (0, 0)),
            pl.BlockSpec((32, 64), lambda i: (0, 0)),
            pl.BlockSpec((64,), lambda i: (0,)),
            pl.BlockSpec((64, 64), lambda i: (0, 0)),
        ],
        out_specs=[
            pl.BlockSpec((MBLK, 128), lambda i: (i, 0)),
            pl.BlockSpec((2, MBLK), lambda i: (0, i)),
        ],
        out_shape=[
            jax.ShapeDtypeStruct((M, 128), jnp.float32),
            jax.ShapeDtypeStruct((2, M), jnp.float32),
        ],
    )(xq, deg_parts, deg_parts, emb_table, depth_table, proj_W, proj_b, g1_W)




def _pair_scale(dinv_ref):
    dv = dinv_ref[...]
    de = jnp.broadcast_to(dv[0][:, None], (MBLK, 64))
    do = jnp.broadcast_to(dv[1][:, None], (MBLK, 64))
    return jnp.concatenate([de, do], axis=1)


def _blockdiag(w):
    z = jnp.zeros((64, 64), jnp.float32)
    return jnp.concatenate([jnp.concatenate([w, z], axis=1),
                            jnp.concatenate([z, w], axis=1)], axis=0)


def _post1_body(a_ref, y_ref, dinv_ref, b_ref, w_ref, z_ref):
    scale = _pair_scale(dinv_ref)
    b2 = jnp.concatenate([b_ref[...], b_ref[...]])
    h = (a_ref[...] + y_ref[...]) * scale + b2[None, :]
    h = jnp.maximum(h, 0.0)
    z_ref[...] = (h @ _blockdiag(w_ref[...])) * scale


def _post1_call(a, y, dinvT, b1, g2_W):
    return pl.pallas_call(
        _post1_body,
        grid=(GRID,),
        in_specs=[
            pl.BlockSpec((MBLK, 128), lambda i: (i, 0)),
            pl.BlockSpec((MBLK, 128), lambda i: (i, 0)),
            pl.BlockSpec((2, MBLK), lambda i: (0, i)),
            pl.BlockSpec((64,), lambda i: (0,)),
            pl.BlockSpec((64, 64), lambda i: (0, 0)),
        ],
        out_specs=pl.BlockSpec((MBLK, 128), lambda i: (i, 0)),
        out_shape=jax.ShapeDtypeStruct((M, 128), jnp.float32),
    )(a, y, dinvT, b1, g2_W)




def _post2_body(a_ref, y_ref, dinv_ref, b_ref, batch_ref, fw_ref, fb_ref,
                out_ref, sacc, cacc):
    i = pl.program_id(0)

    @pl.when(i == 0)
    def _():
        sacc[...] = jnp.zeros_like(sacc)
        cacc[...] = jnp.zeros_like(cacc)

    scale = _pair_scale(dinv_ref)
    b2 = jnp.concatenate([b_ref[...], b_ref[...]])
    h = (a_ref[...] + y_ref[...]) * scale + b2[None, :]
    h = jnp.maximum(h, 0.0)
    bt = batch_ref[...]
    ohTe = (lax.broadcasted_iota(jnp.int32, (G, MBLK), 0)
            == bt[0][None, :]).astype(jnp.float32)
    ohTo = (lax.broadcasted_iota(jnp.int32, (G, MBLK), 0)
            == bt[1][None, :]).astype(jnp.float32)
    sacc[...] += ohTe @ h[:, :64] + ohTo @ h[:, 64:]
    cacc[...] += jnp.sum(ohTe, axis=1) + jnp.sum(ohTo, axis=1)
    pooled = sacc[...] / jnp.maximum(cacc[...], 1.0)[:, None]
    out_ref[...] = pooled @ fw_ref[...] + fb_ref[...][None, :]


def _post2_call(a, y, dinvT, b2, batchT, final_W, final_b):
    return pl.pallas_call(
        _post2_body,
        grid=(GRID,),
        in_specs=[
            pl.BlockSpec((MBLK, 128), lambda i: (i, 0)),
            pl.BlockSpec((MBLK, 128), lambda i: (i, 0)),
            pl.BlockSpec((2, MBLK), lambda i: (0, i)),
            pl.BlockSpec((64,), lambda i: (0,)),
            pl.BlockSpec((2, MBLK), lambda i: (0, i)),
            pl.BlockSpec((64, 128), lambda i: (0, 0)),
            pl.BlockSpec((128,), lambda i: (0,)),
        ],
        out_specs=pl.BlockSpec((G, 128), lambda i: (0, 0)),
        out_shape=jax.ShapeDtypeStruct((G, 128), jnp.float32),
        scratch_shapes=[
            pltpu.VMEM((G, 64), jnp.float32),
            pltpu.VMEM((G,), jnp.float32),
        ],
    )(a, y, dinvT, b2, batchT, final_W, final_b)




def kernel(x, edge_index, batch, emb_table, depth_table, proj_W, proj_b,
           g1_W, g1_b, g2_W, g2_b, final_W, final_b):
    xf = jnp.pad(x, ((0, N_PAD - N_NODES), (0, 0))).reshape(2 * N_PAD)
    batchT = jnp.pad(batch, (0, N_PAD - N_NODES),
                     constant_values=G).reshape(M, 2).T
    zeros_sl = jnp.zeros((SLICE, 32), jnp.float32)

    deg3, xq = _deg_kernel(edge_index, xf)
    deg_parts = deg3.reshape(NC, N_PAD)
    y, dinvT = _embed_call(xq, deg_parts, emb_table, depth_table,
                           proj_W, proj_b, g1_W)
    a = _conv_kernel(y.reshape(2 * N_PAD, 32), edge_index, zeros_sl)
    z = _post1_call(a.reshape(M, 128), y, dinvT, g1_b, g2_W)
    a2 = _conv_kernel(z.reshape(2 * N_PAD, 32), edge_index, zeros_sl)
    return _post2_call(a2.reshape(M, 128), z, dinvT, g2_b, batchT,
                       final_W, final_b)

# --- scband reference (transcript-rebuilt; emitter-appended) ---
"""Pipeline reference for scband-simple-gcnencoder-39178691674344 (READ-ONLY COPY).

The authoritative reference and input builder live on the scoring server;
editing this copy changes nothing except your own understanding.
"""

import jax, jax.numpy as jnp
import numpy as np

N_NODES = 50000
N_EDGES = 800000
NUM_GRAPHS = 256
HIDDEN = 128
HALF = HIDDEN // 2  # 64
UNK_NODE_P1 = 9   # UNK_NODE + 1
DEPTH_VOCAB = 20
EMB_DIM = 16


def setup_inputs(seed: int = 0) -> dict:
    key = jax.random.key(seed)
    ks = jax.random.split(key, 16)
    x = jax.random.randint(ks[0], (N_NODES, 2), 0, 9, dtype=jnp.int32)
    edge_index = jax.random.randint(ks[1], (2, N_EDGES), 0, N_NODES, dtype=jnp.int32)
    batch = jnp.sort(jax.random.randint(ks[2], (N_NODES,), 0, NUM_GRAPHS, dtype=jnp.int32))
    s = 0.1
    emb_table = jax.random.normal(ks[3], (UNK_NODE_P1, EMB_DIM), dtype=jnp.float32) * s
    depth_table = jax.random.normal(ks[4], (DEPTH_VOCAB, EMB_DIM), dtype=jnp.float32) * s
    proj_W = jax.random.normal(ks[5], (2 * EMB_DIM, HALF), dtype=jnp.float32) * s
    proj_b = jnp.zeros((HALF,), dtype=jnp.float32)
    g1_W = jax.random.normal(ks[6], (HALF, HALF), dtype=jnp.float32) * s
    g1_b = jnp.zeros((HALF,), dtype=jnp.float32)
    g2_W = jax.random.normal(ks[7], (HALF, HALF), dtype=jnp.float32) * s
    g2_b = jnp.zeros((HALF,), dtype=jnp.float32)
    final_W = jax.random.normal(ks[8], (HALF, HIDDEN), dtype=jnp.float32) * s
    final_b = jnp.zeros((HIDDEN,), dtype=jnp.float32)
    return {
        'x': x, 'edge_index': edge_index, 'batch': batch,
        'emb_table': emb_table, 'depth_table': depth_table,
        'proj_W': proj_W, 'proj_b': proj_b,
        'g1_W': g1_W, 'g1_b': g1_b,
        'g2_W': g2_W, 'g2_b': g2_b,
        'final_W': final_W, 'final_b': final_b,
    }


def _gcn_conv(h, W, b, src, dst, num_nodes):
    # GCNConv with added self-loops and symmetric normalization
    loop = jnp.arange(num_nodes, dtype=src.dtype)
    s = jnp.concatenate([src, loop])
    d = jnp.concatenate([dst, loop])
    hw = h @ W
    deg = jax.ops.segment_sum(jnp.ones_like(s, dtype=h.dtype), d, num_segments=num_nodes)
    dinv = jnp.where(deg > 0, jax.lax.rsqrt(jnp.maximum(deg, 1e-12)), 0.0)
    norm = dinv[s] * dinv[d]
    msg = hw[s] * norm[:, None]
    out = jax.ops.segment_sum(msg, d, num_segments=num_nodes)
    return out + b


def reference(x, edge_index, batch, emb_table, depth_table, proj_W, proj_b,
              g1_W, g1_b, g2_W, g2_b, final_W, final_b):
    node_emb = jnp.take(emb_table, x[:, 0], axis=0)
    depth_emb = jnp.take(depth_table, jnp.clip(x[:, 1], 0, 19), axis=0)
    h = jnp.concatenate([node_emb, depth_emb], axis=1) @ proj_W + proj_b
    src = edge_index[0]
    dst = edge_index[1]
    h = jax.nn.relu(_gcn_conv(h, g1_W, g1_b, src, dst, N_NODES))
    # dropout is identity in eval mode
    h = jax.nn.relu(_gcn_conv(h, g2_W, g2_b, src, dst, N_NODES))
    h = h @ final_W + final_b
    # global_mean_pool
    sums = jax.ops.segment_sum(h, batch, num_segments=NUM_GRAPHS)
    counts = jax.ops.segment_sum(jnp.ones((h.shape[0],), dtype=h.dtype), batch, num_segments=NUM_GRAPHS)
    pooled = sums / jnp.maximum(counts, 1.0)[:, None]
    return pooled

if __name__ == "__main__":
    import jax
    _d = setup_inputs()
    print(jax.jit(kernel)(*tuple(_d.values())))

</pallas_src>

<mosaic_0001>
#map = affine_map<(d0, d1) -> (0, 0)>
module attributes {stable_mosaic.version = 14 : i64} {
  func.func @_conv_body(%arg0: i32, %arg1: i32, %arg2: memref<102400x32xf32, #tpu.memory_space<hbm>>, %arg3: memref<2x800000xi32, #tpu.memory_space<hbm>>, %arg4: memref<3200x32xf32, #tpu.memory_space<hbm>>, %arg5: memref<51200x64xf32, #tpu.memory_space<hbm>>, %arg6: memref<51200x32xf32, #tpu.memory_space<vmem_shared>>, %arg7: memref<256xi32, #tpu.memory_space<vmem>>, %arg8: memref<256xi32, #tpu.memory_space<vmem>>, %arg9: memref<256xi32, #tpu.memory_space<vmem>>, %arg10: memref<256xi32, #tpu.memory_space<vmem>>, %arg11: memref<256xi32, #tpu.memory_space<vmem>>, %arg12: memref<256xi32, #tpu.memory_space<vmem>>, %arg13: memref<256x32xf32, #tpu.memory_space<vmem>>, %arg14: memref<256x32xf32, #tpu.memory_space<vmem>>, %arg15: memref<256x32xf32, #tpu.memory_space<vmem>>, %arg16: memref<!tpu.dma_semaphore, #tpu.memory_space<semaphore_mem>>, %arg17: memref<!tpu.dma_semaphore, #tpu.memory_space<semaphore_mem>>, %arg18: memref<!tpu.dma_semaphore, #tpu.memory_space<semaphore_mem>>, %arg19: memref<!tpu.dma_semaphore, #tpu.memory_space<semaphore_mem>>, %arg20: memref<!tpu.dma_semaphore, #tpu.memory_space<semaphore_mem>>, %arg21: memref<!tpu.dma_semaphore, #tpu.memory_space<semaphore_mem>>, %arg22: memref<!tpu.dma_semaphore, #tpu.memory_space<semaphore_mem>>, %arg23: memref<!tpu.dma_semaphore, #tpu.memory_space<semaphore_mem>>, %arg24: memref<!tpu.dma_semaphore, #tpu.memory_space<semaphore_mem>>) attributes {dimension_semantics = [#tpu.dimension_semantics<core_parallel>, #tpu.dimension_semantics<subcore_parallel>], iteration_bounds = array<i64: 2, 16>, scalar_prefetch = 0 : i64, scratch_operands = 19 : i64, tpu.core_type = #tpu.core_type<sc_vector_subcore>, window_params = [{transform_indices = #map}, {transform_indices = #map}, {transform_indices = #map}, {transform_indices = #map}]} {
    %mul3A = arith.constant 3200 : i32
    %mul3A_0 = arith.muli %arg1, %mul3A : i32
    "tpu.region"() ({
      %run_scoped3A = tpu.sem_alloc : memref<!tpu.dma_semaphore, #tpu.memory_space<semaphore_mem>>
      %dma_start3A_76 = arith.constant 0 : i32
      %dma_start3A_77 = tpu.memref_slice %arg6[%mul3A_0, %dma_start3A_76] : memref<51200x32xf32, #tpu.memory_space<vmem_shared>> -> memref<3200x32xf32, #tpu.memory_space<vmem_shared>>
      tpu.enqueue_dma source(%arg4 : memref<3200x32xf32, #tpu.memory_space<hbm>>) target(%dma_start3A_77 : memref<3200x32xf32, #tpu.memory_space<vmem_shared>>) target_semaphore(%run_scoped3A : memref<!tpu.dma_semaphore, #tpu.memory_space<semaphore_mem>>)
      %dma_wait3A_78 = arith.constant 0 : i32
      %dma_wait3A_79 = tpu.memref_slice %arg6[%mul3A_0, %dma_wait3A_78] : memref<51200x32xf32, #tpu.memory_space<vmem_shared>> -> memref<3200x32xf32, #tpu.memory_space<vmem_shared>>
      tpu.wait_dma2 semaphore(%run_scoped3A : memref<!tpu.dma_semaphore, #tpu.memory_space<semaphore_mem>>) src(%arg4 : memref<3200x32xf32, #tpu.memory_space<hbm>>) dst(%dma_wait3A_79 : memref<3200x32xf32, #tpu.memory_space<vmem_shared>>)
      tpu.yield
    }) : () -> ()
    %barrier3A = arith.constant 0 : index
    tpu.barrier barrier_id(%barrier3A)
    %lt3A = arith.constant 5 : i32
    %lt3A_1 = arith.cmpi slt, %arg1, %lt3A : i32
    %jit3A = arith.constant 1 : i32
    %jit3A_2 = arith.constant 0 : i32
    %select_n3A = arith.select %lt3A_1, %jit3A, %jit3A_2 : i32
    %add3A = arith.constant 195 : i32
    %add3A_3 = arith.addi %add3A, %select_n3A : i32
    %broadcast_in_dim3A = vector.broadcast %arg0 : i32 to vector<16xi32>
    %add3A_4 = arith.constant 0 : i32
    %add3A_5 = arith.addi %arg1, %add3A_4 : i32
    %mul3A_6 = arith.constant 256 : i32
    %mul3A_7 = arith.muli %add3A_5, %mul3A_6 : i32
    %dma_start3A = arith.constant 0 : i32
    %dma_start3A_8 = tpu.memref_slice %arg3[%dma_start3A, %mul3A_7] : memref<2x800000xi32, #tpu.memory_space<hbm>> -> memref<1x256xi32, #tpu.memory_space<hbm>>
    %dma_start3A_9 = tpu.memref_squeeze %dma_start3A_8 : memref<1x256xi32, #tpu.memory_space<hbm>> -> memref<256xi32, #tpu.memory_space<hbm>>
    %dma_start3A_10 = tpu.memref_slice %arg3[%dma_start3A, %mul3A_7] : memref<2x800000xi32, #tpu.memory_space<hbm>> -> memref<1x256xi32, #tpu.memory_space<hbm>>
    %dma_start3A_11 = tpu.memref_squeeze %dma_start3A_10 : memref<1x256xi32, #tpu.memory_space<hbm>> -> memref<256xi32, #tpu.memory_space<hbm>>
    tpu.enqueue_dma source(%dma_start3A_11 : memref<256xi32, #tpu.memory_space<hbm>>) target(%arg7 : memref<256xi32, #tpu.memory_space<vmem>>) target_semaphore(%arg16 : memref<!tpu.dma_semaphore, #tpu.memory_space<semaphore_mem>>)
    %dma_start3A_12 = arith.constant 1 : i32
    %dma_start3A_13 = tpu.memref_slice %arg3[%dma_start3A_12, %mul3A_7] : memref<2x800000xi32, #tpu.memory_space<hbm>> -> memref<1x256xi32, #tpu.memory_space<hbm>>
    %dma_start3A_14 = tpu.memref_squeeze %dma_start3A_13 : memref<1x256xi32, #tpu.memory_space<hbm>> -> memref<256xi32, #tpu.memory_space<hbm>>
    %dma_start3A_15 = tpu.memref_slice %arg3[%dma_start3A_12, %mul3A_7] : memref<2x800000xi32, #tpu.memory_space<hbm>> -> memref<1x256xi32, #tpu.memory_space<hbm>>
    %dma_start3A_16 = tpu.memref_squeeze %dma_start3A_15 : memref<1x256xi32, #tpu.memory_space<hbm>> -> memref<256xi32, #tpu.memory_space<hbm>>
    tpu.enqueue_dma source(%dma_start3A_16 : memref<256xi32, #tpu.memory_space<hbm>>) target(%arg10 : memref<256xi32, #tpu.memory_space<vmem>>) target_semaphore(%arg16 : memref<!tpu.dma_semaphore, #tpu.memory_space<semaphore_mem>>)
    %add3A_17 = arith.constant 16 : i32
    %add3A_18 = arith.addi %arg1, %add3A_17 : i32
    %mul3A_19 = arith.constant 256 : i32
    %mul3A_20 = arith.muli %add3A_18, %mul3A_19 : i32
    %dma_start3A_21 = arith.constant 0 : i32
    %dma_start3A_22 = tpu.memref_slice %arg3[%dma_start3A_21, %mul3A_20] : memref<2x800000xi32, #tpu.memory_space<hbm>> -> memref<1x256xi32, #tpu.memory_space<hbm>>
    %dma_start3A_23 = tpu.memref_squeeze %dma_start3A_22 : memref<1x256xi32, #tpu.memory_space<hbm>> -> memref<256xi32, #tpu.memory_space<hbm>>
    %dma_start3A_24 = tpu.memref_slice %arg3[%dma_start3A_21, %mul3A_20] : memref<2x800000xi32, #tpu.memory_space<hbm>> -> memref<1x256xi32, #tpu.memory_space<hbm>>
    %dma_start3A_25 = tpu.memref_squeeze %dma_start3A_24 : memref<1x256xi32, #tpu.memory_space<hbm>> -> memref<256xi32, #tpu.memory_space<hbm>>
    tpu.enqueue_dma source(%dma_start3A_25 : memref<256xi32, #tpu.memory_space<hbm>>) target(%arg8 : memref<256xi32, #tpu.memory_space<vmem>>) target_semaphore(%arg17 : memref<!tpu.dma_semaphore, #tpu.memory_space<semaphore_mem>>)
    %dma_start3A_26 = arith.constant 1 : i32
    %dma_start3A_27 = tpu.memref_slice %arg3[%dma_start3A_26, %mul3A_20] : memref<2x800000xi32, #tpu.memory_space<hbm>> -> memref<1x256xi32, #tpu.memory_space<hbm>>
    %dma_start3A_28 = tpu.memref_squeeze %dma_start3A_27 : memref<1x256xi32, #tpu.memory_space<hbm>> -> memref<256xi32, #tpu.memory_space<hbm>>
    %dma_start3A_29 = tpu.memref_slice %arg3[%dma_start3A_26, %mul3A_20] : memref<2x800000xi32, #tpu.memory_space<hbm>> -> memref<1x256xi32, #tpu.memory_space<hbm>>
    %dma_start3A_30 = tpu.memref_squeeze %dma_start3A_29 : memref<1x256xi32, #tpu.memory_space<hbm>> -> memref<256xi32, #tpu.memory_space<hbm>>
    tpu.enqueue_dma source(%dma_start3A_30 : memref<256xi32, #tpu.memory_space<hbm>>) target(%arg11 : memref<256xi32, #tpu.memory_space<vmem>>) target_semaphore(%arg17 : memref<!tpu.dma_semaphore, #tpu.memory_space<semaphore_mem>>)
    %dma_wait3A = arith.constant 0 : i32
    %dma_wait3A_31 = arith.constant 0 : i32
    %dma_wait3A_32 = tpu.memref_slice %arg3[%dma_wait3A, %dma_wait3A_31] : memref<2x800000xi32, #tpu.memory_space<hbm>> -> memref<1x256xi32, #tpu.memory_space<hbm>>
    %dma_wait3A_33 = tpu.memref_squeeze %dma_wait3A_32 : memref<1x256xi32, #tpu.memory_space<hbm>> -> memref<256xi32, #tpu.memory_space<hbm>>
    %dma_wait3A_34 = arith.constant 0 : i32
    %dma_wait3A_35 = tpu.memref_slice %arg3[%dma_wait3A, %dma_wait3A_34] : memref<2x800000xi32, #tpu.memory_space<hbm>> -> memref<1x256xi32, #tpu.memory_space<hbm>>
    %dma_wait3A_36 = tpu.memref_squeeze %dma_wait3A_35 : memref<1x256xi32, #tpu.memory_space<hbm>> -> memref<256xi32, #tpu.memory_space<hbm>>
    tpu.wait_dma2 semaphore(%arg16 : memref<!tpu.dma_semaphore, #tpu.memory_space<semaphore_mem>>) src(%dma_wait3A_36 : memref<256xi32, #tpu.memory_space<hbm>>) dst(%arg7 : memref<256xi32, #tpu.memory_space<vmem>>)
    %dma_wait3A_37 = arith.constant 1 : i32
    %dma_wait3A_38 = arith.constant 0 : i32
    %dma_wait3A_39 = tpu.memref_slice %arg3[%dma_wait3A_37, %dma_wait3A_38] : memref<2x800000xi32, #tpu.memory_space<hbm>> -> memref<1x256xi32, #tpu.memory_space<hbm>>
    %dma_wait3A_40 = tpu.memref_squeeze %dma_wait3A_39 : memref<1x256xi32, #tpu.memory_space<hbm>> -> memref<256xi32, #tpu.memory_space<hbm>>
    %dma_wait3A_41 = arith.constant 0 : i32
    %dma_wait3A_42 = tpu.memref_slice %arg3[%dma_wait3A_37, %dma_wait3A_41] : memref<2x800000xi32, #tpu.memory_space<hbm>> -> memref<1x256xi32, #tpu.memory_space<hbm>>
    %dma_wait3A_43 = tpu.memref_squeeze %dma_wait3A_42 : memref<1x256xi32, #tpu.memory_space<hbm>> -> memref<256xi32, #tpu.memory_space<hbm>>
    tpu.wait_dma2 semaphore(%arg16 : memref<!tpu.dma_semaphore, #tpu.memory_space<semaphore_mem>>) src(%dma_wait3A_43 : memref<256xi32, #tpu.memory_space<hbm>>) dst(%arg10 : memref<256xi32, #tpu.memory_space<vmem>>)
    %scan3A = arith.constant 0 : i32
    %scan3A_44 = arith.constant 0 : i32
    %scan3A_45 = arith.constant 16 : i32
    %scan3A_46 = arith.addi %scan3A_44, %scan3A_45 : i32
    %scan3A_47 = arith.constant 1 : i32
    %scan3A_48 = scf.for %scan3A_76 = %scan3A_44 to %scan3A_46 step %scan3A_47 iter_args(%scan3A_77 = %scan3A) -> (i32)  : i32 {
      %mul3A_78 = arith.constant 16 : i32
      %mul3A_79 = arith.muli %scan3A_76, %mul3A_78 : i32
      %get3A = arith.index_cast %mul3A_79 : i32 to index
      %get3A_80 = tpu.vector_load %arg7[%get3A] {strides = array<i32>} : memref<256xi32, #tpu.memory_space<vmem>>, vector<16xi32>,
      %add3A_81 = arith.addi %get3A_80, %get3A_80 : vector<16xi32>
      %add3A_82 = arith.addi %add3A_81, %broadcast_in_dim3A : vector<16xi32>
      %mul3A_83 = arith.constant 16 : i32
      %mul3A_84 = arith.muli %scan3A_76, %mul3A_83 : i32
      %swap3A = arith.index_cast %mul3A_84 : i32 to index
      %swap3A_85 = tpu.vector_load %arg7[%swap3A] {strides = array<i32>} : memref<256xi32, #tpu.memory_space<vmem>>, vector<16xi32>,
      tpu.vector_store %arg7[%swap3A], %add3A_82 {strides = array<i32>} : memref<256xi32, #tpu.memory_space<vmem>>, vector<16xi32>,
      %scan3A_86 = arith.constant 0 : i32
      scf.yield %scan3A_86 : i32
    }
    %scan3A_49 = arith.constant 16 : i32
    %dma_start3A_50 = arith.constant 0 : i32
    %dma_start3A_51 = arith.constant 0 : i32
    %dma_start3A_52 = tpu.memref_slice %arg2[%dma_start3A_50, %dma_start3A_51] : memref<102400x32xf32, #tpu.memory_space<hbm>> -> memref<102400x32xf32, #tpu.memory_space<hbm>>
    tpu.enqueue_indirect_dma source(%dma_start3A_52 : memref<102400x32xf32, #tpu.memory_space<hbm>>) target(%arg13 : memref<256x32xf32, #tpu.memory_space<vmem>>) offsets(%arg7 : memref<256xi32, #tpu.memory_space<vmem>>) semaphore(%arg19 : memref<!tpu.dma_semaphore, #tpu.memory_space<semaphore_mem>>)
    %scan3A_53 = arith.constant 0 : i32
    %scan3A_54 = arith.constant 0 : i32
    %scan3A_55 = arith.constant 66 : i32
    %scan3A_56 = arith.addi %scan3A_54, %scan3A_55 : i32
    %scan3A_57 = arith.constant 1 : i32
    %scan3A_58 = scf.for %scan3A_76 = %scan3A_54 to %scan3A_56 step %scan3A_57 iter_args(%scan3A_77 = %scan3A_53) -> (i32)  : i32 {
      %mul3A_78 = arith.constant 3 : i32
      %mul3A_79 = arith.muli %mul3A_78, %scan3A_76 : i32
      %add3A_80 = arith.constant 0 : i32
      %add3A_81 = arith.addi %mul3A_79, %add3A_80 : i32
      %sub3A = arith.constant 1 : i32
      %sub3A_82 = arith.subi %add3A_3, %sub3A : i32
      %lt3A_83 = arith.cmpi slt, %add3A_81, %sub3A_82 : i32
      %convert_element_type3A = arith.extui %lt3A_83 : i1 to i32
      %cond3A = arith.constant 0 : i32
      %cond3A_84 = arith.cmpi ne, %convert_element_type3A, %cond3A : i32
      scf.if %cond3A_84 {
        %dma_wait3A_136 = arith.constant 0 : i32
        %dma_wait3A_137 = arith.constant 0 : i32
        %dma_wait3A_138 = tpu.memref_slice %arg3[%dma_wait3A_136, %dma_wait3A_137] : memref<2x800000xi32, #tpu.memory_space<hbm>> -> memref<1x256xi32, #tpu.memory_space<hbm>>
        %dma_wait3A_139 = tpu.memref_squeeze %dma_wait3A_138 : memref<1x256xi32, #tpu.memory_space<hbm>> -> memref<256xi32, #tpu.memory_space<hbm>>
        %dma_wait3A_140 = arith.constant 0 : i32
        %dma_wait3A_141 = tpu.memref_slice %arg3[%dma_wait3A_136, %dma_wait3A_140] : memref<2x800000xi32, #tpu.memory_space<hbm>> -> memref<1x256xi32, #tpu.memory_space<hbm>>
        %dma_wait3A_142 = tpu.memref_squeeze %dma_wait3A_141 : memref<1x256xi32, #tpu.memory_space<hbm>> -> memref<256xi32, #tpu.memory_space<hbm>>
        tpu.wait_dma2 semaphore(%arg17 : memref<!tpu.dma_semaphore, #tpu.memory_space<semaphore_mem>>) src(%dma_wait3A_142 : memref<256xi32, #tpu.memory_space<hbm>>) dst(%arg8 : memref<256xi32, #tpu.memory_space<vmem>>)
        %dma_wait3A_143 = arith.constant 1 : i32
        %dma_wait3A_144 = arith.constant 0 : i32
        %dma_wait3A_145 = tpu.memref_slice %arg3[%dma_wait3A_143, %dma_wait3A_144] : memref<2x800000xi32, #tpu.memory_space<hbm>> -> memref<1x256xi32, #tpu.memory_space<hbm>>
        %dma_wait3A_146 = tpu.memref_squeeze %dma_wait3A_145 : memref<1x256xi32, #tpu.memory_space<hbm>> -> memref<256xi32, #tpu.memory_space<hbm>>
        %dma_wait3A_147 = arith.constant 0 : i32
        %dma_wait3A_148 = tpu.memref_slice %arg3[%dma_wait3A_143, %dma_wait3A_147] : memref<2x800000xi32, #tpu.memory_space<hbm>> -> memref<1x256xi32, #tpu.memory_space<hbm>>
        %dma_wait3A_149 = tpu.memref_squeeze %dma_wait3A_148 : memref<1x256xi32, #tpu.memory_space<hbm>> -> memref<256xi32, #tpu.memory_space<hbm>>
        tpu.wait_dma2 semaphore(%arg17 : memref<!tpu.dma_semaphore, #tpu.memory_space<semaphore_mem>>) src(%dma_wait3A_149 : memref<256xi32, #tpu.memory_space<hbm>>) dst(%arg11 : memref<256xi32, #tpu.memory_space<vmem>>)
        %scan3A_150 = arith.constant 0 : i32
        %scan3A_151 = arith.constant 0 : i32
        %scan3A_152 = arith.constant 16 : i32
        %scan3A_153 = arith.addi %scan3A_151, %scan3A_152 : i32
        %scan3A_154 = arith.constant 1 : i32
        %scan3A_155 = scf.for %scan3A_160 = %scan3A_151 to %scan3A_153 step %scan3A_154 iter_args(%scan3A_161 = %scan3A_150) -> (i32)  : i32 {
          %mul3A_162 = arith.constant 16 : i32
          %mul3A_163 = arith.muli %scan3A_160, %mul3A_162 : i32
          %get3A = arith.index_cast %mul3A_163 : i32 to index
          %get3A_164 = tpu.vector_load %arg8[%get3A] {strides = array<i32>} : memref<256xi32, #tpu.memory_space<vmem>>, vector<16xi32>,
          %add3A_165 = arith.addi %get3A_164, %get3A_164 : vector<16xi32>
          %add3A_166 = arith.addi %add3A_165, %broadcast_in_dim3A : vector<16xi32>
          %mul3A_167 = arith.constant 16 : i32
          %mul3A_168 = arith.muli %scan3A_160, %mul3A_167 : i32
          %swap3A = arith.index_cast %mul3A_168 : i32 to index
          %swap3A_169 = tpu.vector_load %arg8[%swap3A] {strides = array<i32>} : memref<256xi32, #tpu.memory_space<vmem>>, vector<16xi32>,
          tpu.vector_store %arg8[%swap3A], %add3A_166 {strides = array<i32>} : memref<256xi32, #tpu.memory_space<vmem>>, vector<16xi32>,
          %scan3A_170 = arith.constant 0 : i32
          scf.yield %scan3A_170 : i32
        }
        %scan3A_156 = arith.constant 16 : i32
        %dma_start3A_157 = arith.constant 0 : i32
        %dma_start3A_158 = arith.constant 0 : i32
        %dma_start3A_159 = tpu.memref_slice %arg2[%dma_start3A_157, %dma_start3A_158] : memref<102400x32xf32, #tpu.memory_space<hbm>> -> memref<102400x32xf32, #tpu.memory_space<hbm>>
        tpu.enqueue_indirect_dma source(%dma_start3A_159 : memref<102400x32xf32, #tpu.memory_space<hbm>>) target(%arg14 : memref<256x32xf32, #tpu.memory_space<vmem>>) offsets(%arg8 : memref<256xi32, #tpu.memory_space<vmem>>) semaphore(%arg20 : memref<!tpu.dma_semaphore, #tpu.memory_space<semaphore_mem>>)
      } else {
      }
      %lt3A_85 = arith.cmpi slt, %add3A_81, %add3A_3 : i32
      %convert_element_type3A_86 = arith.extui %lt3A_85 : i1 to i32
      %cond3A_87 = arith.constant 0 : i32
      %cond3A_88 = arith.cmpi ne, %convert_element_type3A_86, %cond3A_87 : i32
      scf.if %cond3A_88 {
        %dma_wait3A_136 = arith.constant 0 : i32
        %dma_wait3A_137 = arith.constant 0 : i32
        %dma_wait3A_138 = tpu.memref_slice %arg2[%dma_wait3A_136, %dma_wait3A_137] : memref<102400x32xf32, #tpu.memory_space<hbm>> -> memref<102400x32xf32, #tpu.memory_space<hbm>>
        tpu.wait_indirect_dma semaphore(%arg19 : memref<!tpu.dma_semaphore, #tpu.memory_space<semaphore_mem>>) src(%dma_wait3A_138 : memref<102400x32xf32, #tpu.memory_space<hbm>>) dst(%arg13 : memref<256x32xf32, #tpu.memory_space<vmem>>)
        %dma_start3A_139 = arith.constant 0 : i32
        %dma_start3A_140 = arith.constant 0 : i32
        %dma_start3A_141 = tpu.memref_slice %arg6[%dma_start3A_139, %dma_start3A_140] : memref<51200x32xf32, #tpu.memory_space<vmem_shared>> -> memref<51200x32xf32, #tpu.memory_space<vmem_shared>>
        tpu.enqueue_indirect_dma source(%arg13 : memref<256x32xf32, #tpu.memory_space<vmem>>) target(%dma_start3A_141 : memref<51200x32xf32, #tpu.memory_space<vmem_shared>>) offsets(%arg10 : memref<256xi32, #tpu.memory_space<vmem>>) semaphore(%arg22 : memref<!tpu.dma_semaphore, #tpu.memory_space<semaphore_mem>>) {add = true}
      } else {
      }
      %sub3A_89 = arith.constant 2 : i32
      %sub3A_90 = arith.subi %add3A_3, %sub3A_89 : i32
      %lt3A_91 = arith.cmpi slt, %add3A_81, %sub3A_90 : i32
      %convert_element_type3A_92 = arith.extui %lt3A_91 : i1 to i32
      %cond3A_93 = arith.constant 0 : i32
      %cond3A_94 = arith.cmpi ne, %convert_element_type3A_92, %cond3A_93 : i32
      scf.if %cond3A_94 {
        %ge3A = arith.constant 1 : i32
        %ge3A_136 = arith.cmpi sge, %add3A_81, %ge3A : i32
        %convert_element_type3A_137 = arith.extui %ge3A_136 : i1 to i32
        %cond3A_138 = arith.constant 0 : i32
        %cond3A_139 = arith.cmpi ne, %convert_element_type3A_137, %cond3A_138 : i32
        scf.if %cond3A_139 {
          %dma_wait3A_157 = arith.constant 0 : i32
          %dma_wait3A_158 = arith.constant 0 : i32
          %dma_wait3A_159 = tpu.memref_slice %arg6[%dma_wait3A_157, %dma_wait3A_158] : memref<51200x32xf32, #tpu.memory_space<vmem_shared>> -> memref<51200x32xf32, #tpu.memory_space<vmem_shared>>
          tpu.wait_indirect_dma semaphore(%arg24 : memref<!tpu.dma_semaphore, #tpu.memory_space<semaphore_mem>>) src(%arg15 : memref<256x32xf32, #tpu.memory_space<vmem>>) dst(%dma_wait3A_159 : memref<51200x32xf32, #tpu.memory_space<vmem_shared>>)
        } else {
        }
        %add3A_140 = arith.constant 2 : i32
        %add3A_141 = arith.addi %add3A_81, %add3A_140 : i32
        %mul3A_142 = arith.constant 16 : i32
        %mul3A_143 = arith.muli %mul3A_142, %add3A_141 : i32
        %add3A_144 = arith.addi %arg1, %mul3A_143 : i32
        %mul3A_145 = arith.constant 256 : i32
        %mul3A_146 = arith.muli %add3A_144, %mul3A_145 : i32
        %dma_start3A_147 = arith.constant 0 : i32
        %dma_start3A_148 = tpu.memref_slice %arg3[%dma_start3A_147, %mul3A_146] : memref<2x800000xi32, #tpu.memory_space<hbm>> -> memref<1x256xi32, #tpu.memory_space<hbm>>
        %dma_start3A_149 = tpu.memref_squeeze %dma_start3A_148 : memref<1x256xi32, #tpu.memory_space<hbm>> -> memref<256xi32, #tpu.memory_space<hbm>>
        %dma_start3A_150 = tpu.memref_slice %arg3[%dma_start3A_147, %mul3A_146] : memref<2x800000xi32, #tpu.memory_space<hbm>> -> memref<1x256xi32, #tpu.memory_space<hbm>>
        %dma_start3A_151 = tpu.memref_squeeze %dma_start3A_150 : memref<1x256xi32, #tpu.memory_space<hbm>> -> memref<256xi32, #tpu.memory_space<hbm>>
        tpu.enqueue_dma source(%dma_start3A_151 : memref<256xi32, #tpu.memory_space<hbm>>) target(%arg9 : memref<256xi32, #tpu.memory_space<vmem>>) target_semaphore(%arg18 : memref<!tpu.dma_semaphore, #tpu.memory_space<semaphore_mem>>)
        %dma_start3A_152 = arith.constant 1 : i32
        %dma_start3A_153 = tpu.memref_slice %arg3[%dma_start3A_152, %mul3A_146] : memref<2x800000xi32, #tpu.memory_space<hbm>> -> memref<1x256xi32, #tpu.memory_space<hbm>>
        %dma_start3A_154 = tpu.memref_squeeze %dma_start3A_153 : memref<1x256xi32, #tpu.memory_space<hbm>> -> memref<256xi32, #tpu.memory_space<hbm>>
        %dma_start3A_155 = tpu.memref_slice %arg3[%dma_start3A_152, %mul3A_146] : memref<2x800000xi32, #tpu.memory_space<hbm>> -> memref<1x256xi32, #tpu.memory_space<hbm>>
        %dma_start3A_156 = tpu.memref_squeeze %dma_start3A_155 : memref<1x256xi32, #tpu.memory_space<hbm>> -> memref<256xi32, #tpu.memory_space<hbm>>
        tpu.enqueue_dma source(%dma_start3A_156 : memref<256xi32, #tpu.memory_space<hbm>>) target(%arg12 : memref<256xi32, #tpu.memory_space<vmem>>) target_semaphore(%arg18 : memref<!tpu.dma_semaphore, #tpu.memory_space<semaphore_mem>>)
      } else {
      }
      %mul3A_95 = arith.constant 3 : i32
      %mul3A_96 = arith.muli %mul3A_95, %scan3A_76 : i32
      %add3A_97 = arith.constant 1 : i32
      %add3A_98 = arith.addi %mul3A_96, %add3A_97 : i32
      %sub3A_99 = arith.constant 1 : i32
      %sub3A_100 = arith.subi %add3A_3, %sub3A_99 : i32
      %lt3A_101 = arith.cmpi slt, %add3A_98, %sub3A_100 : i32
      %convert_element_type3A_102 = arith.extui %lt3A_101 : i1 to i32
      %cond3A_103 = arith.constant 0 : i32
      %cond3A_104 = arith.cmpi ne, %convert_element_type3A_102, %cond3A_103 : i32
      scf.if %cond3A_104 {
        %dma_wait3A_136 = arith.constant 0 : i32
        %dma_wait3A_137 = arith.constant 0 : i32
        %dma_wait3A_138 = tpu.memref_slice %arg3[%dma_wait3A_136, %dma_wait3A_137] : memref<2x800000xi32, #tpu.memory_space<hbm>> -> memref<1x256xi32, #tpu.memory_space<hbm>>
        %dma_wait3A_139 = tpu.memref_squeeze %dma_wait3A_138 : memref<1x256xi32, #tpu.memory_space<hbm>> -> memref<256xi32, #tpu.memory_space<hbm>>
        %dma_wait3A_140 = arith.constant 0 : i32
        %dma_wait3A_141 = tpu.memref_slice %arg3[%dma_wait3A_136, %dma_wait3A_140] : memref<2x800000xi32, #tpu.memory_space<hbm>> -> memref<1x256xi32, #tpu.memory_space<hbm>>
        %dma_wait3A_142 = tpu.memref_squeeze %dma_wait3A_141 : memref<1x256xi32, #tpu.memory_space<hbm>> -> memref<256xi32, #tpu.memory_space<hbm>>
        tpu.wait_dma2 semaphore(%arg18 : memref<!tpu.dma_semaphore, #tpu.memory_space<semaphore_mem>>) src(%dma_wait3A_142 : memref<256xi32, #tpu.memory_space<hbm>>) dst(%arg9 : memref<256xi32, #tpu.memory_space<vmem>>)
        %dma_wait3A_143 = arith.constant 1 : i32
        %dma_wait3A_144 = arith.constant 0 : i32
        %dma_wait3A_145 = tpu.memref_slice %arg3[%dma_wait3A_143, %dma_wait3A_144] : memref<2x800000xi32, #tpu.memory_space<hbm>> -> memref<1x256xi32, #tpu.memory_space<hbm>>
        %dma_wait3A_146 = tpu.memref_squeeze %dma_wait3A_145 : memref<1x256xi32, #tpu.memory_space<hbm>> -> memref<256xi32, #tpu.memory_space<hbm>>
        %dma_wait3A_147 = arith.constant 0 : i32
        %dma_wait3A_148 = tpu.memref_slice %arg3[%dma_wait3A_143, %dma_wait3A_147] : memref<2x800000xi32, #tpu.memory_space<hbm>> -> memref<1x256xi32, #tpu.memory_space<hbm>>
        %dma_wait3A_149 = tpu.memref_squeeze %dma_wait3A_148 : memref<1x256xi32, #tpu.memory_space<hbm>> -> memref<256xi32, #tpu.memory_space<hbm>>
        tpu.wait_dma2 semaphore(%arg18 : memref<!tpu.dma_semaphore, #tpu.memory_space<semaphore_mem>>) src(%dma_wait3A_149 : memref<256xi32, #tpu.memory_space<hbm>>) dst(%arg12 : memref<256xi32, #tpu.memory_space<vmem>>)
        %scan3A_150 = arith.constant 0 : i32
        %scan3A_151 = arith.constant 0 : i32
        %scan3A_152 = arith.constant 16 : i32
        %scan3A_153 = arith.addi %scan3A_151, %scan3A_152 : i32
        %scan3A_154 = arith.constant 1 : i32
        %scan3A_155 = scf.for %scan3A_160 = %scan3A_151 to %scan3A_153 step %scan3A_154 iter_args(%scan3A_161 = %scan3A_150) -> (i32)  : i32 {
          %mul3A_162 = arith.constant 16 : i32
          %mul3A_163 = arith.muli %scan3A_160, %mul3A_162 : i32
          %get3A = arith.index_cast %mul3A_163 : i32 to index
          %get3A_164 = tpu.vector_load %arg9[%get3A] {strides = array<i32>} : memref<256xi32, #tpu.memory_space<vmem>>, vector<16xi32>,
          %add3A_165 = arith.addi %get3A_164, %get3A_164 : vector<16xi32>
          %add3A_166 = arith.addi %add3A_165, %broadcast_in_dim3A : vector<16xi32>
          %mul3A_167 = arith.constant 16 : i32
          %mul3A_168 = arith.muli %scan3A_160, %mul3A_167 : i32
          %swap3A = arith.index_cast %mul3A_168 : i32 to index
          %swap3A_169 = tpu.vector_load %arg9[%swap3A] {strides = array<i32>} : memref<256xi32, #tpu.memory_space<vmem>>, vector<16xi32>,
          tpu.vector_store %arg9[%swap3A], %add3A_166 {strides = array<i32>} : memref<256xi32, #tpu.memory_space<vmem>>, vector<16xi32>,
          %scan3A_170 = arith.constant 0 : i32
          scf.yield %scan3A_170 : i32
        }
        %scan3A_156 = arith.constant 16 : i32
        %dma_start3A_157 = arith.constant 0 : i32
        %dma_start3A_158 = arith.constant 0 : i32
        %dma_start3A_159 = tpu.memref_slice %arg2[%dma_start3A_157, %dma_start3A_158] : memref<102400x32xf32, #tpu.memory_space<hbm>> -> memref<102400x32xf32, #tpu.memory_space<hbm>>
        tpu.enqueue_indirect_dma source(%dma_start3A_159 : memref<102400x32xf32, #tpu.memory_space<hbm>>) target(%arg15 : memref<256x32xf32, #tpu.memory_space<vmem>>) offsets(%arg9 : memref<256xi32, #tpu.memory_space<vmem>>) semaphore(%arg21 : memref<!tpu.dma_semaphore, #tpu.memory_space<semaphore_mem>>)
      } else {
      }
      %lt3A_105 = arith.cmpi slt, %add3A_98, %add3A_3 : i32
      %convert_element_type3A_106 = arith.extui %lt3A_105 : i1 to i32
      %cond3A_107 = arith.constant 0 : i32
      %cond3A_108 = arith.cmpi ne, %convert_element_type3A_106, %cond3A_107 : i32
      scf.if %cond3A_108 {
        %dma_wait3A_136 = arith.constant 0 : i32
        %dma_wait3A_137 = arith.constant 0 : i32
        %dma_wait3A_138 = tpu.memref_slice %arg2[%dma_wait3A_136, %dma_wait3A_137] : memref<102400x32xf32, #tpu.memory_space<hbm>> -> memref<102400x32xf32, #tpu.memory_space<hbm>>
        tpu.wait_indirect_dma semaphore(%arg20 : memref<!tpu.dma_semaphore, #tpu.memory_space<semaphore_mem>>) src(%dma_wait3A_138 : memref<102400x32xf32, #tpu.memory_space<hbm>>) dst(%arg14 : memref<256x32xf32, #tpu.memory_space<vmem>>)
        %dma_start3A_139 = arith.constant 0 : i32
        %dma_start3A_140 = arith.constant 0 : i32
        %dma_start3A_141 = tpu.memref_slice %arg6[%dma_start3A_139, %dma_start3A_140] : memref<51200x32xf32, #tpu.memory_space<vmem_shared>> -> memref<51200x32xf32, #tpu.memory_space<vmem_shared>>
        tpu.enqueue_indirect_dma source(%arg14 : memref<256x32xf32, #tpu.memory_space<vmem>>) target(%dma_start3A_141 : memref<51200x32xf32, #tpu.memory_space<vmem_shared>>) offsets(%arg11 : memref<256xi32, #tpu.memory_space<vmem>>) semaphore(%arg23 : memref<!tpu.dma_semaphore, #tpu.memory_space<semaphore_mem>>) {add = true}
      } else {
      }
      %sub3A_109 = arith.constant 2 : i32
      %sub3A_110 = arith.subi %add3A_3, %sub3A_109 : i32
      %lt3A_111 = arith.cmpi slt, %add3A_98, %sub3A_110 : i32
      %convert_element_type3A_112 = arith.extui %lt3A_111 : i1 to i32
      %cond3A_113 = arith.constant 0 : i32
      %cond3A_114 = arith.cmpi ne, %convert_element_type3A_112, %cond3A_113 : i32
      scf.if %cond3A_114 {
        %ge3A = arith.constant 1 : i32
        %ge3A_136 = arith.cmpi sge, %add3A_98, %ge3A : i32
        %convert_element_type3A_137 = arith.extui %ge3A_136 : i1 to i32
        %cond3A_138 = arith.constant 0 : i32
        %cond3A_139 = arith.cmpi ne, %convert_element_type3A_137, %cond3A_138 : i32
        scf.if %cond3A_139 {
          %dma_wait3A_157 = arith.constant 0 : i32
          %dma_wait3A_158 = arith.constant 0 : i32
          %dma_wait3A_159 = tpu.memref_slice %arg6[%dma_wait3A_157, %dma_wait3A_158] : memref<51200x32xf32, #tpu.memory_space<vmem_shared>> -> memref<51200x32xf32, #tpu.memory_space<vmem_shared>>
          tpu.wait_indirect_dma semaphore(%arg22 : memref<!tpu.dma_semaphore, #tpu.memory_space<semaphore_mem>>) src(%arg13 : memref<256x32xf32, #tpu.memory_space<vmem>>) dst(%dma_wait3A_159 : memref<51200x32xf32, #tpu.memory_space<vmem_shared>>)
        } else {
        }
        %add3A_140 = arith.constant 2 : i32
        %add3A_141 = arith.addi %add3A_98, %add3A_140 : i32
        %mul3A_142 = arith.constant 16 : i32
        %mul3A_143 = arith.muli %mul3A_142, %add3A_141 : i32
        %add3A_144 = arith.addi %arg1, %mul3A_143 : i32
        %mul3A_145 = arith.constant 256 : i32
        %mul3A_146 = arith.muli %add3A_144, %mul3A_145 : i32
        %dma_start3A_147 = arith.constant 0 : i32
        %dma_start3A_148 = tpu.memref_slice %arg3[%dma_start3A_147, %mul3A_146] : memref<2x800000xi32, #tpu.memory_space<hbm>> -> memref<1x256xi32, #tpu.memory_space<hbm>>
        %dma_start3A_149 = tpu.memref_squeeze %dma_start3A_148 : memref<1x256xi32, #tpu.memory_space<hbm>> -> memref<256xi32, #tpu.memory_space<hbm>>
        %dma_start3A_150 = tpu.memref_slice %arg3[%dma_start3A_147, %mul3A_146] : memref<2x800000xi32, #tpu.memory_space<hbm>> -> memref<1x256xi32, #tpu.memory_space<hbm>>
        %dma_start3A_151 = tpu.memref_squeeze %dma_start3A_150 : memref<1x256xi32, #tpu.memory_space<hbm>> -> memref<256xi32, #tpu.memory_space<hbm>>
        tpu.enqueue_dma source(%dma_start3A_151 : memref<256xi32, #tpu.memory_space<hbm>>) target(%arg7 : memref<256xi32, #tpu.memory_space<vmem>>) target_semaphore(%arg16 : memref<!tpu.dma_semaphore, #tpu.memory_space<semaphore_mem>>)
        %dma_start3A_152 = arith.constant 1 : i32
        %dma_start3A_153 = tpu.memref_slice %arg3[%dma_start3A_152, %mul3A_146] : memref<2x800000xi32, #tpu.memory_space<hbm>> -> memref<1x256xi32, #tpu.memory_space<hbm>>
        %dma_start3A_154 = tpu.memref_squeeze %dma_start3A_153 : memref<1x256xi32, #tpu.memory_space<hbm>> -> memref<256xi32, #tpu.memory_space<hbm>>
        %dma_start3A_155 = tpu.memref_slice %arg3[%dma_start3A_152, %mul3A_146] : memref<2x800000xi32, #tpu.memory_space<hbm>> -> memref<1x256xi32, #tpu.memory_space<hbm>>
        %dma_start3A_156 = tpu.memref_squeeze %dma_start3A_155 : memref<1x256xi32, #tpu.memory_space<hbm>> -> memref<256xi32, #tpu.memory_space<hbm>>
        tpu.enqueue_dma source(%dma_start3A_156 : memref<256xi32, #tpu.memory_space<hbm>>) target(%arg10 : memref<256xi32, #tpu.memory_space<vmem>>) target_semaphore(%arg16 : memref<!tpu.dma_semaphore, #tpu.memory_space<semaphore_mem>>)
      } else {
      }
      %mul3A_115 = arith.constant 3 : i32
      %mul3A_116 = arith.muli %mul3A_115, %scan3A_76 : i32
      %add3A_117 = arith.constant 2 : i32
      %add3A_118 = arith.addi %mul3A_116, %add3A_117 : i32
      %sub3A_119 = arith.constant 1 : i32
      %sub3A_120 = arith.subi %add3A_3, %sub3A_119 : i32
      %lt3A_121 = arith.cmpi slt, %add3A_118, %sub3A_120 : i32
      %convert_element_type3A_122 = arith.extui %lt3A_121 : i1 to i32
      %cond3A_123 = arith.constant 0 : i32
      %cond3A_124 = arith.cmpi ne, %convert_element_type3A_122, %cond3A_123 : i32
      scf.if %cond3A_124 {
        %dma_wait3A_136 = arith.constant 0 : i32
        %dma_wait3A_137 = arith.constant 0 : i32
        %dma_wait3A_138 = tpu.memref_slice %arg3[%dma_wait3A_136, %dma_wait3A_137] : memref<2x800000xi32, #tpu.memory_space<hbm>> -> memref<1x256xi32, #tpu.memory_space<hbm>>
        %dma_wait3A_139 = tpu.memref_squeeze %dma_wait3A_138 : memref<1x256xi32, #tpu.memory_space<hbm>> -> memref<256xi32, #tpu.memory_space<hbm>>
        %dma_wait3A_140 = arith.constant 0 : i32
        %dma_wait3A_141 = tpu.memref_slice %arg3[%dma_wait3A_136, %dma_wait3A_140] : memref<2x800000xi32, #tpu.memory_space<hbm>> -> memref<1x256xi32, #tpu.memory_space<hbm>>
        %dma_wait3A_142 = tpu.memref_squeeze %dma_wait3A_141 : memref<1x256xi32, #tpu.memory_space<hbm>> -> memref<256xi32, #tpu.memory_space<hbm>>
        tpu.wait_dma2 semaphore(%arg16 : memref<!tpu.dma_semaphore, #tpu.memory_space<semaphore_mem>>) src(%dma_wait3A_142 : memref<256xi32, #tpu.memory_space<hbm>>) dst(%arg7 : memref<256xi32, #tpu.memory_space<vmem>>)
        %dma_wait3A_143 = arith.constant 1 : i32
        %dma_wait3A_144 = arith.constant 0 : i32
        %dma_wait3A_145 = tpu.memref_slice %arg3[%dma_wait3A_143, %dma_wait3A_144] : memref<2x800000xi32, #tpu.memory_space<hbm>> -> memref<1x256xi32, #tpu.memory_space<hbm>>
        %dma_wait3A_146 = tpu.memref_squeeze %dma_wait3A_145 : memref<1x256xi32, #tpu.memory_space<hbm>> -> memref<256xi32, #tpu.memory_space<hbm>>
        %dma_wait3A_147 = arith.constant 0 : i32
        %dma_wait3A_148 = tpu.memref_slice %arg3[%dma_wait3A_143, %dma_wait3A_147] : memref<2x800000xi32, #tpu.memory_space<hbm>> -> memref<1x256xi32, #tpu.memory_space<hbm>>
        %dma_wait3A_149 = tpu.memref_squeeze %dma_wait3A_148 : memref<1x256xi32, #tpu.memory_space<hbm>> -> memref<256xi32, #tpu.memory_space<hbm>>
        tpu.wait_dma2 semaphore(%arg16 : memref<!tpu.dma_semaphore, #tpu.memory_space<semaphore_mem>>) src(%dma_wait3A_149 : memref<256xi32, #tpu.memory_space<hbm>>) dst(%arg10 : memref<256xi32, #tpu.memory_space<vmem>>)
        %scan3A_150 = arith.constant 0 : i32
        %scan3A_151 = arith.constant 0 : i32
        %scan3A_152 = arith.constant 16 : i32
        %scan3A_153 = arith.addi %scan3A_151, %scan3A_152 : i32
        %scan3A_154 = arith.constant 1 : i32
        %scan3A_155 = scf.for %scan3A_160 = %scan3A_151 to %scan3A_153 step %scan3A_154 iter_args(%scan3A_161 = %scan3A_150) -> (i32)  : i32 {
          %mul3A_162 = arith.constant 16 : i32
          %mul3A_163 = arith.muli %scan3A_160, %mul3A_162 : i32
          %get3A = arith.index_cast %mul3A_163 : i32 to index
          %get3A_164 = tpu.vector_load %arg7[%get3A] {strides = array<i32>} : memref<256xi32, #tpu.memory_space<vmem>>, vector<16xi32>,
          %add3A_165 = arith.addi %get3A_164, %get3A_164 : vector<16xi32>
          %add3A_166 = arith.addi %add3A_165, %broadcast_in_dim3A : vector<16xi32>
          %mul3A_167 = arith.constant 16 : i32
          %mul3A_168 = arith.muli %scan3A_160, %mul3A_167 : i32
          %swap3A = arith.index_cast %mul3A_168 : i32 to index
          %swap3A_169 = tpu.vector_load %arg7[%swap3A] {strides = array<i32>} : memref<256xi32, #tpu.memory_space<vmem>>, vector<16xi32>,
          tpu.vector_store %arg7[%swap3A], %add3A_166 {strides = array<i32>} : memref<256xi32, #tpu.memory_space<vmem>>, vector<16xi32>,
          %scan3A_170 = arith.constant 0 : i32
          scf.yield %scan3A_170 : i32
        }
        %scan3A_156 = arith.constant 16 : i32
        %dma_start3A_157 = arith.constant 0 : i32
        %dma_start3A_158 = arith.constant 0 : i32
        %dma_start3A_159 = tpu.memref_slice %arg2[%dma_start3A_157, %dma_start3A_158] : memref<102400x32xf32, #tpu.memory_space<hbm>> -> memref<102400x32xf32, #tpu.memory_space<hbm>>
        tpu.enqueue_indirect_dma source(%dma_start3A_159 : memref<102400x32xf32, #tpu.memory_space<hbm>>) target(%arg13 : memref<256x32xf32, #tpu.memory_space<vmem>>) offsets(%arg7 : memref<256xi32, #tpu.memory_space<vmem>>) semaphore(%arg19 : memref<!tpu.dma_semaphore, #tpu.memory_space<semaphore_mem>>)
      } else {
      }
      %lt3A_125 = arith.cmpi slt, %add3A_118, %add3A_3 : i32
      %convert_element_type3A_126 = arith.extui %lt3A_125 : i1 to i32
      %cond3A_127 = arith.constant 0 : i32
      %cond3A_128 = arith.cmpi ne, %convert_element_type3A_126, %cond3A_127 : i32
      scf.if %cond3A_128 {
        %dma_wait3A_136 = arith.constant 0 : i32
        %dma_wait3A_137 = arith.constant 0 : i32
        %dma_wait3A_138 = tpu.memref_slice %arg2[%dma_wait3A_136, %dma_wait3A_137] : memref<102400x32xf32, #tpu.memory_space<hbm>> -> memref<102400x32xf32, #tpu.memory_space<hbm>>
        tpu.wait_indirect_dma semaphore(%arg21 : memref<!tpu.dma_semaphore, #tpu.memory_space<semaphore_mem>>) src(%dma_wait3A_138 : memref<102400x32xf32, #tpu.memory_space<hbm>>) dst(%arg15 : memref<256x32xf32, #tpu.memory_space<vmem>>)
        %dma_start3A_139 = arith.constant 0 : i32
        %dma_start3A_140 = arith.constant 0 : i32
        %dma_start3A_141 = tpu.memref_slice %arg6[%dma_start3A_139, %dma_start3A_140] : memref<51200x32xf32, #tpu.memory_space<vmem_shared>> -> memref<51200x32xf32, #tpu.memory_space<vmem_shared>>
        tpu.enqueue_indirect_dma source(%arg15 : memref<256x32xf32, #tpu.memory_space<vmem>>) target(%dma_start3A_141 : memref<51200x32xf32, #tpu.memory_space<vmem_shared>>) offsets(%arg12 : memref<256xi32, #tpu.memory_space<vmem>>) semaphore(%arg24 : memref<!tpu.dma_semaphore, #tpu.memory_space<semaphore_mem>>) {add = true}
      } else {
      }
      %sub3A_129 = arith.constant 2 : i32
      %sub3A_130 = arith.subi %add3A_3, %sub3A_129 : i32
      %lt3A_131 = arith.cmpi slt, %add3A_118, %sub3A_130 : i32
      %convert_element_type3A_132 = arith.extui %lt3A_131 : i1 to i32
      %cond3A_133 = arith.constant 0 : i32
      %cond3A_134 = arith.cmpi ne, %convert_element_type3A_132, %cond3A_133 : i32
      scf.if %cond3A_134 {
        %ge3A = arith.constant 1 : i32
        %ge3A_136 = arith.cmpi sge, %add3A_118, %ge3A : i32
        %convert_element_type3A_137 = arith.extui %ge3A_136 : i1 to i32
        %cond3A_138 = arith.constant 0 : i32
        %cond3A_139 = arith.cmpi ne, %convert_element_type3A_137, %cond3A_138 : i32
        scf.if %cond3A_139 {
          %dma_wait3A_157 = arith.constant 0 : i32
          %dma_wait3A_158 = arith.constant 0 : i32
          %dma_wait3A_159 = tpu.memref_slice %arg6[%dma_wait3A_157, %dma_wait3A_158] : memref<51200x32xf32, #tpu.memory_space<vmem_shared>> -> memref<51200x32xf32, #tpu.memory_space<vmem_shared>>
          tpu.wait_indirect_dma semaphore(%arg23 : memref<!tpu.dma_semaphore, #tpu.memory_space<semaphore_mem>>) src(%arg14 : memref<256x32xf32, #tpu.memory_space<vmem>>) dst(%dma_wait3A_159 : memref<51200x32xf32, #tpu.memory_space<vmem_shared>>)
        } else {
        }
        %add3A_140 = arith.constant 2 : i32
        %add3A_141 = arith.addi %add3A_118, %add3A_140 : i32
        %mul3A_142 = arith.constant 16 : i32
        %mul3A_143 = arith.muli %mul3A_142, %add3A_141 : i32
        %add3A_144 = arith.addi %arg1, %mul3A_143 : i32
        %mul3A_145 = arith.constant 256 : i32
        %mul3A_146 = arith.muli %add3A_144, %mul3A_145 : i32
        %dma_start3A_147 = arith.constant 0 : i32
        %dma_start3A_148 = tpu.memref_slice %arg3[%dma_start3A_147, %mul3A_146] : memref<2x800000xi32, #tpu.memory_space<hbm>> -> memref<1x256xi32, #tpu.memory_space<hbm>>
        %dma_start3A_149 = tpu.memref_squeeze %dma_start3A_148 : memref<1x256xi32, #tpu.memory_space<hbm>> -> memref<256xi32, #tpu.memory_space<hbm>>
        %dma_start3A_150 = tpu.memref_slice %arg3[%dma_start3A_147, %mul3A_146] : memref<2x800000xi32, #tpu.memory_space<hbm>> -> memref<1x256xi32, #tpu.memory_space<hbm>>
        %dma_start3A_151 = tpu.memref_squeeze %dma_start3A_150 : memref<1x256xi32, #tpu.memory_space<hbm>> -> memref<256xi32, #tpu.memory_space<hbm>>
        tpu.enqueue_dma source(%dma_start3A_151 : memref<256xi32, #tpu.memory_space<hbm>>) target(%arg8 : memref<256xi32, #tpu.memory_space<vmem>>) target_semaphore(%arg17 : memref<!tpu.dma_semaphore, #tpu.memory_space<semaphore_mem>>)
        %dma_start3A_152 = arith.constant 1 : i32
        %dma_start3A_153 = tpu.memref_slice %arg3[%dma_start3A_152, %mul3A_146] : memref<2x800000xi32, #tpu.memory_space<hbm>> -> memref<1x256xi32, #tpu.memory_space<hbm>>
        %dma_start3A_154 = tpu.memref_squeeze %dma_start3A_153 : memref<1x256xi32, #tpu.memory_space<hbm>> -> memref<256xi32, #tpu.memory_space<hbm>>
        %dma_start3A_155 = tpu.memref_slice %arg3[%dma_start3A_152, %mul3A_146] : memref<2x800000xi32, #tpu.memory_space<hbm>> -> memref<1x256xi32, #tpu.memory_space<hbm>>
        %dma_start3A_156 = tpu.memref_squeeze %dma_start3A_155 : memref<1x256xi32, #tpu.memory_space<hbm>> -> memref<256xi32, #tpu.memory_space<hbm>>
        tpu.enqueue_dma source(%dma_start3A_156 : memref<256xi32, #tpu.memory_space<hbm>>) target(%arg11 : memref<256xi32, #tpu.memory_space<vmem>>) target_semaphore(%arg17 : memref<!tpu.dma_semaphore, #tpu.memory_space<semaphore_mem>>)
      } else {
      }
      %scan3A_135 = arith.constant 0 : i32
      scf.yield %scan3A_135 : i32
    }
    %scan3A_59 = arith.constant 66 : i32
    %dma_wait3A_60 = arith.constant 0 : i32
    %dma_wait3A_61 = arith.constant 0 : i32
    %dma_wait3A_62 = tpu.memref_slice %arg6[%dma_wait3A_60, %dma_wait3A_61] : memref<51200x32xf32, #tpu.memory_space<vmem_shared>> -> memref<51200x32xf32, #tpu.memory_space<vmem_shared>>
    tpu.wait_indirect_dma semaphore(%arg22 : memref<!tpu.dma_semaphore, #tpu.memory_space<semaphore_mem>>) src(%arg13 : memref<256x32xf32, #tpu.memory_space<vmem>>) dst(%dma_wait3A_62 : memref<51200x32xf32, #tpu.memory_space<vmem_shared>>)
    %dma_wait3A_63 = arith.constant 0 : i32
    %dma_wait3A_64 = arith.constant 0 : i32
    %dma_wait3A_65 = tpu.memref_slice %arg6[%dma_wait3A_63, %dma_wait3A_64] : memref<51200x32xf32, #tpu.memory_space<vmem_shared>> -> memref<51200x32xf32, #tpu.memory_space<vmem_shared>>
    tpu.wait_indirect_dma semaphore(%arg23 : memref<!tpu.dma_semaphore, #tpu.memory_space<semaphore_mem>>) src(%arg14 : memref<256x32xf32, #tpu.memory_space<vmem>>) dst(%dma_wait3A_65 : memref<51200x32xf32, #tpu.memory_space<vmem_shared>>)
    %dma_wait3A_66 = arith.constant 0 : i32
    %dma_wait3A_67 = arith.constant 0 : i32
    %dma_wait3A_68 = tpu.memref_slice %arg6[%dma_wait3A_66, %dma_wait3A_67] : memref<51200x32xf32, #tpu.memory_space<vmem_shared>> -> memref<51200x32xf32, #tpu.memory_space<vmem_shared>>
    tpu.wait_indirect_dma semaphore(%arg24 : memref<!tpu.dma_semaphore, #tpu.memory_space<semaphore_mem>>) src(%arg15 : memref<256x32xf32, #tpu.memory_space<vmem>>) dst(%dma_wait3A_68 : memref<51200x32xf32, #tpu.memory_space<vmem_shared>>)
    %barrier3A_69 = arith.constant 0 : index
    tpu.barrier barrier_id(%barrier3A_69)
    %mul3A_70 = arith.constant 3200 : i32
    %mul3A_71 = arith.muli %arg1, %mul3A_70 : i32
    %mul3A_72 = arith.constant 3200 : i32
    %mul3A_73 = arith.muli %arg1, %mul3A_72 : i32
    %mul3A_74 = arith.constant 32 : i32
    %mul3A_75 = arith.muli %arg0, %mul3A_74 : i32
    "tpu.region"() ({
      %run_scoped3A = tpu.sem_alloc : memref<!tpu.dma_semaphore, #tpu.memory_space<semaphore_mem>>
      %dma_start3A_76 = tpu.memref_slice %arg5[%mul3A_73, %mul3A_75] : memref<51200x64xf32, #tpu.memory_space<hbm>> -> memref<3200x32xf32, #tpu.memory_space<hbm>>
      %dma_start3A_77 = arith.constant 0 : i32
      %dma_start3A_78 = tpu.memref_slice %arg6[%mul3A_71, %dma_start3A_77] : memref<51200x32xf32, #tpu.memory_space<vmem_shared>> -> memref<3200x32xf32, #tpu.memory_space<vmem_shared>>
      tpu.enqueue_dma source(%dma_start3A_78 : memref<3200x32xf32, #tpu.memory_space<vmem_shared>>) target(%dma_start3A_76 : memref<3200x32xf32, #tpu.memory_space<hbm>>) target_semaphore(%run_scoped3A : memref<!tpu.dma_semaphore, #tpu.memory_space<semaphore_mem>>)
      %dma_wait3A_79 = tpu.memref_slice %arg5[%mul3A_73, %mul3A_75] : memref<51200x64xf32, #tpu.memory_space<hbm>> -> memref<3200x32xf32, #tpu.memory_space<hbm>>
      %dma_wait3A_80 = arith.constant 0 : i32
      %dma_wait3A_81 = tpu.memref_slice %arg6[%mul3A_71, %dma_wait3A_80] : memref<51200x32xf32, #tpu.memory_space<vmem_shared>> -> memref<3200x32xf32, #tpu.memory_space<vmem_shared>>
      tpu.wait_dma2 semaphore(%run_scoped3A : memref<!tpu.dma_semaphore, #tpu.memory_space<semaphore_mem>>) src(%dma_wait3A_81 : memref<3200x32xf32, #tpu.memory_space<vmem_shared>>) dst(%dma_wait3A_79 : memref<3200x32xf32, #tpu.memory_space<hbm>>)
      tpu.yield
    }) : () -> ()
    return
  }
}

#map = affine_map<(d0, d1) -> (0, 0)>
#map1 = affine_map<(d0, d1) -> (0)>
#map2 = affine_map<(d0, d1) -> (0, 0, 0)>
module attributes {stable_mosaic.version = 14 : i64} {
  func.func @_deg_body(%arg0: i32, %arg1: i32, %arg2: memref<2x800000xi32, #tpu.memory_space<hbm>>, %arg3: memref<102400xi32, #tpu.memory_space<hbm>>, %arg4: memref<2x400x128xf32, #tpu.memory_space<hbm>>, %arg5: memref<4x25600xi32, #tpu.memory_space<hbm>>, %arg6: memref<25016xi32, #tpu.memory_space<vmem>>, %arg7: memref<400x128xf32, #tpu.memory_space<vmem>>, %arg8: memref<400xi32, #tpu.memory_space<vmem>>, %arg9: memref<6400xi32, #tpu.memory_space<vmem>>, %arg10: memref<4x1600xi32, #tpu.memory_space<vmem>>, %arg11: memref<400x128xf32, #tpu.memory_space<vmem_shared>>) attributes {dimension_semantics = [#tpu.dimension_semantics<core_parallel>, #tpu.dimension_semantics<subcore_parallel>], iteration_bounds = array<i64: 2, 16>, scalar_prefetch = 0 : i64, scratch_operands = 6 : i64, tpu.core_type = #tpu.core_type<sc_vector_subcore>, window_params = [{transform_indices = #map}, {transform_indices = #map1}, {transform_indices = #map2}, {transform_indices = #map}]} {
    %mul3A = arith.constant 2 : i32
    %mul3A_0 = arith.muli %arg1, %mul3A : i32
    %add3A = arith.addi %mul3A_0, %arg0 : i32
    %eq3A = arith.constant 0 : i32
    %eq3A_1 = arith.cmpi eq, %arg0, %eq3A : i32
    %convert_element_type3A = arith.extui %eq3A_1 : i1 to i32
    %cond3A = arith.constant 0 : i32
    %cond3A_2 = arith.cmpi ne, %convert_element_type3A, %cond3A : i32
    scf.if %cond3A_2 {
      %mul3A_53 = arith.constant 4 : i32
      %mul3A_54 = arith.muli %arg1, %mul3A_53 : i32
      %mul3A_55 = arith.constant 1600 : i32
      %mul3A_56 = arith.muli %mul3A_54, %mul3A_55 : i32
      "tpu.region"() ({
        %run_scoped3A_84 = tpu.sem_alloc : memref<!tpu.dma_semaphore, #tpu.memory_space<semaphore_mem>>
        %dma_start3A = tpu.memref_slice %arg3[%mul3A_56] : memref<102400xi32, #tpu.memory_space<hbm>> -> memref<6400xi32, #tpu.memory_space<hbm>>
        %dma_start3A_85 = tpu.memref_slice %arg3[%mul3A_56] : memref<102400xi32, #tpu.memory_space<hbm>> -> memref<6400xi32, #tpu.memory_space<hbm>>
        tpu.enqueue_dma source(%dma_start3A_85 : memref<6400xi32, #tpu.memory_space<hbm>>) target(%arg9 : memref<6400xi32, #tpu.memory_space<vmem>>) target_semaphore(%run_scoped3A_84 : memref<!tpu.dma_semaphore, #tpu.memory_space<semaphore_mem>>)
        %dma_wait3A = tpu.memref_slice %arg3[%mul3A_56] : memref<102400xi32, #tpu.memory_space<hbm>> -> memref<6400xi32, #tpu.memory_space<hbm>>
        %dma_wait3A_86 = tpu.memref_slice %arg3[%mul3A_56] : memref<102400xi32, #tpu.memory_space<hbm>> -> memref<6400xi32, #tpu.memory_space<hbm>>
        tpu.wait_dma2 semaphore(%run_scoped3A_84 : memref<!tpu.dma_semaphore, #tpu.memory_space<semaphore_mem>>) src(%dma_wait3A_86 : memref<6400xi32, #tpu.memory_space<hbm>>) dst(%arg9 : memref<6400xi32, #tpu.memory_space<vmem>>)
        tpu.yield
      }) : () -> ()
      %iota3A_57 = tpu.iota {dimensions = array<i32: 0>} : vector<16xi32>
      %mul3A_58 = arith.constant 4 : i32
      %mul3A_59 = vector.broadcast %mul3A_58 : i32 to vector<16xi32>
      %mul3A_60 = arith.muli %iota3A_57, %mul3A_59 : vector<16xi32>
      %scan3A_61 = arith.constant 0 : i32
      %scan3A_62 = arith.constant 0 : i32
      %scan3A_63 = arith.constant 100 : i32
      %scan3A_64 = arith.addi %scan3A_62, %scan3A_63 : i32
      %scan3A_65 = arith.constant 1 : i32
      %scan3A_66 = scf.for %scan3A_84 = %scan3A_62 to %scan3A_64 step %scan3A_65 iter_args(%scan3A_85 = %scan3A_61) -> (i32)  : i32 {
        %mul3A_86 = arith.constant 64 : i32
        %mul3A_87 = arith.muli %scan3A_84, %mul3A_86 : i32
        %add3A_88 = vector.broadcast %mul3A_87 : i32 to vector<16xi32>
        %add3A_89 = arith.addi %mul3A_60, %add3A_88 : vector<16xi32>
        %add3A_90 = arith.constant 0 : i32
        %add3A_91 = vector.broadcast %add3A_90 : i32 to vector<16xi32>
        %add3A_92 = arith.addi %add3A_89, %add3A_91 : vector<16xi32>
        %gather3A = tpu.vector_load_idx %arg9[%add3A_92] : memref<6400xi32, #tpu.memory_space<vmem>>[vector<16xi32>], vector<16xi32>,
        %mul3A_93 = arith.constant 16 : i32
        %mul3A_94 = arith.muli %scan3A_84, %mul3A_93 : i32
        %swap3A = arith.constant 0 : i32
        %swap3A_95 = arith.index_cast %swap3A : i32 to index
        %swap3A_96 = arith.index_cast %mul3A_94 : i32 to index
        %swap3A_97 = tpu.vector_load %arg10[%swap3A_95, %swap3A_96] {strides = array<i32>} : memref<4x1600xi32, #tpu.memory_space<vmem>>, vector<16xi32>,
        tpu.vector_store %arg10[%swap3A_95, %swap3A_96], %gather3A {strides = array<i32>} : memref<4x1600xi32, #tpu.memory_space<vmem>>, vector<16xi32>,
        %add3A_98 = arith.constant 2 : i32
        %add3A_99 = vector.broadcast %add3A_98 : i32 to vector<16xi32>
        %add3A_100 = arith.addi %add3A_89, %add3A_99 : vector<16xi32>
        %gather3A_101 = tpu.vector_load_idx %arg9[%add3A_100] : memref<6400xi32, #tpu.memory_space<vmem>>[vector<16xi32>], vector<16xi32>,
        %mul3A_102 = arith.constant 16 : i32
        %mul3A_103 = arith.muli %scan3A_84, %mul3A_102 : i32
        %swap3A_104 = arith.constant 1 : i32
        %swap3A_105 = arith.index_cast %swap3A_104 : i32 to index
        %swap3A_106 = arith.index_cast %mul3A_103 : i32 to index
        %swap3A_107 = tpu.vector_load %arg10[%swap3A_105, %swap3A_106] {strides = array<i32>} : memref<4x1600xi32, #tpu.memory_space<vmem>>, vector<16xi32>,
        tpu.vector_store %arg10[%swap3A_105, %swap3A_106], %gather3A_101 {strides = array<i32>} : memref<4x1600xi32, #tpu.memory_space<vmem>>, vector<16xi32>,
        %add3A_108 = arith.constant 1 : i32
        %add3A_109 = vector.broadcast %add3A_108 : i32 to vector<16xi32>
        %add3A_110 = arith.addi %add3A_89, %add3A_109 : vector<16xi32>
        %gather3A_111 = tpu.vector_load_idx %arg9[%add3A_110] : memref<6400xi32, #tpu.memory_space<vmem>>[vector<16xi32>], vector<16xi32>,
        %mul3A_112 = arith.constant 16 : i32
        %mul3A_113 = arith.muli %scan3A_84, %mul3A_112 : i32
        %swap3A_114 = arith.constant 2 : i32
        %swap3A_115 = arith.index_cast %swap3A_114 : i32 to index
        %swap3A_116 = arith.index_cast %mul3A_113 : i32 to index
        %swap3A_117 = tpu.vector_load %arg10[%swap3A_115, %swap3A_116] {strides = array<i32>} : memref<4x1600xi32, #tpu.memory_space<vmem>>, vector<16xi32>,
        tpu.vector_store %arg10[%swap3A_115, %swap3A_116], %gather3A_111 {strides = array<i32>} : memref<4x1600xi32, #tpu.memory_space<vmem>>, vector<16xi32>,
        %add3A_118 = arith.constant 3 : i32
        %add3A_119 = vector.broadcast %add3A_118 : i32 to vector<16xi32>
        %add3A_120 = arith.addi %add3A_89, %add3A_119 : vector<16xi32>
        %gather3A_121 = tpu.vector_load_idx %arg9[%add3A_120] : memref<6400xi32, #tpu.memory_space<vmem>>[vector<16xi32>], vector<16xi32>,
        %mul3A_122 = arith.constant 16 : i32
        %mul3A_123 = arith.muli %scan3A_84, %mul3A_122 : i32
        %swap3A_124 = arith.constant 3 : i32
        %swap3A_125 = arith.index_cast %swap3A_124 : i32 to index
        %swap3A_126 = arith.index_cast %mul3A_123 : i32 to index
        %swap3A_127 = tpu.vector_load %arg10[%swap3A_125, %swap3A_126] {strides = array<i32>} : memref<4x1600xi32, #tpu.memory_space<vmem>>, vector<16xi32>,
        tpu.vector_store %arg10[%swap3A_125, %swap3A_126], %gather3A_121 {strides = array<i32>} : memref<4x1600xi32, #tpu.memory_space<vmem>>, vector<16xi32>,
        %scan3A_128 = arith.constant 0 : i32
        scf.yield %scan3A_128 : i32
      }
      %scan3A_67 = arith.constant 100 : i32
      %mul3A_68 = arith.constant 1600 : i32
      %mul3A_69 = arith.muli %arg1, %mul3A_68 : i32
      %run_scoped3A_70 = arith.constant 0 : i32
      %run_scoped3A_71 = arith.constant 0 : i32
      "tpu.region"() ({
        %run_scoped3A_84 = tpu.sem_alloc : memref<!tpu.dma_semaphore, #tpu.memory_space<semaphore_mem>>
        %dma_start3A = arith.constant 0 : i32
        %dma_start3A_85 = tpu.memref_slice %arg10[%run_scoped3A_70, %dma_start3A] : memref<4x1600xi32, #tpu.memory_space<vmem>> -> memref<1x1600xi32, #tpu.memory_space<vmem>>
        %dma_start3A_86 = tpu.memref_squeeze %dma_start3A_85 : memref<1x1600xi32, #tpu.memory_space<vmem>> -> memref<1600xi32, #tpu.memory_space<vmem>>
        %dma_start3A_87 = tpu.memref_slice %arg5[%run_scoped3A_71, %mul3A_69] : memref<4x25600xi32, #tpu.memory_space<hbm>> -> memref<1x1600xi32, #tpu.memory_space<hbm>>
        %dma_start3A_88 = tpu.memref_squeeze %dma_start3A_87 : memref<1x1600xi32, #tpu.memory_space<hbm>> -> memref<1600xi32, #tpu.memory_space<hbm>>
        %dma_start3A_89 = tpu.memref_slice %arg5[%run_scoped3A_71, %mul3A_69] : memref<4x25600xi32, #tpu.memory_space<hbm>> -> memref<1x1600xi32, #tpu.memory_space<hbm>>
        %dma_start3A_90 = tpu.memref_squeeze %dma_start3A_89 : memref<1x1600xi32, #tpu.memory_space<hbm>> -> memref<1600xi32, #tpu.memory_space<hbm>>
        %dma_start3A_91 = arith.constant 0 : i32
        %dma_start3A_92 = tpu.memref_slice %arg10[%run_scoped3A_70, %dma_start3A_91] : memref<4x1600xi32, #tpu.memory_space<vmem>> -> memref<1x1600xi32, #tpu.memory_space<vmem>>
        %dma_start3A_93 = tpu.memref_squeeze %dma_start3A_92 : memref<1x1600xi32, #tpu.memory_space<vmem>> -> memref<1600xi32, #tpu.memory_space<vmem>>
        tpu.enqueue_dma source(%dma_start3A_93 : memref<1600xi32, #tpu.memory_space<vmem>>) target(%dma_start3A_90 : memref<1600xi32, #tpu.memory_space<hbm>>) target_semaphore(%run_scoped3A_84 : memref<!tpu.dma_semaphore, #tpu.memory_space<semaphore_mem>>)
        %dma_wait3A = arith.constant 0 : i32
        %dma_wait3A_94 = tpu.memref_slice %arg10[%run_scoped3A_70, %dma_wait3A] : memref<4x1600xi32, #tpu.memory_space<vmem>> -> memref<1x1600xi32, #tpu.memory_space<vmem>>
        %dma_wait3A_95 = tpu.memref_squeeze %dma_wait3A_94 : memref<1x1600xi32, #tpu.memory_space<vmem>> -> memref<1600xi32, #tpu.memory_space<vmem>>
        %dma_wait3A_96 = tpu.memref_slice %arg5[%run_scoped3A_71, %mul3A_69] : memref<4x25600xi32, #tpu.memory_space<hbm>> -> memref<1x1600xi32, #tpu.memory_space<hbm>>
        %dma_wait3A_97 = tpu.memref_squeeze %dma_wait3A_96 : memref<1x1600xi32, #tpu.memory_space<hbm>> -> memref<1600xi32, #tpu.memory_space<hbm>>
        %dma_wait3A_98 = tpu.memref_slice %arg5[%run_scoped3A_71, %mul3A_69] : memref<4x25600xi32, #tpu.memory_space<hbm>> -> memref<1x1600xi32, #tpu.memory_space<hbm>>
        %dma_wait3A_99 = tpu.memref_squeeze %dma_wait3A_98 : memref<1x1600xi32, #tpu.memory_space<hbm>> -> memref<1600xi32, #tpu.memory_space<hbm>>
        %dma_wait3A_100 = arith.constant 0 : i32
        %dma_wait3A_101 = tpu.memref_slice %arg10[%run_scoped3A_70, %dma_wait3A_100] : memref<4x1600xi32, #tpu.memory_space<vmem>> -> memref<1x1600xi32, #tpu.memory_space<vmem>>
        %dma_wait3A_102 = tpu.memref_squeeze %dma_wait3A_101 : memref<1x1600xi32, #tpu.memory_space<vmem>> -> memref<1600xi32, #tpu.memory_space<vmem>>
        tpu.wait_dma2 semaphore(%run_scoped3A_84 : memref<!tpu.dma_semaphore, #tpu.memory_space<semaphore_mem>>) src(%dma_wait3A_102 : memref<1600xi32, #tpu.memory_space<vmem>>) dst(%dma_wait3A_99 : memref<1600xi32, #tpu.memory_space<hbm>>)
        tpu.yield
      }) : () -> ()
      %mul3A_72 = arith.constant 1600 : i32
      %mul3A_73 = arith.muli %arg1, %mul3A_72 : i32
      %run_scoped3A_74 = arith.constant 1 : i32
      %run_scoped3A_75 = arith.constant 1 : i32
      "tpu.region"() ({
        %run_scoped3A_84 = tpu.sem_alloc : memref<!tpu.dma_semaphore, #tpu.memory_space<semaphore_mem>>
        %dma_start3A = arith.constant 0 : i32
        %dma_start3A_85 = tpu.memref_slice %arg10[%run_scoped3A_74, %dma_start3A] : memref<4x1600xi32, #tpu.memory_space<vmem>> -> memref<1x1600xi32, #tpu.memory_space<vmem>>
        %dma_start3A_86 = tpu.memref_squeeze %dma_start3A_85 : memref<1x1600xi32, #tpu.memory_space<vmem>> -> memref<1600xi32, #tpu.memory_space<vmem>>
        %dma_start3A_87 = tpu.memref_slice %arg5[%run_scoped3A_75, %mul3A_73] : memref<4x25600xi32, #tpu.memory_space<hbm>> -> memref<1x1600xi32, #tpu.memory_space<hbm>>
        %dma_start3A_88 = tpu.memref_squeeze %dma_start3A_87 : memref<1x1600xi32, #tpu.memory_space<hbm>> -> memref<1600xi32, #tpu.memory_space<hbm>>
        %dma_start3A_89 = tpu.memref_slice %arg5[%run_scoped3A_75, %mul3A_73] : memref<4x25600xi32, #tpu.memory_space<hbm>> -> memref<1x1600xi32, #tpu.memory_space<hbm>>
        %dma_start3A_90 = tpu.memref_squeeze %dma_start3A_89 : memref<1x1600xi32, #tpu.memory_space<hbm>> -> memref<1600xi32, #tpu.memory_space<hbm>>
        %dma_start3A_91 = arith.constant 0 : i32
        %dma_start3A_92 = tpu.memref_slice %arg10[%run_scoped3A_74, %dma_start3A_91] : memref<4x1600xi32, #tpu.memory_space<vmem>> -> memref<1x1600xi32, #tpu.memory_space<vmem>>
        %dma_start3A_93 = tpu.memref_squeeze %dma_start3A_92 : memref<1x1600xi32, #tpu.memory_space<vmem>> -> memref<1600xi32, #tpu.memory_space<vmem>>
        tpu.enqueue_dma source(%dma_start3A_93 : memref<1600xi32, #tpu.memory_space<vmem>>) target(%dma_start3A_90 : memref<1600xi32, #tpu.memory_space<hbm>>) target_semaphore(%run_scoped3A_84 : memref<!tpu.dma_semaphore, #tpu.memory_space<semaphore_mem>>)
        %dma_wait3A = arith.constant 0 : i32
        %dma_wait3A_94 = tpu.memref_slice %arg10[%run_scoped3A_74, %dma_wait3A] : memref<4x1600xi32, #tpu.memory_space<vmem>> -> memref<1x1600xi32, #tpu.memory_space<vmem>>
        %dma_wait3A_95 = tpu.memref_squeeze %dma_wait3A_94 : memref<1x1600xi32, #tpu.memory_space<vmem>> -> memref<1600xi32, #tpu.memory_space<vmem>>
        %dma_wait3A_96 = tpu.memref_slice %arg5[%run_scoped3A_75, %mul3A_73] : memref<4x25600xi32, #tpu.memory_space<hbm>> -> memref<1x1600xi32, #tpu.memory_space<hbm>>
        %dma_wait3A_97 = tpu.memref_squeeze %dma_wait3A_96 : memref<1x1600xi32, #tpu.memory_space<hbm>> -> memref<1600xi32, #tpu.memory_space<hbm>>
        %dma_wait3A_98 = tpu.memref_slice %arg5[%run_scoped3A_75, %mul3A_73] : memref<4x25600xi32, #tpu.memory_space<hbm>> -> memref<1x1600xi32, #tpu.memory_space<hbm>>
        %dma_wait3A_99 = tpu.memref_squeeze %dma_wait3A_98 : memref<1x1600xi32, #tpu.memory_space<hbm>> -> memref<1600xi32, #tpu.memory_space<hbm>>
        %dma_wait3A_100 = arith.constant 0 : i32
        %dma_wait3A_101 = tpu.memref_slice %arg10[%run_scoped3A_74, %dma_wait3A_100] : memref<4x1600xi32, #tpu.memory_space<vmem>> -> memref<1x1600xi32, #tpu.memory_space<vmem>>
        %dma_wait3A_102 = tpu.memref_squeeze %dma_wait3A_101 : memref<1x1600xi32, #tpu.memory_space<vmem>> -> memref<1600xi32, #tpu.memory_space<vmem>>
        tpu.wait_dma2 semaphore(%run_scoped3A_84 : memref<!tpu.dma_semaphore, #tpu.memory_space<semaphore_mem>>) src(%dma_wait3A_102 : memref<1600xi32, #tpu.memory_space<vmem>>) dst(%dma_wait3A_99 : memref<1600xi32, #tpu.memory_space<hbm>>)
        tpu.yield
      }) : () -> ()
      %mul3A_76 = arith.constant 1600 : i32
      %mul3A_77 = arith.muli %arg1, %mul3A_76 : i32
      %run_scoped3A_78 = arith.constant 2 : i32
      %run_scoped3A_79 = arith.constant 2 : i32
      "tpu.region"() ({
        %run_scoped3A_84 = tpu.sem_alloc : memref<!tpu.dma_semaphore, #tpu.memory_space<semaphore_mem>>
        %dma_start3A = arith.constant 0 : i32
        %dma_start3A_85 = tpu.memref_slice %arg10[%run_scoped3A_78, %dma_start3A] : memref<4x1600xi32, #tpu.memory_space<vmem>> -> memref<1x1600xi32, #tpu.memory_space<vmem>>
        %dma_start3A_86 = tpu.memref_squeeze %dma_start3A_85 : memref<1x1600xi32, #tpu.memory_space<vmem>> -> memref<1600xi32, #tpu.memory_space<vmem>>
        %dma_start3A_87 = tpu.memref_slice %arg5[%run_scoped3A_79, %mul3A_77] : memref<4x25600xi32, #tpu.memory_space<hbm>> -> memref<1x1600xi32, #tpu.memory_space<hbm>>
        %dma_start3A_88 = tpu.memref_squeeze %dma_start3A_87 : memref<1x1600xi32, #tpu.memory_space<hbm>> -> memref<1600xi32, #tpu.memory_space<hbm>>
        %dma_start3A_89 = tpu.memref_slice %arg5[%run_scoped3A_79, %mul3A_77] : memref<4x25600xi32, #tpu.memory_space<hbm>> -> memref<1x1600xi32, #tpu.memory_space<hbm>>
        %dma_start3A_90 = tpu.memref_squeeze %dma_start3A_89 : memref<1x1600xi32, #tpu.memory_space<hbm>> -> memref<1600xi32, #tpu.memory_space<hbm>>
        %dma_start3A_91 = arith.constant 0 : i32
        %dma_start3A_92 = tpu.memref_slice %arg10[%run_scoped3A_78, %dma_start3A_91] : memref<4x1600xi32, #tpu.memory_space<vmem>> -> memref<1x1600xi32, #tpu.memory_space<vmem>>
        %dma_start3A_93 = tpu.memref_squeeze %dma_start3A_92 : memref<1x1600xi32, #tpu.memory_space<vmem>> -> memref<1600xi32, #tpu.memory_space<vmem>>
        tpu.enqueue_dma source(%dma_start3A_93 : memref<1600xi32, #tpu.memory_space<vmem>>) target(%dma_start3A_90 : memref<1600xi32, #tpu.memory_space<hbm>>) target_semaphore(%run_scoped3A_84 : memref<!tpu.dma_semaphore, #tpu.memory_space<semaphore_mem>>)
        %dma_wait3A = arith.constant 0 : i32
        %dma_wait3A_94 = tpu.memref_slice %arg10[%run_scoped3A_78, %dma_wait3A] : memref<4x1600xi32, #tpu.memory_space<vmem>> -> memref<1x1600xi32, #tpu.memory_space<vmem>>
        %dma_wait3A_95 = tpu.memref_squeeze %dma_wait3A_94 : memref<1x1600xi32, #tpu.memory_space<vmem>> -> memref<1600xi32, #tpu.memory_space<vmem>>
        %dma_wait3A_96 = tpu.memref_slice %arg5[%run_scoped3A_79, %mul3A_77] : memref<4x25600xi32, #tpu.memory_space<hbm>> -> memref<1x1600xi32, #tpu.memory_space<hbm>>
        %dma_wait3A_97 = tpu.memref_squeeze %dma_wait3A_96 : memref<1x1600xi32, #tpu.memory_space<hbm>> -> memref<1600xi32, #tpu.memory_space<hbm>>
        %dma_wait3A_98 = tpu.memref_slice %arg5[%run_scoped3A_79, %mul3A_77] : memref<4x25600xi32, #tpu.memory_space<hbm>> -> memref<1x1600xi32, #tpu.memory_space<hbm>>
        %dma_wait3A_99 = tpu.memref_squeeze %dma_wait3A_98 : memref<1x1600xi32, #tpu.memory_space<hbm>> -> memref<1600xi32, #tpu.memory_space<hbm>>
        %dma_wait3A_100 = arith.constant 0 : i32
        %dma_wait3A_101 = tpu.memref_slice %arg10[%run_scoped3A_78, %dma_wait3A_100] : memref<4x1600xi32, #tpu.memory_space<vmem>> -> memref<1x1600xi32, #tpu.memory_space<vmem>>
        %dma_wait3A_102 = tpu.memref_squeeze %dma_wait3A_101 : memref<1x1600xi32, #tpu.memory_space<vmem>> -> memref<1600xi32, #tpu.memory_space<vmem>>
        tpu.wait_dma2 semaphore(%run_scoped3A_84 : memref<!tpu.dma_semaphore, #tpu.memory_space<semaphore_mem>>) src(%dma_wait3A_102 : memref<1600xi32, #tpu.memory_space<vmem>>) dst(%dma_wait3A_99 : memref<1600xi32, #tpu.memory_space<hbm>>)
        tpu.yield
      }) : () -> ()
      %mul3A_80 = arith.constant 1600 : i32
      %mul3A_81 = arith.muli %arg1, %mul3A_80 : i32
      %run_scoped3A_82 = arith.constant 3 : i32
      %run_scoped3A_83 = arith.constant 3 : i32
      "tpu.region"() ({
        %run_scoped3A_84 = tpu.sem_alloc : memref<!tpu.dma_semaphore, #tpu.memory_space<semaphore_mem>>
        %dma_start3A = arith.constant 0 : i32
        %dma_start3A_85 = tpu.memref_slice %arg10[%run_scoped3A_82, %dma_start3A] : memref<4x1600xi32, #tpu.memory_space<vmem>> -> memref<1x1600xi32, #tpu.memory_space<vmem>>
        %dma_start3A_86 = tpu.memref_squeeze %dma_start3A_85 : memref<1x1600xi32, #tpu.memory_space<vmem>> -> memref<1600xi32, #tpu.memory_space<vmem>>
        %dma_start3A_87 = tpu.memref_slice %arg5[%run_scoped3A_83, %mul3A_81] : memref<4x25600xi32, #tpu.memory_space<hbm>> -> memref<1x1600xi32, #tpu.memory_space<hbm>>
        %dma_start3A_88 = tpu.memref_squeeze %dma_start3A_87 : memref<1x1600xi32, #tpu.memory_space<hbm>> -> memref<1600xi32, #tpu.memory_space<hbm>>
        %dma_start3A_89 = tpu.memref_slice %arg5[%run_scoped3A_83, %mul3A_81] : memref<4x25600xi32, #tpu.memory_space<hbm>> -> memref<1x1600xi32, #tpu.memory_space<hbm>>
        %dma_start3A_90 = tpu.memref_squeeze %dma_start3A_89 : memref<1x1600xi32, #tpu.memory_space<hbm>> -> memref<1600xi32, #tpu.memory_space<hbm>>
        %dma_start3A_91 = arith.constant 0 : i32
        %dma_start3A_92 = tpu.memref_slice %arg10[%run_scoped3A_82, %dma_start3A_91] : memref<4x1600xi32, #tpu.memory_space<vmem>> -> memref<1x1600xi32, #tpu.memory_space<vmem>>
        %dma_start3A_93 = tpu.memref_squeeze %dma_start3A_92 : memref<1x1600xi32, #tpu.memory_space<vmem>> -> memref<1600xi32, #tpu.memory_space<vmem>>
        tpu.enqueue_dma source(%dma_start3A_93 : memref<1600xi32, #tpu.memory_space<vmem>>) target(%dma_start3A_90 : memref<1600xi32, #tpu.memory_space<hbm>>) target_semaphore(%run_scoped3A_84 : memref<!tpu.dma_semaphore, #tpu.memory_space<semaphore_mem>>)
        %dma_wait3A = arith.constant 0 : i32
        %dma_wait3A_94 = tpu.memref_slice %arg10[%run_scoped3A_82, %dma_wait3A] : memref<4x1600xi32, #tpu.memory_space<vmem>> -> memref<1x1600xi32, #tpu.memory_space<vmem>>
        %dma_wait3A_95 = tpu.memref_squeeze %dma_wait3A_94 : memref<1x1600xi32, #tpu.memory_space<vmem>> -> memref<1600xi32, #tpu.memory_space<vmem>>
        %dma_wait3A_96 = tpu.memref_slice %arg5[%run_scoped3A_83, %mul3A_81] : memref<4x25600xi32, #tpu.memory_space<hbm>> -> memref<1x1600xi32, #tpu.memory_space<hbm>>
        %dma_wait3A_97 = tpu.memref_squeeze %dma_wait3A_96 : memref<1x1600xi32, #tpu.memory_space<hbm>> -> memref<1600xi32, #tpu.memory_space<hbm>>
        %dma_wait3A_98 = tpu.memref_slice %arg5[%run_scoped3A_83, %mul3A_81] : memref<4x25600xi32, #tpu.memory_space<hbm>> -> memref<1x1600xi32, #tpu.memory_space<hbm>>
        %dma_wait3A_99 = tpu.memref_squeeze %dma_wait3A_98 : memref<1x1600xi32, #tpu.memory_space<hbm>> -> memref<1600xi32, #tpu.memory_space<hbm>>
        %dma_wait3A_100 = arith.constant 0 : i32
        %dma_wait3A_101 = tpu.memref_slice %arg10[%run_scoped3A_82, %dma_wait3A_100] : memref<4x1600xi32, #tpu.memory_space<vmem>> -> memref<1x1600xi32, #tpu.memory_space<vmem>>
        %dma_wait3A_102 = tpu.memref_squeeze %dma_wait3A_101 : memref<1x1600xi32, #tpu.memory_space<vmem>> -> memref<1600xi32, #tpu.memory_space<vmem>>
        tpu.wait_dma2 semaphore(%run_scoped3A_84 : memref<!tpu.dma_semaphore, #tpu.memory_space<semaphore_mem>>) src(%dma_wait3A_102 : memref<1600xi32, #tpu.memory_space<vmem>>) dst(%dma_wait3A_99 : memref<1600xi32, #tpu.memory_space<hbm>>)
        tpu.yield
      }) : () -> ()
    } else {
    }
    %broadcast_in_dim3A = arith.constant 0.000000e+00 : f32
    %broadcast_in_dim3A_3 = vector.broadcast %broadcast_in_dim3A : f32 to vector<16xf32>
    %broadcast_in_dim3A_4 = arith.constant 1.000000e+00 : f32
    %broadcast_in_dim3A_5 = vector.broadcast %broadcast_in_dim3A_4 : f32 to vector<16xf32>
    %scan3A = arith.constant 0 : i32
    %scan3A_6 = arith.constant 0 : i32
    %scan3A_7 = arith.constant 3200 : i32
    %scan3A_8 = arith.addi %scan3A_6, %scan3A_7 : i32
    %scan3A_9 = arith.constant 1 : i32
    %scan3A_10 = scf.for %scan3A_53 = %scan3A_6 to %scan3A_8 step %scan3A_9 iter_args(%scan3A_54 = %scan3A) -> (i32)  : i32 {
      %div3A = arith.constant 8 : i32
      %div3A_55 = arith.divsi %scan3A_53, %div3A : i32
      %rem3A = arith.constant 8 : i32
      %rem3A_56 = arith.remsi %scan3A_53, %rem3A : i32
      %mul3A_57 = arith.constant 16 : i32
      %mul3A_58 = arith.muli %rem3A_56, %mul3A_57 : i32
      %swap3A = arith.index_cast %div3A_55 : i32 to index
      %swap3A_59 = arith.index_cast %mul3A_58 : i32 to index
      %swap3A_60 = tpu.vector_load %arg7[%swap3A, %swap3A_59] {strides = array<i32>} : memref<400x128xf32, #tpu.memory_space<vmem>>, vector<16xf32>,
      tpu.vector_store %arg7[%swap3A, %swap3A_59], %broadcast_in_dim3A_3 {strides = array<i32>} : memref<400x128xf32, #tpu.memory_space<vmem>>, vector<16xf32>,
      %scan3A_61 = arith.constant 0 : i32
      scf.yield %scan3A_61 : i32
    }
    %scan3A_11 = arith.constant 3200 : i32
    %scan3A_12 = arith.constant 0 : i32
    %scan3A_13 = arith.constant 0 : i32
    %scan3A_14 = arith.constant 25 : i32
    %scan3A_15 = arith.addi %scan3A_13, %scan3A_14 : i32
    %scan3A_16 = arith.constant 1 : i32
    %scan3A_17 = scf.for %scan3A_53 = %scan3A_13 to %scan3A_15 step %scan3A_16 iter_args(%scan3A_54 = %scan3A_12) -> (i32)  : i32 {
      %iota3A_55 = tpu.iota {dimensions = array<i32: 0>} : vector<16xi32>
      %mul3A_56 = arith.constant 16 : i32
      %mul3A_57 = arith.muli %scan3A_53, %mul3A_56 : i32
      %add3A_58 = vector.broadcast %mul3A_57 : i32 to vector<16xi32>
      %add3A_59 = arith.addi %iota3A_55, %add3A_58 : vector<16xi32>
      %mul3A_60 = arith.constant 16 : i32
      %mul3A_61 = arith.muli %scan3A_53, %mul3A_60 : i32
      %swap3A = arith.index_cast %mul3A_61 : i32 to index
      %swap3A_62 = tpu.vector_load %arg8[%swap3A] {strides = array<i32>} : memref<400xi32, #tpu.memory_space<vmem>>, vector<16xi32>,
      tpu.vector_store %arg8[%swap3A], %add3A_59 {strides = array<i32>} : memref<400xi32, #tpu.memory_space<vmem>>, vector<16xi32>,
      %scan3A_63 = arith.constant 0 : i32
      scf.yield %scan3A_63 : i32
    }
    %scan3A_18 = arith.constant 25 : i32
    %mul3A_19 = arith.constant 25 : i32
    %mul3A_20 = arith.muli %arg1, %mul3A_19 : i32
    "tpu.region"() ({
      %run_scoped3A_53 = tpu.sem_alloc : memref<!tpu.dma_semaphore, #tpu.memory_space<semaphore_mem>>
      %dma_start3A = arith.constant 0 : i32
      %dma_start3A_54 = arith.constant 0 : i32
      %dma_start3A_55 = tpu.memref_slice %arg7[%dma_start3A, %dma_start3A_54] : memref<400x128xf32, #tpu.memory_space<vmem>> -> memref<25x128xf32, #tpu.memory_space<vmem>>
      %dma_start3A_56 = arith.constant 0 : i32
      %dma_start3A_57 = tpu.memref_slice %arg11[%mul3A_20, %dma_start3A_56] : memref<400x128xf32, #tpu.memory_space<vmem_shared>> -> memref<25x128xf32, #tpu.memory_space<vmem_shared>>
      %dma_start3A_58 = arith.constant 0 : i32
      %dma_start3A_59 = tpu.memref_slice %arg11[%mul3A_20, %dma_start3A_58] : memref<400x128xf32, #tpu.memory_space<vmem_shared>> -> memref<25x128xf32, #tpu.memory_space<vmem_shared>>
      %dma_start3A_60 = arith.constant 0 : i32
      %dma_start3A_61 = arith.constant 0 : i32
      %dma_start3A_62 = tpu.memref_slice %arg7[%dma_start3A_60, %dma_start3A_61] : memref<400x128xf32, #tpu.memory_space<vmem>> -> memref<25x128xf32, #tpu.memory_space<vmem>>
      tpu.enqueue_dma source(%dma_start3A_62 : memref<25x128xf32, #tpu.memory_space<vmem>>) target(%dma_start3A_59 : memref<25x128xf32, #tpu.memory_space<vmem_shared>>) target_semaphore(%run_scoped3A_53 : memref<!tpu.dma_semaphore, #tpu.memory_space<semaphore_mem>>)
      %dma_wait3A = arith.constant 0 : i32
      %dma_wait3A_63 = arith.constant 0 : i32
      %dma_wait3A_64 = tpu.memref_slice %arg7[%dma_wait3A, %dma_wait3A_63] : memref<400x128xf32, #tpu.memory_space<vmem>> -> memref<25x128xf32, #tpu.memory_space<vmem>>
      %dma_wait3A_65 = arith.constant 0 : i32
      %dma_wait3A_66 = tpu.memref_slice %arg11[%mul3A_20, %dma_wait3A_65] : memref<400x128xf32, #tpu.memory_space<vmem_shared>> -> memref<25x128xf32, #tpu.memory_space<vmem_shared>>
      %dma_wait3A_67 = arith.constant 0 : i32
      %dma_wait3A_68 = tpu.memref_slice %arg11[%mul3A_20, %dma_wait3A_67] : memref<400x128xf32, #tpu.memory_space<vmem_shared>> -> memref<25x128xf32, #tpu.memory_space<vmem_shared>>
      %dma_wait3A_69 = arith.constant 0 : i32
      %dma_wait3A_70 = arith.constant 0 : i32
      %dma_wait3A_71 = tpu.memref_slice %arg7[%dma_wait3A_69, %dma_wait3A_70] : memref<400x128xf32, #tpu.memory_space<vmem>> -> memref<25x128xf32, #tpu.memory_space<vmem>>
      tpu.wait_dma2 semaphore(%run_scoped3A_53 : memref<!tpu.dma_semaphore, #tpu.memory_space<semaphore_mem>>) src(%dma_wait3A_71 : memref<25x128xf32, #tpu.memory_space<vmem>>) dst(%dma_wait3A_68 : memref<25x128xf32, #tpu.memory_space<vmem_shared>>)
      tpu.yield
    }) : () -> ()
    %barrier3A = arith.constant 0 : index
    tpu.barrier barrier_id(%barrier3A)
    %mul3A_21 = arith.constant 25000 : i32
    %mul3A_22 = arith.muli %add3A, %mul3A_21 : i32
    %run_scoped3A = arith.constant 1 : i32
    "tpu.region"() ({
      %run_scoped3A_53 = tpu.sem_alloc : memref<!tpu.dma_semaphore, #tpu.memory_space<semaphore_mem>>
      %dma_start3A = arith.constant 0 : i32
      %dma_start3A_54 = tpu.memref_slice %arg6[%dma_start3A] : memref<25016xi32, #tpu.memory_space<vmem>> -> memref<25000xi32, #tpu.memory_space<vmem>>
      %dma_start3A_55 = tpu.memref_slice %arg2[%run_scoped3A, %mul3A_22] : memref<2x800000xi32, #tpu.memory_space<hbm>> -> memref<1x25000xi32, #tpu.memory_space<hbm>>
      %dma_start3A_56 = tpu.memref_squeeze %dma_start3A_55 : memref<1x25000xi32, #tpu.memory_space<hbm>> -> memref<25000xi32, #tpu.memory_space<hbm>>
      %dma_start3A_57 = arith.constant 0 : i32
      %dma_start3A_58 = tpu.memref_slice %arg6[%dma_start3A_57] : memref<25016xi32, #tpu.memory_space<vmem>> -> memref<25000xi32, #tpu.memory_space<vmem>>
      %dma_start3A_59 = tpu.memref_slice %arg2[%run_scoped3A, %mul3A_22] : memref<2x800000xi32, #tpu.memory_space<hbm>> -> memref<1x25000xi32, #tpu.memory_space<hbm>>
      %dma_start3A_60 = tpu.memref_squeeze %dma_start3A_59 : memref<1x25000xi32, #tpu.memory_space<hbm>> -> memref<25000xi32, #tpu.memory_space<hbm>>
      tpu.enqueue_dma source(%dma_start3A_60 : memref<25000xi32, #tpu.memory_space<hbm>>) target(%dma_start3A_58 : memref<25000xi32, #tpu.memory_space<vmem>>) target_semaphore(%run_scoped3A_53 : memref<!tpu.dma_semaphore, #tpu.memory_space<semaphore_mem>>)
      %dma_wait3A = arith.constant 0 : i32
      %dma_wait3A_61 = tpu.memref_slice %arg6[%dma_wait3A] : memref<25016xi32, #tpu.memory_space<vmem>> -> memref<25000xi32, #tpu.memory_space<vmem>>
      %dma_wait3A_62 = tpu.memref_slice %arg2[%run_scoped3A, %mul3A_22] : memref<2x800000xi32, #tpu.memory_space<hbm>> -> memref<1x25000xi32, #tpu.memory_space<hbm>>
      %dma_wait3A_63 = tpu.memref_squeeze %dma_wait3A_62 : memref<1x25000xi32, #tpu.memory_space<hbm>> -> memref<25000xi32, #tpu.memory_space<hbm>>
      %dma_wait3A_64 = arith.constant 0 : i32
      %dma_wait3A_65 = tpu.memref_slice %arg6[%dma_wait3A_64] : memref<25016xi32, #tpu.memory_space<vmem>> -> memref<25000xi32, #tpu.memory_space<vmem>>
      %dma_wait3A_66 = tpu.memref_slice %arg2[%run_scoped3A, %mul3A_22] : memref<2x800000xi32, #tpu.memory_space<hbm>> -> memref<1x25000xi32, #tpu.memory_space<hbm>>
      %dma_wait3A_67 = tpu.memref_squeeze %dma_wait3A_66 : memref<1x25000xi32, #tpu.memory_space<hbm>> -> memref<25000xi32, #tpu.memory_space<hbm>>
      tpu.wait_dma2 semaphore(%run_scoped3A_53 : memref<!tpu.dma_semaphore, #tpu.memory_space<semaphore_mem>>) src(%dma_wait3A_67 : memref<25000xi32, #tpu.memory_space<hbm>>) dst(%dma_wait3A_65 : memref<25000xi32, #tpu.memory_space<vmem>>)
      tpu.yield
    }) : () -> ()
    %scan3A_23 = arith.constant 0 : i32
    %scan3A_24 = arith.constant 0 : i32
    %scan3A_25 = arith.constant 1562 : i32
    %scan3A_26 = arith.addi %scan3A_24, %scan3A_25 : i32
    %scan3A_27 = arith.constant 1 : i32
    %scan3A_28 = scf.for %scan3A_53 = %scan3A_24 to %scan3A_26 step %scan3A_27 iter_args(%scan3A_54 = %scan3A_23) -> (i32)  : i32 {
      %mul3A_55 = arith.constant 16 : i32
      %mul3A_56 = arith.muli %scan3A_53, %mul3A_55 : i32
      %get3A_57 = arith.index_cast %mul3A_56 : i32 to index
      %get3A_58 = tpu.vector_load %arg6[%get3A_57] {strides = array<i32>} : memref<25016xi32, #tpu.memory_space<vmem>>, vector<16xi32>,
      %shift_right_logical3A_59 = arith.constant 1 : i32
      %shift_right_logical3A_60 = vector.broadcast %shift_right_logical3A_59 : i32 to vector<16xi32>
      %shift_right_logical3A_61 = arith.shrui %get3A_58, %shift_right_logical3A_60 : vector<16xi32>
      %and3A_62 = arith.constant 1 : i32
      %and3A_63 = vector.broadcast %and3A_62 : i32 to vector<16xi32>
      %and3A_64 = arith.andi %get3A_58, %and3A_63 : vector<16xi32>
      %mul3A_65 = arith.constant 25600 : i32
      %mul3A_66 = vector.broadcast %mul3A_65 : i32 to vector<16xi32>
      %mul3A_67 = arith.muli %and3A_64, %mul3A_66 : vector<16xi32>
      %add3A_68 = arith.addi %shift_right_logical3A_61, %mul3A_67 : vector<16xi32>
      %shift_right_logical3A_69 = arith.constant 7 : i32
      %shift_right_logical3A_70 = vector.broadcast %shift_right_logical3A_69 : i32 to vector<16xi32>
      %shift_right_logical3A_71 = arith.shrui %add3A_68, %shift_right_logical3A_70 : vector<16xi32>
      %and3A_72 = arith.constant 127 : i32
      %and3A_73 = vector.broadcast %and3A_72 : i32 to vector<16xi32>
      %and3A_74 = arith.andi %add3A_68, %and3A_73 : vector<16xi32>
      tpu.vector_store_idx %arg7[%shift_right_logical3A_71, %and3A_74], %broadcast_in_dim3A_5 {add = true} : memref<400x128xf32, #tpu.memory_space<vmem>>[vector<16xi32>, vector<16xi32>], vector<16xf32>,
      %scan3A_75 = arith.constant 0 : i32
      scf.yield %scan3A_75 : i32
    }
    %scan3A_29 = arith.constant 1562 : i32
    %get3A = arith.constant 24992 : index
    %get3A_30 = tpu.vector_load %arg6[%get3A] {strides = array<i32>} : memref<25016xi32, #tpu.memory_space<vmem>>, vector<16xi32>,
    %iota3A = tpu.iota {dimensions = array<i32: 0>} : vector<16xi32>
    %lt3A = arith.constant 8 : i32
    %lt3A_31 = vector.broadcast %lt3A : i32 to vector<16xi32>
    %lt3A_32 = arith.cmpi slt, %iota3A, %lt3A_31 : vector<16xi32>
    %shift_right_logical3A = arith.constant 1 : i32
    %shift_right_logical3A_33 = vector.broadcast %shift_right_logical3A : i32 to vector<16xi32>
    %shift_right_logical3A_34 = arith.shrui %get3A_30, %shift_right_logical3A_33 : vector<16xi32>
    %and3A = arith.constant 1 : i32
    %and3A_35 = vector.broadcast %and3A : i32 to vector<16xi32>
    %and3A_36 = arith.andi %get3A_30, %and3A_35 : vector<16xi32>
    %mul3A_37 = arith.constant 25600 : i32
    %mul3A_38 = vector.broadcast %mul3A_37 : i32 to vector<16xi32>
    %mul3A_39 = arith.muli %and3A_36, %mul3A_38 : vector<16xi32>
    %add3A_40 = arith.addi %shift_right_logical3A_34, %mul3A_39 : vector<16xi32>
    %shift_right_logical3A_41 = arith.constant 7 : i32
    %shift_right_logical3A_42 = vector.broadcast %shift_right_logical3A_41 : i32 to vector<16xi32>
    %shift_right_logical3A_43 = arith.shrui %add3A_40, %shift_right_logical3A_42 : vector<16xi32>
    %and3A_44 = arith.constant 127 : i32
    %and3A_45 = vector.broadcast %and3A_44 : i32 to vector<16xi32>
    %and3A_46 = arith.andi %add3A_40, %and3A_45 : vector<16xi32>
    tpu.vector_store_idx %arg7[%shift_right_logical3A_43, %and3A_46], %broadcast_in_dim3A_5 masked %lt3A_32 {add = true} : memref<400x128xf32, #tpu.memory_space<vmem>>[vector<16xi32>, vector<16xi32>], vector<16xf32>, vector<16xi1>
    %barrier3A_47 = arith.constant 0 : index
    tpu.barrier barrier_id(%barrier3A_47)
    "tpu.region"() ({
      %run_scoped3A_53 = tpu.sem_alloc : memref<!tpu.dma_semaphore, #tpu.memory_space<semaphore_mem>>
      %dma_start3A = arith.constant 0 : i32
      %dma_start3A_54 = arith.constant 0 : i32
      %dma_start3A_55 = tpu.memref_slice %arg11[%dma_start3A, %dma_start3A_54] : memref<400x128xf32, #tpu.memory_space<vmem_shared>> -> memref<400x128xf32, #tpu.memory_space<vmem_shared>>
      tpu.enqueue_indirect_dma source(%arg7 : memref<400x128xf32, #tpu.memory_space<vmem>>) target(%dma_start3A_55 : memref<400x128xf32, #tpu.memory_space<vmem_shared>>) offsets(%arg8 : memref<400xi32, #tpu.memory_space<vmem>>) semaphore(%run_scoped3A_53 : memref<!tpu.dma_semaphore, #tpu.memory_space<semaphore_mem>>) {add = true}
      %dma_wait3A = arith.constant 0 : i32
      %dma_wait3A_56 = arith.constant 0 : i32
      %dma_wait3A_57 = tpu.memref_slice %arg11[%dma_wait3A, %dma_wait3A_56] : memref<400x128xf32, #tpu.memory_space<vmem_shared>> -> memref<400x128xf32, #tpu.memory_space<vmem_shared>>
      tpu.wait_indirect_dma semaphore(%run_scoped3A_53 : memref<!tpu.dma_semaphore, #tpu.memory_space<semaphore_mem>>) src(%arg7 : memref<400x128xf32, #tpu.memory_space<vmem>>) dst(%dma_wait3A_57 : memref<400x128xf32, #tpu.memory_space<vmem_shared>>)
      tpu.yield
    }) : () -> ()
    %barrier3A_48 = arith.constant 0 : index
    tpu.barrier barrier_id(%barrier3A_48)
    %mul3A_49 = arith.constant 25 : i32
    %mul3A_50 = arith.muli %arg1, %mul3A_49 : i32
    %mul3A_51 = arith.constant 25 : i32
    %mul3A_52 = arith.muli %arg1, %mul3A_51 : i32
    "tpu.region"() ({
      %run_scoped3A_53 = tpu.sem_alloc : memref<!tpu.dma_semaphore, #tpu.memory_space<semaphore_mem>>
      %dma_start3A = arith.constant 0 : i32
      %dma_start3A_54 = tpu.memref_slice %arg4[%arg0, %mul3A_52, %dma_start3A] : memref<2x400x128xf32, #tpu.memory_space<hbm>> -> memref<1x25x128xf32, #tpu.memory_space<hbm>>
      %dma_start3A_55 = tpu.memref_squeeze %dma_start3A_54 : memref<1x25x128xf32, #tpu.memory_space<hbm>> -> memref<25x128xf32, #tpu.memory_space<hbm>>
      %dma_start3A_56 = arith.constant 0 : i32
      %dma_start3A_57 = tpu.memref_slice %arg11[%mul3A_50, %dma_start3A_56] : memref<400x128xf32, #tpu.memory_space<vmem_shared>> -> memref<25x128xf32, #tpu.memory_space<vmem_shared>>
      tpu.enqueue_dma source(%dma_start3A_57 : memref<25x128xf32, #tpu.memory_space<vmem_shared>>) target(%dma_start3A_55 : memref<25x128xf32, #tpu.memory_space<hbm>>) target_semaphore(%run_scoped3A_53 : memref<!tpu.dma_semaphore, #tpu.memory_space<semaphore_mem>>)
      %dma_wait3A = arith.constant 0 : i32
      %dma_wait3A_58 = tpu.memref_slice %arg4[%arg0, %mul3A_52, %dma_wait3A] : memref<2x400x128xf32, #tpu.memory_space<hbm>> -> memref<1x25x128xf32, #tpu.memory_space<hbm>>
      %dma_wait3A_59 = tpu.memref_squeeze %dma_wait3A_58 : memref<1x25x128xf32, #tpu.memory_space<hbm>> -> memref<25x128xf32, #tpu.memory_space<hbm>>
      %dma_wait3A_60 = arith.constant 0 : i32
      %dma_wait3A_61 = tpu.memref_slice %arg11[%mul3A_50, %dma_wait3A_60] : memref<400x128xf32, #tpu.memory_space<vmem_shared>> -> memref<25x128xf32, #tpu.memory_space<vmem_shared>>
      tpu.wait_dma2 semaphore(%run_scoped3A_53 : memref<!tpu.dma_semaphore, #tpu.memory_space<semaphore_mem>>) src(%dma_wait3A_61 : memref<25x128xf32, #tpu.memory_space<vmem_shared>>) dst(%dma_wait3A_59 : memref<25x128xf32, #tpu.memory_space<hbm>>)
      tpu.yield
    }) : () -> ()
    return
  }
}

#map = affine_map<(d0, d1) -> (0, 0)>
module attributes {stable_mosaic.version = 14 : i64} {
  func.func @_conv_body(%arg0: i32, %arg1: i32, %arg2: memref<102400x32xf32, #tpu.memory_space<hbm>>, %arg3: memref<2x800000xi32, #tpu.memory_space<hbm>>, %arg4: memref<3200x32xf32, #tpu.memory_space<hbm>>, %arg5: memref<51200x64xf32, #tpu.memory_space<hbm>>, %arg6: memref<51200x32xf32, #tpu.memory_space<vmem_shared>>, %arg7: memref<256xi32, #tpu.memory_space<vmem>>, %arg8: memref<256xi32, #tpu.memory_space<vmem>>, %arg9: memref<256xi32, #tpu.memory_space<vmem>>, %arg10: memref<256xi32, #tpu.memory_space<vmem>>, %arg11: memref<256xi32, #tpu.memory_space<vmem>>, %arg12: memref<256xi32, #tpu.memory_space<vmem>>, %arg13: memref<256x32xf32, #tpu.memory_space<vmem>>, %arg14: memref<256x32xf32, #tpu.memory_space<vmem>>, %arg15: memref<256x32xf32, #tpu.memory_space<vmem>>, %arg16: memref<!tpu.dma_semaphore, #tpu.memory_space<semaphore_mem>>, %arg17: memref<!tpu.dma_semaphore, #tpu.memory_space<semaphore_mem>>, %arg18: memref<!tpu.dma_semaphore, #tpu.memory_space<semaphore_mem>>, %arg19: memref<!tpu.dma_semaphore, #tpu.memory_space<semaphore_mem>>, %arg20: memref<!tpu.dma_semaphore, #tpu.memory_space<semaphore_mem>>, %arg21: memref<!tpu.dma_semaphore, #tpu.memory_space<semaphore_mem>>, %arg22: memref<!tpu.dma_semaphore, #tpu.memory_space<semaphore_mem>>, %arg23: memref<!tpu.dma_semaphore, #tpu.memory_space<semaphore_mem>>, %arg24: memref<!tpu.dma_semaphore, #tpu.memory_space<semaphore_mem>>) attributes {dimension_semantics = [#tpu.dimension_semantics<core_parallel>, #tpu.dimension_semantics<subcore_parallel>], iteration_bounds = array<i64: 2, 16>, scalar_prefetch = 0 : i64, scratch_operands = 19 : i64, tpu.core_type = #tpu.core_type<sc_vector_subcore>, window_params = [{transform_indices = #map}, {transform_indices = #map}, {transform_indices = #map}, {transform_indices = #map}]} {
    %mul3A = arith.constant 3200 : i32
    %mul3A_0 = arith.muli %arg1, %mul3A : i32
    "tpu.region"() ({
      %run_scoped3A = tpu.sem_alloc : memref<!tpu.dma_semaphore, #tpu.memory_space<semaphore_mem>>
      %dma_start3A_76 = arith.constant 0 : i32
      %dma_start3A_77 = tpu.memref_slice %arg6[%mul3A_0, %dma_start3A_76] : memref<51200x32xf32, #tpu.memory_space<vmem_shared>> -> memref<3200x32xf32, #tpu.memory_space<vmem_shared>>
      tpu.enqueue_dma source(%arg4 : memref<3200x32xf32, #tpu.memory_space<hbm>>) target(%dma_start3A_77 : memref<3200x32xf32, #tpu.memory_space<vmem_shared>>) target_semaphore(%run_scoped3A : memref<!tpu.dma_semaphore, #tpu.memory_space<semaphore_mem>>)
      %dma_wait3A_78 = arith.constant 0 : i32
      %dma_wait3A_79 = tpu.memref_slice %arg6[%mul3A_0, %dma_wait3A_78] : memref<51200x32xf32, #tpu.memory_space<vmem_shared>> -> memref<3200x32xf32, #tpu.memory_space<vmem_shared>>
      tpu.wait_dma2 semaphore(%run_scoped3A : memref<!tpu.dma_semaphore, #tpu.memory_space<semaphore_mem>>) src(%arg4 : memref<3200x32xf32, #tpu.memory_space<hbm>>) dst(%dma_wait3A_79 : memref<3200x32xf32, #tpu.memory_space<vmem_shared>>)
      tpu.yield
    }) : () -> ()
    %barrier3A = arith.constant 0 : index
    tpu.barrier barrier_id(%barrier3A)
    %lt3A = arith.constant 5 : i32
    %lt3A_1 = arith.cmpi slt, %arg1, %lt3A : i32
    %jit3A = arith.constant 1 : i32
    %jit3A_2 = arith.constant 0 : i32
    %select_n3A = arith.select %lt3A_1, %jit3A, %jit3A_2 : i32
    %add3A = arith.constant 195 : i32
    %add3A_3 = arith.addi %add3A, %select_n3A : i32
    %broadcast_in_dim3A = vector.broadcast %arg0 : i32 to vector<16xi32>
    %add3A_4 = arith.constant 0 : i32
    %add3A_5 = arith.addi %arg1, %add3A_4 : i32
    %mul3A_6 = arith.constant 256 : i32
    %mul3A_7 = arith.muli %add3A_5, %mul3A_6 : i32
    %dma_start3A = arith.constant 0 : i32
    %dma_start3A_8 = tpu.memref_slice %arg3[%dma_start3A, %mul3A_7] : memref<2x800000xi32, #tpu.memory_space<hbm>> -> memref<1x256xi32, #tpu.memory_space<hbm>>
    %dma_start3A_9 = tpu.memref_squeeze %dma_start3A_8 : memref<1x256xi32, #tpu.memory_space<hbm>> -> memref<256xi32, #tpu.memory_space<hbm>>
    %dma_start3A_10 = tpu.memref_slice %arg3[%dma_start3A, %mul3A_7] : memref<2x800000xi32, #tpu.memory_space<hbm>> -> memref<1x256xi32, #tpu.memory_space<hbm>>
    %dma_start3A_11 = tpu.memref_squeeze %dma_start3A_10 : memref<1x256xi32, #tpu.memory_space<hbm>> -> memref<256xi32, #tpu.memory_space<hbm>>
    tpu.enqueue_dma source(%dma_start3A_11 : memref<256xi32, #tpu.memory_space<hbm>>) target(%arg7 : memref<256xi32, #tpu.memory_space<vmem>>) target_semaphore(%arg16 : memref<!tpu.dma_semaphore, #tpu.memory_space<semaphore_mem>>)
    %dma_start3A_12 = arith.constant 1 : i32
    %dma_start3A_13 = tpu.memref_slice %arg3[%dma_start3A_12, %mul3A_7] : memref<2x800000xi32, #tpu.memory_space<hbm>> -> memref<1x256xi32, #tpu.memory_space<hbm>>
    %dma_start3A_14 = tpu.memref_squeeze %dma_start3A_13 : memref<1x256xi32, #tpu.memory_space<hbm>> -> memref<256xi32, #tpu.memory_space<hbm>>
    %dma_start3A_15 = tpu.memref_slice %arg3[%dma_start3A_12, %mul3A_7] : memref<2x800000xi32, #tpu.memory_space<hbm>> -> memref<1x256xi32, #tpu.memory_space<hbm>>
    %dma_start3A_16 = tpu.memref_squeeze %dma_start3A_15 : memref<1x256xi32, #tpu.memory_space<hbm>> -> memref<256xi32, #tpu.memory_space<hbm>>
    tpu.enqueue_dma source(%dma_start3A_16 : memref<256xi32, #tpu.memory_space<hbm>>) target(%arg10 : memref<256xi32, #tpu.memory_space<vmem>>) target_semaphore(%arg16 : memref<!tpu.dma_semaphore, #tpu.memory_space<semaphore_mem>>)
    %add3A_17 = arith.constant 16 : i32
    %add3A_18 = arith.addi %arg1, %add3A_17 : i32
    %mul3A_19 = arith.constant 256 : i32
    %mul3A_20 = arith.muli %add3A_18, %mul3A_19 : i32
    %dma_start3A_21 = arith.constant 0 : i32
    %dma_start3A_22 = tpu.memref_slice %arg3[%dma_start3A_21, %mul3A_20] : memref<2x800000xi32, #tpu.memory_space<hbm>> -> memref<1x256xi32, #tpu.memory_space<hbm>>
    %dma_start3A_23 = tpu.memref_squeeze %dma_start3A_22 : memref<1x256xi32, #tpu.memory_space<hbm>> -> memref<256xi32, #tpu.memory_space<hbm>>
    %dma_start3A_24 = tpu.memref_slice %arg3[%dma_start3A_21, %mul3A_20] : memref<2x800000xi32, #tpu.memory_space<hbm>> -> memref<1x256xi32, #tpu.memory_space<hbm>>
    %dma_start3A_25 = tpu.memref_squeeze %dma_start3A_24 : memref<1x256xi32, #tpu.memory_space<hbm>> -> memref<256xi32, #tpu.memory_space<hbm>>
    tpu.enqueue_dma source(%dma_start3A_25 : memref<256xi32, #tpu.memory_space<hbm>>) target(%arg8 : memref<256xi32, #tpu.memory_space<vmem>>) target_semaphore(%arg17 : memref<!tpu.dma_semaphore, #tpu.memory_space<semaphore_mem>>)
    %dma_start3A_26 = arith.constant 1 : i32
    %dma_start3A_27 = tpu.memref_slice %arg3[%dma_start3A_26, %mul3A_20] : memref<2x800000xi32, #tpu.memory_space<hbm>> -> memref<1x256xi32, #tpu.memory_space<hbm>>
    %dma_start3A_28 = tpu.memref_squeeze %dma_start3A_27 : memref<1x256xi32, #tpu.memory_space<hbm>> -> memref<256xi32, #tpu.memory_space<hbm>>
    %dma_start3A_29 = tpu.memref_slice %arg3[%dma_start3A_26, %mul3A_20] : memref<2x800000xi32, #tpu.memory_space<hbm>> -> memref<1x256xi32, #tpu.memory_space<hbm>>
    %dma_start3A_30 = tpu.memref_squeeze %dma_start3A_29 : memref<1x256xi32, #tpu.memory_space<hbm>> -> memref<256xi32, #tpu.memory_space<hbm>>
    tpu.enqueue_dma source(%dma_start3A_30 : memref<256xi32, #tpu.memory_space<hbm>>) target(%arg11 : memref<256xi32, #tpu.memory_space<vmem>>) target_semaphore(%arg17 : memref<!tpu.dma_semaphore, #tpu.memory_space<semaphore_mem>>)
    %dma_wait3A = arith.constant 0 : i32
    %dma_wait3A_31 = arith.constant 0 : i32
    %dma_wait3A_32 = tpu.memref_slice %arg3[%dma_wait3A, %dma_wait3A_31] : memref<2x800000xi32, #tpu.memory_space<hbm>> -> memref<1x256xi32, #tpu.memory_space<hbm>>
    %dma_wait3A_33 = tpu.memref_squeeze %dma_wait3A_32 : memref<1x256xi32, #tpu.memory_space<hbm>> -> memref<256xi32, #tpu.memory_space<hbm>>
    %dma_wait3A_34 = arith.constant 0 : i32
    %dma_wait3A_35 = tpu.memref_slice %arg3[%dma_wait3A, %dma_wait3A_34] : memref<2x800000xi32, #tpu.memory_space<hbm>> -> memref<1x256xi32, #tpu.memory_space<hbm>>
    %dma_wait3A_36 = tpu.memref_squeeze %dma_wait3A_35 : memref<1x256xi32, #tpu.memory_space<hbm>> -> memref<256xi32, #tpu.memory_space<hbm>>
    tpu.wait_dma2 semaphore(%arg16 : memref<!tpu.dma_semaphore, #tpu.memory_space<semaphore_mem>>) src(%dma_wait3A_36 : memref<256xi32, #tpu.memory_space<hbm>>) dst(%arg7 : memref<256xi32, #tpu.memory_space<vmem>>)
    %dma_wait3A_37 = arith.constant 1 : i32
    %dma_wait3A_38 = arith.constant 0 : i32
    %dma_wait3A_39 = tpu.memref_slice %arg3[%dma_wait3A_37, %dma_wait3A_38] : memref<2x800000xi32, #tpu.memory_space<hbm>> -> memref<1x256xi32, #tpu.memory_space<hbm>>
    %dma_wait3A_40 = tpu.memref_squeeze %dma_wait3A_39 : memref<1x256xi32, #tpu.memory_space<hbm>> -> memref<256xi32, #tpu.memory_space<hbm>>
    %dma_wait3A_41 = arith.constant 0 : i32
    %dma_wait3A_42 = tpu.memref_slice %arg3[%dma_wait3A_37, %dma_wait3A_41] : memref<2x800000xi32, #tpu.memory_space<hbm>> -> memref<1x256xi32, #tpu.memory_space<hbm>>
    %dma_wait3A_43 = tpu.memref_squeeze %dma_wait3A_42 : memref<1x256xi32, #tpu.memory_space<hbm>> -> memref<256xi32, #tpu.memory_space<hbm>>
    tpu.wait_dma2 semaphore(%arg16 : memref<!tpu.dma_semaphore, #tpu.memory_space<semaphore_mem>>) src(%dma_wait3A_43 : memref<256xi32, #tpu.memory_space<hbm>>) dst(%arg10 : memref<256xi32, #tpu.memory_space<vmem>>)
    %scan3A = arith.constant 0 : i32
    %scan3A_44 = arith.constant 0 : i32
    %scan3A_45 = arith.constant 16 : i32
    %scan3A_46 = arith.addi %scan3A_44, %scan3A_45 : i32
    %scan3A_47 = arith.constant 1 : i32
    %scan3A_48 = scf.for %scan3A_76 = %scan3A_44 to %scan3A_46 step %scan3A_47 iter_args(%scan3A_77 = %scan3A) -> (i32)  : i32 {
      %mul3A_78 = arith.constant 16 : i32
      %mul3A_79 = arith.muli %scan3A_76, %mul3A_78 : i32
      %get3A = arith.index_cast %mul3A_79 : i32 to index
      %get3A_80 = tpu.vector_load %arg7[%get3A] {strides = array<i32>} : memref<256xi32, #tpu.memory_space<vmem>>, vector<16xi32>,
      %add3A_81 = arith.addi %get3A_80, %get3A_80 : vector<16xi32>
      %add3A_82 = arith.addi %add3A_81, %broadcast_in_dim3A : vector<16xi32>
      %mul3A_83 = arith.constant 16 : i32
      %mul3A_84 = arith.muli %scan3A_76, %mul3A_83 : i32
      %swap3A = arith.index_cast %mul3A_84 : i32 to index
      %swap3A_85 = tpu.vector_load %arg7[%swap3A] {strides = array<i32>} : memref<256xi32, #tpu.memory_space<vmem>>, vector<16xi32>,
      tpu.vector_store %arg7[%swap3A], %add3A_82 {strides = array<i32>} : memref<256xi32, #tpu.memory_space<vmem>>, vector<16xi32>,
      %scan3A_86 = arith.constant 0 : i32
      scf.yield %scan3A_86 : i32
    }
    %scan3A_49 = arith.constant 16 : i32
    %dma_start3A_50 = arith.constant 0 : i32
    %dma_start3A_51 = arith.constant 0 : i32
    %dma_start3A_52 = tpu.memref_slice %arg2[%dma_start3A_50, %dma_start3A_51] : memref<102400x32xf32, #tpu.memory_space<hbm>> -> memref<102400x32xf32, #tpu.memory_space<hbm>>
    tpu.enqueue_indirect_dma source(%dma_start3A_52 : memref<102400x32xf32, #tpu.memory_space<hbm>>) target(%arg13 : memref<256x32xf32, #tpu.memory_space<vmem>>) offsets(%arg7 : memref<256xi32, #tpu.memory_space<vmem>>) semaphore(%arg19 : memref<!tpu.dma_semaphore, #tpu.memory_space<semaphore_mem>>)
    %scan3A_53 = arith.constant 0 : i32
    %scan3A_54 = arith.constant 0 : i32
    %scan3A_55 = arith.constant 66 : i32
    %scan3A_56 = arith.addi %scan3A_54, %scan3A_55 : i32
    %scan3A_57 = arith.constant 1 : i32
    %scan3A_58 = scf.for %scan3A_76 = %scan3A_54 to %scan3A_56 step %scan3A_57 iter_args(%scan3A_77 = %scan3A_53) -> (i32)  : i32 {
      %mul3A_78 = arith.constant 3 : i32
      %mul3A_79 = arith.muli %mul3A_78, %scan3A_76 : i32
      %add3A_80 = arith.constant 0 : i32
      %add3A_81 = arith.addi %mul3A_79, %add3A_80 : i32
      %sub3A = arith.constant 1 : i32
      %sub3A_82 = arith.subi %add3A_3, %sub3A : i32
      %lt3A_83 = arith.cmpi slt, %add3A_81, %sub3A_82 : i32
      %convert_element_type3A = arith.extui %lt3A_83 : i1 to i32
      %cond3A = arith.constant 0 : i32
      %cond3A_84 = arith.cmpi ne, %convert_element_type3A, %cond3A : i32
      scf.if %cond3A_84 {
        %dma_wait3A_136 = arith.constant 0 : i32
        %dma_wait3A_137 = arith.constant 0 : i32
        %dma_wait3A_138 = tpu.memref_slice %arg3[%dma_wait3A_136, %dma_wait3A_137] : memref<2x800000xi32, #tpu.memory_space<hbm>> -> memref<1x256xi32, #tpu.memory_space<hbm>>
        %dma_wait3A_139 = tpu.memref_squeeze %dma_wait3A_138 : memref<1x256xi32, #tpu.memory_space<hbm>> -> memref<256xi32, #tpu.memory_space<hbm>>
        %dma_wait3A_140 = arith.constant 0 : i32
        %dma_wait3A_141 = tpu.memref_slice %arg3[%dma_wait3A_136, %dma_wait3A_140] : memref<2x800000xi32, #tpu.memory_space<hbm>> -> memref<1x256xi32, #tpu.memory_space<hbm>>
        %dma_wait3A_142 = tpu.memref_squeeze %dma_wait3A_141 : memref<1x256xi32, #tpu.memory_space<hbm>> -> memref<256xi32, #tpu.memory_space<hbm>>
        tpu.wait_dma2 semaphore(%arg17 : memref<!tpu.dma_semaphore, #tpu.memory_space<semaphore_mem>>) src(%dma_wait3A_142 : memref<256xi32, #tpu.memory_space<hbm>>) dst(%arg8 : memref<256xi32, #tpu.memory_space<vmem>>)
        %dma_wait3A_143 = arith.constant 1 : i32
        %dma_wait3A_144 = arith.constant 0 : i32
        %dma_wait3A_145 = tpu.memref_slice %arg3[%dma_wait3A_143, %dma_wait3A_144] : memref<2x800000xi32, #tpu.memory_space<hbm>> -> memref<1x256xi32, #tpu.memory_space<hbm>>
        %dma_wait3A_146 = tpu.memref_squeeze %dma_wait3A_145 : memref<1x256xi32, #tpu.memory_space<hbm>> -> memref<256xi32, #tpu.memory_space<hbm>>
        %dma_wait3A_147 = arith.constant 0 : i32
        %dma_wait3A_148 = tpu.memref_slice %arg3[%dma_wait3A_143, %dma_wait3A_147] : memref<2x800000xi32, #tpu.memory_space<hbm>> -> memref<1x256xi32, #tpu.memory_space<hbm>>
        %dma_wait3A_149 = tpu.memref_squeeze %dma_wait3A_148 : memref<1x256xi32, #tpu.memory_space<hbm>> -> memref<256xi32, #tpu.memory_space<hbm>>
        tpu.wait_dma2 semaphore(%arg17 : memref<!tpu.dma_semaphore, #tpu.memory_space<semaphore_mem>>) src(%dma_wait3A_149 : memref<256xi32, #tpu.memory_space<hbm>>) dst(%arg11 : memref<256xi32, #tpu.memory_space<vmem>>)
        %scan3A_150 = arith.constant 0 : i32
        %scan3A_151 = arith.constant 0 : i32
        %scan3A_152 = arith.constant 16 : i32
        %scan3A_153 = arith.addi %scan3A_151, %scan3A_152 : i32
        %scan3A_154 = arith.constant 1 : i32
        %scan3A_155 = scf.for %scan3A_160 = %scan3A_151 to %scan3A_153 step %scan3A_154 iter_args(%scan3A_161 = %scan3A_150) -> (i32)  : i32 {
          %mul3A_162 = arith.constant 16 : i32
          %mul3A_163 = arith.muli %scan3A_160, %mul3A_162 : i32
          %get3A = arith.index_cast %mul3A_163 : i32 to index
          %get3A_164 = tpu.vector_load %arg8[%get3A] {strides = array<i32>} : memref<256xi32, #tpu.memory_space<vmem>>, vector<16xi32>,
          %add3A_165 = arith.addi %get3A_164, %get3A_164 : vector<16xi32>
          %add3A_166 = arith.addi %add3A_165, %broadcast_in_dim3A : vector<16xi32>
          %mul3A_167 = arith.constant 16 : i32
          %mul3A_168 = arith.muli %scan3A_160, %mul3A_167 : i32
          %swap3A = arith.index_cast %mul3A_168 : i32 to index
          %swap3A_169 = tpu.vector_load %arg8[%swap3A] {strides = array<i32>} : memref<256xi32, #tpu.memory_space<vmem>>, vector<16xi32>,
          tpu.vector_store %arg8[%swap3A], %add3A_166 {strides = array<i32>} : memref<256xi32, #tpu.memory_space<vmem>>, vector<16xi32>,
          %scan3A_170 = arith.constant 0 : i32
          scf.yield %scan3A_170 : i32
        }
        %scan3A_156 = arith.constant 16 : i32
        %dma_start3A_157 = arith.constant 0 : i32
        %dma_start3A_158 = arith.constant 0 : i32
        %dma_start3A_159 = tpu.memref_slice %arg2[%dma_start3A_157, %dma_start3A_158] : memref<102400x32xf32, #tpu.memory_space<hbm>> -> memref<102400x32xf32, #tpu.memory_space<hbm>>
        tpu.enqueue_indirect_dma source(%dma_start3A_159 : memref<102400x32xf32, #tpu.memory_space<hbm>>) target(%arg14 : memref<256x32xf32, #tpu.memory_space<vmem>>) offsets(%arg8 : memref<256xi32, #tpu.memory_space<vmem>>) semaphore(%arg20 : memref<!tpu.dma_semaphore, #tpu.memory_space<semaphore_mem>>)
      } else {
      }
      %lt3A_85 = arith.cmpi slt, %add3A_81, %add3A_3 : i32
      %convert_element_type3A_86 = arith.extui %lt3A_85 : i1 to i32
      %cond3A_87 = arith.constant 0 : i32
      %cond3A_88 = arith.cmpi ne, %convert_element_type3A_86, %cond3A_87 : i32
      scf.if %cond3A_88 {
        %dma_wait3A_136 = arith.constant 0 : i32
        %dma_wait3A_137 = arith.constant 0 : i32
        %dma_wait3A_138 = tpu.memref_slice %arg2[%dma_wait3A_136, %dma_wait3A_137] : memref<102400x32xf32, #tpu.memory_space<hbm>> -> memref<102400x32xf32, #tpu.memory_space<hbm>>
        tpu.wait_indirect_dma semaphore(%arg19 : memref<!tpu.dma_semaphore, #tpu.memory_space<semaphore_mem>>) src(%dma_wait3A_138 : memref<102400x32xf32, #tpu.memory_space<hbm>>) dst(%arg13 : memref<256x32xf32, #tpu.memory_space<vmem>>)
        %dma_start3A_139 = arith.constant 0 : i32
        %dma_start3A_140 = arith.constant 0 : i32
        %dma_start3A_141 = tpu.memref_slice %arg6[%dma_start3A_139, %dma_start3A_140] : memref<51200x32xf32, #tpu.memory_space<vmem_shared>> -> memref<51200x32xf32, #tpu.memory_space<vmem_shared>>
        tpu.enqueue_indirect_dma source(%arg13 : memref<256x32xf32, #tpu.memory_space<vmem>>) target(%dma_start3A_141 : memref<51200x32xf32, #tpu.memory_space<vmem_shared>>) offsets(%arg10 : memref<256xi32, #tpu.memory_space<vmem>>) semaphore(%arg22 : memref<!tpu.dma_semaphore, #tpu.memory_space<semaphore_mem>>) {add = true}
      } else {
      }
      %sub3A_89 = arith.constant 2 : i32
      %sub3A_90 = arith.subi %add3A_3, %sub3A_89 : i32
      %lt3A_91 = arith.cmpi slt, %add3A_81, %sub3A_90 : i32
      %convert_element_type3A_92 = arith.extui %lt3A_91 : i1 to i32
      %cond3A_93 = arith.constant 0 : i32
      %cond3A_94 = arith.cmpi ne, %convert_element_type3A_92, %cond3A_93 : i32
      scf.if %cond3A_94 {
        %ge3A = arith.constant 1 : i32
        %ge3A_136 = arith.cmpi sge, %add3A_81, %ge3A : i32
        %convert_element_type3A_137 = arith.extui %ge3A_136 : i1 to i32
        %cond3A_138 = arith.constant 0 : i32
        %cond3A_139 = arith.cmpi ne, %convert_element_type3A_137, %cond3A_138 : i32
        scf.if %cond3A_139 {
          %dma_wait3A_157 = arith.constant 0 : i32
          %dma_wait3A_158 = arith.constant 0 : i32
          %dma_wait3A_159 = tpu.memref_slice %arg6[%dma_wait3A_157, %dma_wait3A_158] : memref<51200x32xf32, #tpu.memory_space<vmem_shared>> -> memref<51200x32xf32, #tpu.memory_space<vmem_shared>>
          tpu.wait_indirect_dma semaphore(%arg24 : memref<!tpu.dma_semaphore, #tpu.memory_space<semaphore_mem>>) src(%arg15 : memref<256x32xf32, #tpu.memory_space<vmem>>) dst(%dma_wait3A_159 : memref<51200x32xf32, #tpu.memory_space<vmem_shared>>)
        } else {
        }
        %add3A_140 = arith.constant 2 : i32
        %add3A_141 = arith.addi %add3A_81, %add3A_140 : i32
        %mul3A_142 = arith.constant 16 : i32
        %mul3A_143 = arith.muli %mul3A_142, %add3A_141 : i32
        %add3A_144 = arith.addi %arg1, %mul3A_143 : i32
        %mul3A_145 = arith.constant 256 : i32
        %mul3A_146 = arith.muli %add3A_144, %mul3A_145 : i32
        %dma_start3A_147 = arith.constant 0 : i32
        %dma_start3A_148 = tpu.memref_slice %arg3[%dma_start3A_147, %mul3A_146] : memref<2x800000xi32, #tpu.memory_space<hbm>> -> memref<1x256xi32, #tpu.memory_space<hbm>>
        %dma_start3A_149 = tpu.memref_squeeze %dma_start3A_148 : memref<1x256xi32, #tpu.memory_space<hbm>> -> memref<256xi32, #tpu.memory_space<hbm>>
        %dma_start3A_150 = tpu.memref_slice %arg3[%dma_start3A_147, %mul3A_146] : memref<2x800000xi32, #tpu.memory_space<hbm>> -> memref<1x256xi32, #tpu.memory_space<hbm>>
        %dma_start3A_151 = tpu.memref_squeeze %dma_start3A_150 : memref<1x256xi32, #tpu.memory_space<hbm>> -> memref<256xi32, #tpu.memory_space<hbm>>
        tpu.enqueue_dma source(%dma_start3A_151 : memref<256xi32, #tpu.memory_space<hbm>>) target(%arg9 : memref<256xi32, #tpu.memory_space<vmem>>) target_semaphore(%arg18 : memref<!tpu.dma_semaphore, #tpu.memory_space<semaphore_mem>>)
        %dma_start3A_152 = arith.constant 1 : i32
        %dma_start3A_153 = tpu.memref_slice %arg3[%dma_start3A_152, %mul3A_146] : memref<2x800000xi32, #tpu.memory_space<hbm>> -> memref<1x256xi32, #tpu.memory_space<hbm>>
        %dma_start3A_154 = tpu.memref_squeeze %dma_start3A_153 : memref<1x256xi32, #tpu.memory_space<hbm>> -> memref<256xi32, #tpu.memory_space<hbm>>
        %dma_start3A_155 = tpu.memref_slice %arg3[%dma_start3A_152, %mul3A_146] : memref<2x800000xi32, #tpu.memory_space<hbm>> -> memref<1x256xi32, #tpu.memory_space<hbm>>
        %dma_start3A_156 = tpu.memref_squeeze %dma_start3A_155 : memref<1x256xi32, #tpu.memory_space<hbm>> -> memref<256xi32, #tpu.memory_space<hbm>>
        tpu.enqueue_dma source(%dma_start3A_156 : memref<256xi32, #tpu.memory_space<hbm>>) target(%arg12 : memref<256xi32, #tpu.memory_space<vmem>>) target_semaphore(%arg18 : memref<!tpu.dma_semaphore, #tpu.memory_space<semaphore_mem>>)
      } else {
      }
      %mul3A_95 = arith.constant 3 : i32
      %mul3A_96 = arith.muli %mul3A_95, %scan3A_76 : i32
      %add3A_97 = arith.constant 1 : i32
      %add3A_98 = arith.addi %mul3A_96, %add3A_97 : i32
      %sub3A_99 = arith.constant 1 : i32
      %sub3A_100 = arith.subi %add3A_3, %sub3A_99 : i32
      %lt3A_101 = arith.cmpi slt, %add3A_98, %sub3A_100 : i32
      %convert_element_type3A_102 = arith.extui %lt3A_101 : i1 to i32
      %cond3A_103 = arith.constant 0 : i32
      %cond3A_104 = arith.cmpi ne, %convert_element_type3A_102, %cond3A_103 : i32
      scf.if %cond3A_104 {
        %dma_wait3A_136 = arith.constant 0 : i32
        %dma_wait3A_137 = arith.constant 0 : i32
        %dma_wait3A_138 = tpu.memref_slice %arg3[%dma_wait3A_136, %dma_wait3A_137] : memref<2x800000xi32, #tpu.memory_space<hbm>> -> memref<1x256xi32, #tpu.memory_space<hbm>>
        %dma_wait3A_139 = tpu.memref_squeeze %dma_wait3A_138 : memref<1x256xi32, #tpu.memory_space<hbm>> -> memref<256xi32, #tpu.memory_space<hbm>>
        %dma_wait3A_140 = arith.constant 0 : i32
        %dma_wait3A_141 = tpu.memref_slice %arg3[%dma_wait3A_136, %dma_wait3A_140] : memref<2x800000xi32, #tpu.memory_space<hbm>> -> memref<1x256xi32, #tpu.memory_space<hbm>>
        %dma_wait3A_142 = tpu.memref_squeeze %dma_wait3A_141 : memref<1x256xi32, #tpu.memory_space<hbm>> -> memref<256xi32, #tpu.memory_space<hbm>>
        tpu.wait_dma2 semaphore(%arg18 : memref<!tpu.dma_semaphore, #tpu.memory_space<semaphore_mem>>) src(%dma_wait3A_142 : memref<256xi32, #tpu.memory_space<hbm>>) dst(%arg9 : memref<256xi32, #tpu.memory_space<vmem>>)
        %dma_wait3A_143 = arith.constant 1 : i32
        %dma_wait3A_144 = arith.constant 0 : i32
        %dma_wait3A_145 = tpu.memref_slice %arg3[%dma_wait3A_143, %dma_wait3A_144] : memref<2x800000xi32, #tpu.memory_space<hbm>> -> memref<1x256xi32, #tpu.memory_space<hbm>>
        %dma_wait3A_146 = tpu.memref_squeeze %dma_wait3A_145 : memref<1x256xi32, #tpu.memory_space<hbm>> -> memref<256xi32, #tpu.memory_space<hbm>>
        %dma_wait3A_147 = arith.constant 0 : i32
        %dma_wait3A_148 = tpu.memref_slice %arg3[%dma_wait3A_143, %dma_wait3A_147] : memref<2x800000xi32, #tpu.memory_space<hbm>> -> memref<1x256xi32, #tpu.memory_space<hbm>>
        %dma_wait3A_149 = tpu.memref_squeeze %dma_wait3A_148 : memref<1x256xi32, #tpu.memory_space<hbm>> -> memref<256xi32, #tpu.memory_space<hbm>>
        tpu.wait_dma2 semaphore(%arg18 : memref<!tpu.dma_semaphore, #tpu.memory_space<semaphore_mem>>) src(%dma_wait3A_149 : memref<256xi32, #tpu.memory_space<hbm>>) dst(%arg12 : memref<256xi32, #tpu.memory_space<vmem>>)
        %scan3A_150 = arith.constant 0 : i32
        %scan3A_151 = arith.constant 0 : i32
        %scan3A_152 = arith.constant 16 : i32
        %scan3A_153 = arith.addi %scan3A_151, %scan3A_152 : i32
        %scan3A_154 = arith.constant 1 : i32
        %scan3A_155 = scf.for %scan3A_160 = %scan3A_151 to %scan3A_153 step %scan3A_154 iter_args(%scan3A_161 = %scan3A_150) -> (i32)  : i32 {
          %mul3A_162 = arith.constant 16 : i32
          %mul3A_163 = arith.muli %scan3A_160, %mul3A_162 : i32
          %get3A = arith.index_cast %mul3A_163 : i32 to index
          %get3A_164 = tpu.vector_load %arg9[%get3A] {strides = array<i32>} : memref<256xi32, #tpu.memory_space<vmem>>, vector<16xi32>,
          %add3A_165 = arith.addi %get3A_164, %get3A_164 : vector<16xi32>
          %add3A_166 = arith.addi %add3A_165, %broadcast_in_dim3A : vector<16xi32>
          %mul3A_167 = arith.constant 16 : i32
          %mul3A_168 = arith.muli %scan3A_160, %mul3A_167 : i32
          %swap3A = arith.index_cast %mul3A_168 : i32 to index
          %swap3A_169 = tpu.vector_load %arg9[%swap3A] {strides = array<i32>} : memref<256xi32, #tpu.memory_space<vmem>>, vector<16xi32>,
          tpu.vector_store %arg9[%swap3A], %add3A_166 {strides = array<i32>} : memref<256xi32, #tpu.memory_space<vmem>>, vector<16xi32>,
          %scan3A_170 = arith.constant 0 : i32
          scf.yield %scan3A_170 : i32
        }
        %scan3A_156 = arith.constant 16 : i32
        %dma_start3A_157 = arith.constant 0 : i32
        %dma_start3A_158 = arith.constant 0 : i32
        %dma_start3A_159 = tpu.memref_slice %arg2[%dma_start3A_157, %dma_start3A_158] : memref<102400x32xf32, #tpu.memory_space<hbm>> -> memref<102400x32xf32, #tpu.memory_space<hbm>>
        tpu.enqueue_indirect_dma source(%dma_start3A_159 : memref<102400x32xf32, #tpu.memory_space<hbm>>) target(%arg15 : memref<256x32xf32, #tpu.memory_space<vmem>>) offsets(%arg9 : memref<256xi32, #tpu.memory_space<vmem>>) semaphore(%arg21 : memref<!tpu.dma_semaphore, #tpu.memory_space<semaphore_mem>>)
      } else {
      }
      %lt3A_105 = arith.cmpi slt, %add3A_98, %add3A_3 : i32
      %convert_element_type3A_106 = arith.extui %lt3A_105 : i1 to i32
      %cond3A_107 = arith.constant 0 : i32
      %cond3A_108 = arith.cmpi ne, %convert_element_type3A_106, %cond3A_107 : i32
      scf.if %cond3A_108 {
        %dma_wait3A_136 = arith.constant 0 : i32
        %dma_wait3A_137 = arith.constant 0 : i32
        %dma_wait3A_138 = tpu.memref_slice %arg2[%dma_wait3A_136, %dma_wait3A_137] : memref<102400x32xf32, #tpu.memory_space<hbm>> -> memref<102400x32xf32, #tpu.memory_space<hbm>>
        tpu.wait_indirect_dma semaphore(%arg20 : memref<!tpu.dma_semaphore, #tpu.memory_space<semaphore_mem>>) src(%dma_wait3A_138 : memref<102400x32xf32, #tpu.memory_space<hbm>>) dst(%arg14 : memref<256x32xf32, #tpu.memory_space<vmem>>)
        %dma_start3A_139 = arith.constant 0 : i32
        %dma_start3A_140 = arith.constant 0 : i32
        %dma_start3A_141 = tpu.memref_slice %arg6[%dma_start3A_139, %dma_start3A_140] : memref<51200x32xf32, #tpu.memory_space<vmem_shared>> -> memref<51200x32xf32, #tpu.memory_space<vmem_shared>>
        tpu.enqueue_indirect_dma source(%arg14 : memref<256x32xf32, #tpu.memory_space<vmem>>) target(%dma_start3A_141 : memref<51200x32xf32, #tpu.memory_space<vmem_shared>>) offsets(%arg11 : memref<256xi32, #tpu.memory_space<vmem>>) semaphore(%arg23 : memref<!tpu.dma_semaphore, #tpu.memory_space<semaphore_mem>>) {add = true}
      } else {
      }
      %sub3A_109 = arith.constant 2 : i32
      %sub3A_110 = arith.subi %add3A_3, %sub3A_109 : i32
      %lt3A_111 = arith.cmpi slt, %add3A_98, %sub3A_110 : i32
      %convert_element_type3A_112 = arith.extui %lt3A_111 : i1 to i32
      %cond3A_113 = arith.constant 0 : i32
      %cond3A_114 = arith.cmpi ne, %convert_element_type3A_112, %cond3A_113 : i32
      scf.if %cond3A_114 {
        %ge3A = arith.constant 1 : i32
        %ge3A_136 = arith.cmpi sge, %add3A_98, %ge3A : i32
        %convert_element_type3A_137 = arith.extui %ge3A_136 : i1 to i32
        %cond3A_138 = arith.constant 0 : i32
        %cond3A_139 = arith.cmpi ne, %convert_element_type3A_137, %cond3A_138 : i32
        scf.if %cond3A_139 {
          %dma_wait3A_157 = arith.constant 0 : i32
          %dma_wait3A_158 = arith.constant 0 : i32
          %dma_wait3A_159 = tpu.memref_slice %arg6[%dma_wait3A_157, %dma_wait3A_158] : memref<51200x32xf32, #tpu.memory_space<vmem_shared>> -> memref<51200x32xf32, #tpu.memory_space<vmem_shared>>
          tpu.wait_indirect_dma semaphore(%arg22 : memref<!tpu.dma_semaphore, #tpu.memory_space<semaphore_mem>>) src(%arg13 : memref<256x32xf32, #tpu.memory_space<vmem>>) dst(%dma_wait3A_159 : memref<51200x32xf32, #tpu.memory_space<vmem_shared>>)
        } else {
        }
        %add3A_140 = arith.constant 2 : i32
        %add3A_141 = arith.addi %add3A_98, %add3A_140 : i32
        %mul3A_142 = arith.constant 16 : i32
        %mul3A_143 = arith.muli %mul3A_142, %add3A_141 : i32
        %add3A_144 = arith.addi %arg1, %mul3A_143 : i32
        %mul3A_145 = arith.constant 256 : i32
        %mul3A_146 = arith.muli %add3A_144, %mul3A_145 : i32
        %dma_start3A_147 = arith.constant 0 : i32
        %dma_start3A_148 = tpu.memref_slice %arg3[%dma_start3A_147, %mul3A_146] : memref<2x800000xi32, #tpu.memory_space<hbm>> -> memref<1x256xi32, #tpu.memory_space<hbm>>
        %dma_start3A_149 = tpu.memref_squeeze %dma_start3A_148 : memref<1x256xi32, #tpu.memory_space<hbm>> -> memref<256xi32, #tpu.memory_space<hbm>>
        %dma_start3A_150 = tpu.memref_slice %arg3[%dma_start3A_147, %mul3A_146] : memref<2x800000xi32, #tpu.memory_space<hbm>> -> memref<1x256xi32, #tpu.memory_space<hbm>>
        %dma_start3A_151 = tpu.memref_squeeze %dma_start3A_150 : memref<1x256xi32, #tpu.memory_space<hbm>> -> memref<256xi32, #tpu.memory_space<hbm>>
        tpu.enqueue_dma source(%dma_start3A_151 : memref<256xi32, #tpu.memory_space<hbm>>) target(%arg7 : memref<256xi32, #tpu.memory_space<vmem>>) target_semaphore(%arg16 : memref<!tpu.dma_semaphore, #tpu.memory_space<semaphore_mem>>)
        %dma_start3A_152 = arith.constant 1 : i32
        %dma_start3A_153 = tpu.memref_slice %arg3[%dma_start3A_152, %mul3A_146] : memref<2x800000xi32, #tpu.memory_space<hbm>> -> memref<1x256xi32, #tpu.memory_space<hbm>>
        %dma_start3A_154 = tpu.memref_squeeze %dma_start3A_153 : memref<1x256xi32, #tpu.memory_space<hbm>> -> memref<256xi32, #tpu.memory_space<hbm>>
        %dma_start3A_155 = tpu.memref_slice %arg3[%dma_start3A_152, %mul3A_146] : memref<2x800000xi32, #tpu.memory_space<hbm>> -> memref<1x256xi32, #tpu.memory_space<hbm>>
        %dma_start3A_156 = tpu.memref_squeeze %dma_start3A_155 : memref<1x256xi32, #tpu.memory_space<hbm>> -> memref<256xi32, #tpu.memory_space<hbm>>
        tpu.enqueue_dma source(%dma_start3A_156 : memref<256xi32, #tpu.memory_space<hbm>>) target(%arg10 : memref<256xi32, #tpu.memory_space<vmem>>) target_semaphore(%arg16 : memref<!tpu.dma_semaphore, #tpu.memory_space<semaphore_mem>>)
      } else {
      }
      %mul3A_115 = arith.constant 3 : i32
      %mul3A_116 = arith.muli %mul3A_115, %scan3A_76 : i32
      %add3A_117 = arith.constant 2 : i32
      %add3A_118 = arith.addi %mul3A_116, %add3A_117 : i32
      %sub3A_119 = arith.constant 1 : i32
      %sub3A_120 = arith.subi %add3A_3, %sub3A_119 : i32
      %lt3A_121 = arith.cmpi slt, %add3A_118, %sub3A_120 : i32
      %convert_element_type3A_122 = arith.extui %lt3A_121 : i1 to i32
      %cond3A_123 = arith.constant 0 : i32
      %cond3A_124 = arith.cmpi ne, %convert_element_type3A_122, %cond3A_123 : i32
      scf.if %cond3A_124 {
        %dma_wait3A_136 = arith.constant 0 : i32
        %dma_wait3A_137 = arith.constant 0 : i32
        %dma_wait3A_138 = tpu.memref_slice %arg3[%dma_wait3A_136, %dma_wait3A_137] : memref<2x800000xi32, #tpu.memory_space<hbm>> -> memref<1x256xi32, #tpu.memory_space<hbm>>
        %dma_wait3A_139 = tpu.memref_squeeze %dma_wait3A_138 : memref<1x256xi32, #tpu.memory_space<hbm>> -> memref<256xi32, #tpu.memory_space<hbm>>
        %dma_wait3A_140 = arith.constant 0 : i32
        %dma_wait3A_141 = tpu.memref_slice %arg3[%dma_wait3A_136, %dma_wait3A_140] : memref<2x800000xi32, #tpu.memory_space<hbm>> -> memref<1x256xi32, #tpu.memory_space<hbm>>
        %dma_wait3A_142 = tpu.memref_squeeze %dma_wait3A_141 : memref<1x256xi32, #tpu.memory_space<hbm>> -> memref<256xi32, #tpu.memory_space<hbm>>
        tpu.wait_dma2 semaphore(%arg16 : memref<!tpu.dma_semaphore, #tpu.memory_space<semaphore_mem>>) src(%dma_wait3A_142 : memref<256xi32, #tpu.memory_space<hbm>>) dst(%arg7 : memref<256xi32, #tpu.memory_space<vmem>>)
        %dma_wait3A_143 = arith.constant 1 : i32
        %dma_wait3A_144 = arith.constant 0 : i32
        %dma_wait3A_145 = tpu.memref_slice %arg3[%dma_wait3A_143, %dma_wait3A_144] : memref<2x800000xi32, #tpu.memory_space<hbm>> -> memref<1x256xi32, #tpu.memory_space<hbm>>
        %dma_wait3A_146 = tpu.memref_squeeze %dma_wait3A_145 : memref<1x256xi32, #tpu.memory_space<hbm>> -> memref<256xi32, #tpu.memory_space<hbm>>
        %dma_wait3A_147 = arith.constant 0 : i32
        %dma_wait3A_148 = tpu.memref_slice %arg3[%dma_wait3A_143, %dma_wait3A_147] : memref<2x800000xi32, #tpu.memory_space<hbm>> -> memref<1x256xi32, #tpu.memory_space<hbm>>
        %dma_wait3A_149 = tpu.memref_squeeze %dma_wait3A_148 : memref<1x256xi32, #tpu.memory_space<hbm>> -> memref<256xi32, #tpu.memory_space<hbm>>
        tpu.wait_dma2 semaphore(%arg16 : memref<!tpu.dma_semaphore, #tpu.memory_space<semaphore_mem>>) src(%dma_wait3A_149 : memref<256xi32, #tpu.memory_space<hbm>>) dst(%arg10 : memref<256xi32, #tpu.memory_space<vmem>>)
        %scan3A_150 = arith.constant 0 : i32
        %scan3A_151 = arith.constant 0 : i32
        %scan3A_152 = arith.constant 16 : i32
        %scan3A_153 = arith.addi %scan3A_151, %scan3A_152 : i32
        %scan3A_154 = arith.constant 1 : i32
        %scan3A_155 = scf.for %scan3A_160 = %scan3A_151 to %scan3A_153 step %scan3A_154 iter_args(%scan3A_161 = %scan3A_150) -> (i32)  : i32 {
          %mul3A_162 = arith.constant 16 : i32
          %mul3A_163 = arith.muli %scan3A_160, %mul3A_162 : i32
          %get3A = arith.index_cast %mul3A_163 : i32 to index
          %get3A_164 = tpu.vector_load %arg7[%get3A] {strides = array<i32>} : memref<256xi32, #tpu.memory_space<vmem>>, vector<16xi32>,
          %add3A_165 = arith.addi %get3A_164, %get3A_164 : vector<16xi32>
          %add3A_166 = arith.addi %add3A_165, %broadcast_in_dim3A : vector<16xi32>
          %mul3A_167 = arith.constant 16 : i32
          %mul3A_168 = arith.muli %scan3A_160, %mul3A_167 : i32
          %swap3A = arith.index_cast %mul3A_168 : i32 to index
          %swap3A_169 = tpu.vector_load %arg7[%swap3A] {strides = array<i32>} : memref<256xi32, #tpu.memory_space<vmem>>, vector<16xi32>,
          tpu.vector_store %arg7[%swap3A], %add3A_166 {strides = array<i32>} : memref<256xi32, #tpu.memory_space<vmem>>, vector<16xi32>,
          %scan3A_170 = arith.constant 0 : i32
          scf.yield %scan3A_170 : i32
        }
        %scan3A_156 = arith.constant 16 : i32
        %dma_start3A_157 = arith.constant 0 : i32
        %dma_start3A_158 = arith.constant 0 : i32
        %dma_start3A_159 = tpu.memref_slice %arg2[%dma_start3A_157, %dma_start3A_158] : memref<102400x32xf32, #tpu.memory_space<hbm>> -> memref<102400x32xf32, #tpu.memory_space<hbm>>
        tpu.enqueue_indirect_dma source(%dma_start3A_159 : memref<102400x32xf32, #tpu.memory_space<hbm>>) target(%arg13 : memref<256x32xf32, #tpu.memory_space<vmem>>) offsets(%arg7 : memref<256xi32, #tpu.memory_space<vmem>>) semaphore(%arg19 : memref<!tpu.dma_semaphore, #tpu.memory_space<semaphore_mem>>)
      } else {
      }
      %lt3A_125 = arith.cmpi slt, %add3A_118, %add3A_3 : i32
      %convert_element_type3A_126 = arith.extui %lt3A_125 : i1 to i32
      %cond3A_127 = arith.constant 0 : i32
      %cond3A_128 = arith.cmpi ne, %convert_element_type3A_126, %cond3A_127 : i32
      scf.if %cond3A_128 {
        %dma_wait3A_136 = arith.constant 0 : i32
        %dma_wait3A_137 = arith.constant 0 : i32
        %dma_wait3A_138 = tpu.memref_slice %arg2[%dma_wait3A_136, %dma_wait3A_137] : memref<102400x32xf32, #tpu.memory_space<hbm>> -> memref<102400x32xf32, #tpu.memory_space<hbm>>
        tpu.wait_indirect_dma semaphore(%arg21 : memref<!tpu.dma_semaphore, #tpu.memory_space<semaphore_mem>>) src(%dma_wait3A_138 : memref<102400x32xf32, #tpu.memory_space<hbm>>) dst(%arg15 : memref<256x32xf32, #tpu.memory_space<vmem>>)
        %dma_start3A_139 = arith.constant 0 : i32
        %dma_start3A_140 = arith.constant 0 : i32
        %dma_start3A_141 = tpu.memref_slice %arg6[%dma_start3A_139, %dma_start3A_140] : memref<51200x32xf32, #tpu.memory_space<vmem_shared>> -> memref<51200x32xf32, #tpu.memory_space<vmem_shared>>
        tpu.enqueue_indirect_dma source(%arg15 : memref<256x32xf32, #tpu.memory_space<vmem>>) target(%dma_start3A_141 : memref<51200x32xf32, #tpu.memory_space<vmem_shared>>) offsets(%arg12 : memref<256xi32, #tpu.memory_space<vmem>>) semaphore(%arg24 : memref<!tpu.dma_semaphore, #tpu.memory_space<semaphore_mem>>) {add = true}
      } else {
      }
      %sub3A_129 = arith.constant 2 : i32
      %sub3A_130 = arith.subi %add3A_3, %sub3A_129 : i32
      %lt3A_131 = arith.cmpi slt, %add3A_118, %sub3A_130 : i32
      %convert_element_type3A_132 = arith.extui %lt3A_131 : i1 to i32
      %cond3A_133 = arith.constant 0 : i32
      %cond3A_134 = arith.cmpi ne, %convert_element_type3A_132, %cond3A_133 : i32
      scf.if %cond3A_134 {
        %ge3A = arith.constant 1 : i32
        %ge3A_136 = arith.cmpi sge, %add3A_118, %ge3A : i32
        %convert_element_type3A_137 = arith.extui %ge3A_136 : i1 to i32
        %cond3A_138 = arith.constant 0 : i32
        %cond3A_139 = arith.cmpi ne, %convert_element_type3A_137, %cond3A_138 : i32
        scf.if %cond3A_139 {
          %dma_wait3A_157 = arith.constant 0 : i32
          %dma_wait3A_158 = arith.constant 0 : i32
          %dma_wait3A_159 = tpu.memref_slice %arg6[%dma_wait3A_157, %dma_wait3A_158] : memref<51200x32xf32, #tpu.memory_space<vmem_shared>> -> memref<51200x32xf32, #tpu.memory_space<vmem_shared>>
          tpu.wait_indirect_dma semaphore(%arg23 : memref<!tpu.dma_semaphore, #tpu.memory_space<semaphore_mem>>) src(%arg14 : memref<256x32xf32, #tpu.memory_space<vmem>>) dst(%dma_wait3A_159 : memref<51200x32xf32, #tpu.memory_space<vmem_shared>>)
        } else {
        }
        %add3A_140 = arith.constant 2 : i32
        %add3A_141 = arith.addi %add3A_118, %add3A_140 : i32
        %mul3A_142 = arith.constant 16 : i32
        %mul3A_143 = arith.muli %mul3A_142, %add3A_141 : i32
        %add3A_144 = arith.addi %arg1, %mul3A_143 : i32
        %mul3A_145 = arith.constant 256 : i32
        %mul3A_146 = arith.muli %add3A_144, %mul3A_145 : i32
        %dma_start3A_147 = arith.constant 0 : i32
        %dma_start3A_148 = tpu.memref_slice %arg3[%dma_start3A_147, %mul3A_146] : memref<2x800000xi32, #tpu.memory_space<hbm>> -> memref<1x256xi32, #tpu.memory_space<hbm>>
        %dma_start3A_149 = tpu.memref_squeeze %dma_start3A_148 : memref<1x256xi32, #tpu.memory_space<hbm>> -> memref<256xi32, #tpu.memory_space<hbm>>
        %dma_start3A_150 = tpu.memref_slice %arg3[%dma_start3A_147, %mul3A_146] : memref<2x800000xi32, #tpu.memory_space<hbm>> -> memref<1x256xi32, #tpu.memory_space<hbm>>
        %dma_start3A_151 = tpu.memref_squeeze %dma_start3A_150 : memref<1x256xi32, #tpu.memory_space<hbm>> -> memref<256xi32, #tpu.memory_space<hbm>>
        tpu.enqueue_dma source(%dma_start3A_151 : memref<256xi32, #tpu.memory_space<hbm>>) target(%arg8 : memref<256xi32, #tpu.memory_space<vmem>>) target_semaphore(%arg17 : memref<!tpu.dma_semaphore, #tpu.memory_space<semaphore_mem>>)
        %dma_start3A_152 = arith.constant 1 : i32
        %dma_start3A_153 = tpu.memref_slice %arg3[%dma_start3A_152, %mul3A_146] : memref<2x800000xi32, #tpu.memory_space<hbm>> -> memref<1x256xi32, #tpu.memory_space<hbm>>
        %dma_start3A_154 = tpu.memref_squeeze %dma_start3A_153 : memref<1x256xi32, #tpu.memory_space<hbm>> -> memref<256xi32, #tpu.memory_space<hbm>>
        %dma_start3A_155 = tpu.memref_slice %arg3[%dma_start3A_152, %mul3A_146] : memref<2x800000xi32, #tpu.memory_space<hbm>> -> memref<1x256xi32, #tpu.memory_space<hbm>>
        %dma_start3A_156 = tpu.memref_squeeze %dma_start3A_155 : memref<1x256xi32, #tpu.memory_space<hbm>> -> memref<256xi32, #tpu.memory_space<hbm>>
        tpu.enqueue_dma source(%dma_start3A_156 : memref<256xi32, #tpu.memory_space<hbm>>) target(%arg11 : memref<256xi32, #tpu.memory_space<vmem>>) target_semaphore(%arg17 : memref<!tpu.dma_semaphore, #tpu.memory_space<semaphore_mem>>)
      } else {
      }
      %scan3A_135 = arith.constant 0 : i32
      scf.yield %scan3A_135 : i32
    }
    %scan3A_59 = arith.constant 66 : i32
    %dma_wait3A_60 = arith.constant 0 : i32
    %dma_wait3A_61 = arith.constant 0 : i32
    %dma_wait3A_62 = tpu.memref_slice %arg6[%dma_wait3A_60, %dma_wait3A_61] : memref<51200x32xf32, #tpu.memory_space<vmem_shared>> -> memref<51200x32xf32, #tpu.memory_space<vmem_shared>>
    tpu.wait_indirect_dma semaphore(%arg22 : memref<!tpu.dma_semaphore, #tpu.memory_space<semaphore_mem>>) src(%arg13 : memref<256x32xf32, #tpu.memory_space<vmem>>) dst(%dma_wait3A_62 : memref<51200x32xf32, #tpu.memory_space<vmem_shared>>)
    %dma_wait3A_63 = arith.constant 0 : i32
    %dma_wait3A_64 = arith.constant 0 : i32
    %dma_wait3A_65 = tpu.memref_slice %arg6[%dma_wait3A_63, %dma_wait3A_64] : memref<51200x32xf32, #tpu.memory_space<vmem_shared>> -> memref<51200x32xf32, #tpu.memory_space<vmem_shared>>
    tpu.wait_indirect_dma semaphore(%arg23 : memref<!tpu.dma_semaphore, #tpu.memory_space<semaphore_mem>>) src(%arg14 : memref<256x32xf32, #tpu.memory_space<vmem>>) dst(%dma_wait3A_65 : memref<51200x32xf32, #tpu.memory_space<vmem_shared>>)
    %dma_wait3A_66 = arith.constant 0 : i32
    %dma_wait3A_67 = arith.constant 0 : i32
    %dma_wait3A_68 = tpu.memref_slice %arg6[%dma_wait3A_66, %dma_wait3A_67] : memref<51200x32xf32, #tpu.memory_space<vmem_shared>> -> memref<51200x32xf32, #tpu.memory_space<vmem_shared>>
    tpu.wait_indirect_dma semaphore(%arg24 : memref<!tpu.dma_semaphore, #tpu.memory_space<semaphore_mem>>) src(%arg15 : memref<256x32xf32, #tpu.memory_space<vmem>>) dst(%dma_wait3A_68 : memref<51200x32xf32, #tpu.memory_space<vmem_shared>>)
    %barrier3A_69 = arith.constant 0 : index
    tpu.barrier barrier_id(%barrier3A_69)
    %mul3A_70 = arith.constant 3200 : i32
    %mul3A_71 = arith.muli %arg1, %mul3A_70 : i32
    %mul3A_72 = arith.constant 3200 : i32
    %mul3A_73 = arith.muli %arg1, %mul3A_72 : i32
    %mul3A_74 = arith.constant 32 : i32
    %mul3A_75 = arith.muli %arg0, %mul3A_74 : i32
    "tpu.region"() ({
      %run_scoped3A = tpu.sem_alloc : memref<!tpu.dma_semaphore, #tpu.memory_space<semaphore_mem>>
      %dma_start3A_76 = tpu.memref_slice %arg5[%mul3A_73, %mul3A_75] : memref<51200x64xf32, #tpu.memory_space<hbm>> -> memref<3200x32xf32, #tpu.memory_space<hbm>>
      %dma_start3A_77 = arith.constant 0 : i32
      %dma_start3A_78 = tpu.memref_slice %arg6[%mul3A_71, %dma_start3A_77] : memref<51200x32xf32, #tpu.memory_space<vmem_shared>> -> memref<3200x32xf32, #tpu.memory_space<vmem_shared>>
      tpu.enqueue_dma source(%dma_start3A_78 : memref<3200x32xf32, #tpu.memory_space<vmem_shared>>) target(%dma_start3A_76 : memref<3200x32xf32, #tpu.memory_space<hbm>>) target_semaphore(%run_scoped3A : memref<!tpu.dma_semaphore, #tpu.memory_space<semaphore_mem>>)
      %dma_wait3A_79 = tpu.memref_slice %arg5[%mul3A_73, %mul3A_75] : memref<51200x64xf32, #tpu.memory_space<hbm>> -> memref<3200x32xf32, #tpu.memory_space<hbm>>
      %dma_wait3A_80 = arith.constant 0 : i32
      %dma_wait3A_81 = tpu.memref_slice %arg6[%mul3A_71, %dma_wait3A_80] : memref<51200x32xf32, #tpu.memory_space<vmem_shared>> -> memref<3200x32xf32, #tpu.memory_space<vmem_shared>>
      tpu.wait_dma2 semaphore(%run_scoped3A : memref<!tpu.dma_semaphore, #tpu.memory_space<semaphore_mem>>) src(%dma_wait3A_81 : memref<3200x32xf32, #tpu.memory_space<vmem_shared>>) dst(%dma_wait3A_79 : memref<3200x32xf32, #tpu.memory_space<hbm>>)
      tpu.yield
    }) : () -> ()
    return
  }
}

module attributes {stable_mosaic.version = 14 : i64} {
  func.func @_embed_body(%arg0: i32, %arg1: memref<4x1024xi32, #tpu.memory_space<vmem>>, %arg2: memref<2x1024xf32, #tpu.memory_space<vmem>>, %arg3: memref<2x1024xf32, #tpu.memory_space<vmem>>, %arg4: memref<9x16xf32, #tpu.memory_space<vmem>>, %arg5: memref<20x16xf32, #tpu.memory_space<vmem>>, %arg6: memref<32x64xf32, #tpu.memory_space<vmem>>, %arg7: memref<64xf32, #tpu.memory_space<vmem>>, %arg8: memref<64x64xf32, #tpu.memory_space<vmem>>, %arg9: memref<1024x128xf32, #tpu.memory_space<vmem>>, %arg10: memref<2x1024xf32, #tpu.memory_space<vmem>>) attributes {dimension_semantics = [#tpu.dimension_semantics<arbitrary>], iteration_bounds = array<i64: 25>, scalar_prefetch = 0 : i64, scratch_operands = 0 : i64, tpu.core_type = #tpu.core_type<tc>, window_params = [{transform_indices = @transform_0, window_bounds = array<i64: 4, 1024>}, {transform_indices = @transform_1, window_bounds = array<i64: 2, 1024>}, {transform_indices = @transform_2, window_bounds = array<i64: 2, 1024>}, {pipeline_mode = #tpu.pipeline_mode<synchronous>, transform_indices = @transform_3, window_bounds = array<i64: 9, 16>}, {pipeline_mode = #tpu.pipeline_mode<synchronous>, transform_indices = @transform_4, window_bounds = array<i64: 20, 16>}, {pipeline_mode = #tpu.pipeline_mode<synchronous>, transform_indices = @transform_5, window_bounds = array<i64: 32, 64>}, {pipeline_mode = #tpu.pipeline_mode<synchronous>, transform_indices = @transform_6, window_bounds = array<i64: 64>}, {pipeline_mode = #tpu.pipeline_mode<synchronous>, transform_indices = @transform_7, window_bounds = array<i64: 64, 64>}, {transform_indices = @transform_8, window_bounds = array<i64: 1024, 128>}, {transform_indices = @transform_9, window_bounds = array<i64: 2, 1024>}]} {
    %get3A = arith.constant 0 : index
    %get3A_0 = arith.constant 0 : index
    %get3A_1 = vector.load %arg4[%get3A, %get3A_0] : memref<9x16xf32, #tpu.memory_space<vmem>>, vector<9x16xf32>
    %get3A_2 = arith.constant 0 : index
    %get3A_3 = arith.constant 0 : index
    %get3A_4 = vector.load %arg6[%get3A_2, %get3A_3] : memref<32x64xf32, #tpu.memory_space<vmem>>, vector<16x64xf32>
    %dot_general3A = arith.constant dense<0.000000e+00> : vector<9x64xf32>
    %dot_general3A_5 = tpu.matmul %get3A_1, %get3A_4, %dot_general3A {dimension_numbers = #tpu.dot_dimension_numbers<[1], [0], [0], [1], [0, 0, 1, 1], [], []>, transpose_lhs_hint = false} : vector<9x16xf32>, vector<16x64xf32>, vector<9x64xf32> -> vector<9x64xf32>
    %broadcast_in_dim3A = arith.constant 0.000000e+00 : f32
    %broadcast_in_dim3A_6 = vector.broadcast %broadcast_in_dim3A : f32 to vector<7x64xf32>
    %concatenate3A = tpu.concatenate %dot_general3A_5, %broadcast_in_dim3A_6 in 0 : vector<9x64xf32>, vector<7x64xf32> -> vector<16x64xf32>
    %get3A_7 = arith.constant 0 : index
    %get3A_8 = arith.constant 0 : index
    %get3A_9 = vector.load %arg5[%get3A_7, %get3A_8] : memref<20x16xf32, #tpu.memory_space<vmem>>, vector<20x16xf32>
    %get3A_10 = arith.constant 16 : index
    %get3A_11 = arith.constant 0 : index
    %get3A_12 = vector.load %arg6[%get3A_10, %get3A_11] : memref<32x64xf32, #tpu.memory_space<vmem>>, vector<16x64xf32>
    %dot_general3A_13 = arith.constant dense<0.000000e+00> : vector<20x64xf32>
    %dot_general3A_14 = tpu.matmul %get3A_9, %get3A_12, %dot_general3A_13 {dimension_numbers = #tpu.dot_dimension_numbers<[1], [0], [0], [1], [0, 0, 1, 1], [], []>, transpose_lhs_hint = false} : vector<20x16xf32>, vector<16x64xf32>, vector<20x64xf32> -> vector<20x64xf32>
    %broadcast_in_dim3A_15 = arith.constant 0.000000e+00 : f32
    %broadcast_in_dim3A_16 = vector.broadcast %broadcast_in_dim3A_15 : f32 to vector<12x64xf32>
    %concatenate3A_17 = tpu.concatenate %dot_general3A_14, %broadcast_in_dim3A_16 in 0 : vector<20x64xf32>, vector<12x64xf32> -> vector<32x64xf32>
    %get3A_18 = arith.constant 0 : index
    %get3A_19 = arith.constant 0 : index
    %get3A_20 = vector.load %arg1[%get3A_18, %get3A_19] : memref<4x1024xi32, #tpu.memory_space<vmem>>, vector<4x1024xi32>
    %get3A_21 = arith.constant 0 : index
    %get3A_22 = arith.constant 0 : index
    %get3A_23 = vector.load %arg8[%get3A_21, %get3A_22] : memref<64x64xf32, #tpu.memory_space<vmem>>, vector<64x64xf32>
    %slice3A = vector.extract_strided_slice %get3A_20 {offsets = [0, 0], sizes = [1, 1024], strides = [1, 1]} : vector<4x1024xi32> to vector<1x1024xi32>
    %squeeze3A = vector.shape_cast %slice3A : vector<1x1024xi32> to vector<1024xi32>
    %slice3A_24 = vector.extract_strided_slice %get3A_20 {offsets = [2, 0], sizes = [1, 1024], strides = [1, 1]} : vector<4x1024xi32> to vector<1x1024xi32>
    %squeeze3A_25 = vector.shape_cast %slice3A_24 : vector<1x1024xi32> to vector<1024xi32>
    %get3A_26 = arith.constant 0 : index
    %get3A_27 = arith.constant 0 : index
    %get3A_28 = vector.load %arg2[%get3A_26, %get3A_27] : memref<2x1024xf32, #tpu.memory_space<vmem>>, vector<2x1024xf32>
    %reduce_sum3A = arith.constant dense<0.000000e+00> : vector<1024xf32>
    %reduce_sum3A_29 = vector.multi_reduction <add>, %get3A_28, %reduce_sum3A [0] : vector<2x1024xf32> to vector<1024xf32>
    %iota3A = tpu.iota {dimensions = array<i32: 1>} : vector<1024x16xi32>
    %broadcast_in_dim3A_30 = vector.shape_cast %squeeze3A : vector<1024xi32> to vector<1024x1xi32>
    %eq3A = vector.broadcast %broadcast_in_dim3A_30 : vector<1024x1xi32> to vector<1024x16xi32>
    %eq3A_31 = arith.cmpi eq, %iota3A, %eq3A : vector<1024x16xi32>
    %convert_element_type3A = arith.extui %eq3A_31 : vector<1024x16xi1> to vector<1024x16xi32>
    %convert_element_type3A_32 = arith.sitofp %convert_element_type3A : vector<1024x16xi32> to vector<1024x16xf32>
    %iota3A_33 = tpu.iota {dimensions = array<i32: 1>} : vector<1024x32xi32>
    %jit3A = arith.constant 0 : i32
    %jit3A_34 = arith.constant 19 : i32
    %max3A = vector.broadcast %jit3A : i32 to vector<1024xi32>
    %max3A_35 = arith.maxsi %max3A, %squeeze3A_25 : vector<1024xi32>
    %min3A = vector.broadcast %jit3A_34 : i32 to vector<1024xi32>
    %min3A_36 = arith.minsi %min3A, %max3A_35 : vector<1024xi32>
    %broadcast_in_dim3A_37 = vector.shape_cast %min3A_36 : vector<1024xi32> to vector<1024x1xi32>
    %eq3A_38 = vector.broadcast %broadcast_in_dim3A_37 : vector<1024x1xi32> to vector<1024x32xi32>
    %eq3A_39 = arith.cmpi eq, %iota3A_33, %eq3A_38 : vector<1024x32xi32>
    %convert_element_type3A_40 = arith.extui %eq3A_39 : vector<1024x32xi1> to vector<1024x32xi32>
    %convert_element_type3A_41 = arith.sitofp %convert_element_type3A_40 : vector<1024x32xi32> to vector<1024x32xf32>
    %dot_general3A_42 = arith.constant dense<0.000000e+00> : vector<1024x64xf32>
    %dot_general3A_43 = tpu.matmul %convert_element_type3A_32, %concatenate3A, %dot_general3A_42 {dimension_numbers = #tpu.dot_dimension_numbers<[1], [0], [0], [1], [0, 0, 1, 1], [], []>, transpose_lhs_hint = false} : vector<1024x16xf32>, vector<16x64xf32>, vector<1024x64xf32> -> vector<1024x64xf32>
    %dot_general3A_44 = arith.constant dense<0.000000e+00> : vector<1024x64xf32>
    %dot_general3A_45 = tpu.matmul %convert_element_type3A_41, %concatenate3A_17, %dot_general3A_44 {dimension_numbers = #tpu.dot_dimension_numbers<[1], [0], [0], [1], [0, 0, 1, 1], [], []>, transpose_lhs_hint = false} : vector<1024x32xf32>, vector<32x64xf32>, vector<1024x64xf32> -> vector<1024x64xf32>
    %add3A = arith.addf %dot_general3A_43, %dot_general3A_45 : vector<1024x64xf32>
    %get3A_46 = arith.constant 0 : index
    %get3A_47 = vector.load %arg7[%get3A_46] : memref<64xf32, #tpu.memory_space<vmem>>, vector<64xf32>
    %broadcast_in_dim3A_48 = vector.shape_cast %get3A_47 : vector<64xf32> to vector<1x64xf32>
    %add3A_49 = vector.broadcast %broadcast_in_dim3A_48 : vector<1x64xf32> to vector<1024x64xf32>
    %add3A_50 = arith.addf %add3A, %add3A_49 : vector<1024x64xf32>
    %add3A_51 = arith.constant 1.000000e+00 : f32
    %add3A_52 = vector.broadcast %add3A_51 : f32 to vector<1024xf32>
    %add3A_53 = arith.addf %reduce_sum3A_29, %add3A_52 : vector<1024xf32>
    %rsqrt3A = math.rsqrt %add3A_53 : vector<1024xf32>
    %dot_general3A_54 = arith.constant dense<0.000000e+00> : vector<1024x64xf32>
    %dot_general3A_55 = tpu.matmul %add3A_50, %get3A_23, %dot_general3A_54 {dimension_numbers = #tpu.dot_dimension_numbers<[1], [0], [0], [1], [0, 0, 1, 1], [], []>, transpose_lhs_hint = false} : vector<1024x64xf32>, vector<64x64xf32>, vector<1024x64xf32> -> vector<1024x64xf32>
    %broadcast_in_dim3A_56 = vector.shape_cast %rsqrt3A : vector<1024xf32> to vector<1024x1xf32>
    %mul3A = vector.broadcast %broadcast_in_dim3A_56 : vector<1024x1xf32> to vector<1024x64xf32>
    %mul3A_57 = arith.mulf %dot_general3A_55, %mul3A : vector<1024x64xf32>
    %slice3A_58 = vector.extract_strided_slice %get3A_20 {offsets = [1, 0], sizes = [1, 1024], strides = [1, 1]} : vector<4x1024xi32> to vector<1x1024xi32>
    %squeeze3A_59 = vector.shape_cast %slice3A_58 : vector<1x1024xi32> to vector<1024xi32>
    %slice3A_60 = vector.extract_strided_slice %get3A_20 {offsets = [3, 0], sizes = [1, 1024], strides = [1, 1]} : vector<4x1024xi32> to vector<1x1024xi32>
    %squeeze3A_61 = vector.shape_cast %slice3A_60 : vector<1x1024xi32> to vector<1024xi32>
    %get3A_62 = arith.constant 0 : index
    %get3A_63 = arith.constant 0 : index
    %get3A_64 = vector.load %arg3[%get3A_62, %get3A_63] : memref<2x1024xf32, #tpu.memory_space<vmem>>, vector<2x1024xf32>
    %reduce_sum3A_65 = arith.constant dense<0.000000e+00> : vector<1024xf32>
    %reduce_sum3A_66 = vector.multi_reduction <add>, %get3A_64, %reduce_sum3A_65 [0] : vector<2x1024xf32> to vector<1024xf32>
    %iota3A_67 = tpu.iota {dimensions = array<i32: 1>} : vector<1024x16xi32>
    %broadcast_in_dim3A_68 = vector.shape_cast %squeeze3A_59 : vector<1024xi32> to vector<1024x1xi32>
    %eq3A_69 = vector.broadcast %broadcast_in_dim3A_68 : vector<1024x1xi32> to vector<1024x16xi32>
    %eq3A_70 = arith.cmpi eq, %iota3A_67, %eq3A_69 : vector<1024x16xi32>
    %convert_element_type3A_71 = arith.extui %eq3A_70 : vector<1024x16xi1> to vector<1024x16xi32>
    %convert_element_type3A_72 = arith.sitofp %convert_element_type3A_71 : vector<1024x16xi32> to vector<1024x16xf32>
    %iota3A_73 = tpu.iota {dimensions = array<i32: 1>} : vector<1024x32xi32>
    %jit3A_74 = arith.constant 0 : i32
    %jit3A_75 = arith.constant 19 : i32
    %max3A_76 = vector.broadcast %jit3A_74 : i32 to vector<1024xi32>
    %max3A_77 = arith.maxsi %max3A_76, %squeeze3A_61 : vector<1024xi32>
    %min3A_78 = vector.broadcast %jit3A_75 : i32 to vector<1024xi32>
    %min3A_79 = arith.minsi %min3A_78, %max3A_77 : vector<1024xi32>
    %broadcast_in_dim3A_80 = vector.shape_cast %min3A_79 : vector<1024xi32> to vector<1024x1xi32>
    %eq3A_81 = vector.broadcast %broadcast_in_dim3A_80 : vector<1024x1xi32> to vector<1024x32xi32>
    %eq3A_82 = arith.cmpi eq, %iota3A_73, %eq3A_81 : vector<1024x32xi32>
    %convert_element_type3A_83 = arith.extui %eq3A_82 : vector<1024x32xi1> to vector<1024x32xi32>
    %convert_element_type3A_84 = arith.sitofp %convert_element_type3A_83 : vector<1024x32xi32> to vector<1024x32xf32>
    %dot_general3A_85 = arith.constant dense<0.000000e+00> : vector<1024x64xf32>
    %dot_general3A_86 = tpu.matmul %convert_element_type3A_72, %concatenate3A, %dot_general3A_85 {dimension_numbers = #tpu.dot_dimension_numbers<[1], [0], [0], [1], [0, 0, 1, 1], [], []>, transpose_lhs_hint = false} : vector<1024x16xf32>, vector<16x64xf32>, vector<1024x64xf32> -> vector<1024x64xf32>
    %dot_general3A_87 = arith.constant dense<0.000000e+00> : vector<1024x64xf32>
    %dot_general3A_88 = tpu.matmul %convert_element_type3A_84, %concatenate3A_17, %dot_general3A_87 {dimension_numbers = #tpu.dot_dimension_numbers<[1], [0], [0], [1], [0, 0, 1, 1], [], []>, transpose_lhs_hint = false} : vector<1024x32xf32>, vector<32x64xf32>, vector<1024x64xf32> -> vector<1024x64xf32>
    %add3A_89 = arith.addf %dot_general3A_86, %dot_general3A_88 : vector<1024x64xf32>
    %get3A_90 = arith.constant 0 : index
    %get3A_91 = vector.load %arg7[%get3A_90] : memref<64xf32, #tpu.memory_space<vmem>>, vector<64xf32>
    %broadcast_in_dim3A_92 = vector.shape_cast %get3A_91 : vector<64xf32> to vector<1x64xf32>
    %add3A_93 = vector.broadcast %broadcast_in_dim3A_92 : vector<1x64xf32> to vector<1024x64xf32>
    %add3A_94 = arith.addf %add3A_89, %add3A_93 : vector<1024x64xf32>
    %add3A_95 = arith.constant 1.000000e+00 : f32
    %add3A_96 = vector.broadcast %add3A_95 : f32 to vector<1024xf32>
    %add3A_97 = arith.addf %reduce_sum3A_66, %add3A_96 : vector<1024xf32>
    %rsqrt3A_98 = math.rsqrt %add3A_97 : vector<1024xf32>
    %dot_general3A_99 = arith.constant dense<0.000000e+00> : vector<1024x64xf32>
    %dot_general3A_100 = tpu.matmul %add3A_94, %get3A_23, %dot_general3A_99 {dimension_numbers = #tpu.dot_dimension_numbers<[1], [0], [0], [1], [0, 0, 1, 1], [], []>, transpose_lhs_hint = false} : vector<1024x64xf32>, vector<64x64xf32>, vector<1024x64xf32> -> vector<1024x64xf32>
    %broadcast_in_dim3A_101 = vector.shape_cast %rsqrt3A_98 : vector<1024xf32> to vector<1024x1xf32>
    %mul3A_102 = vector.broadcast %broadcast_in_dim3A_101 : vector<1024x1xf32> to vector<1024x64xf32>
    %mul3A_103 = arith.mulf %dot_general3A_100, %mul3A_102 : vector<1024x64xf32>
    %concatenate3A_104 = tpu.concatenate %mul3A_57, %mul3A_103 in 1 : vector<1024x64xf32>, vector<1024x64xf32> -> vector<1024x128xf32>
    %swap3A = arith.constant 0 : index
    %swap3A_105 = arith.constant 0 : index
    %swap3A_106 = vector.load %arg9[%swap3A, %swap3A_105] : memref<1024x128xf32, #tpu.memory_space<vmem>>, vector<1024x128xf32>
    tpu.vector_store %arg9[%swap3A, %swap3A_105], %concatenate3A_104 {strides = array<i32>} : memref<1024x128xf32, #tpu.memory_space<vmem>>, vector<1024x128xf32>,
    %stack3A = vector.shape_cast %rsqrt3A : vector<1024xf32> to vector<1x1024xf32>
    %stack3A_107 = vector.shape_cast %rsqrt3A_98 : vector<1024xf32> to vector<1x1024xf32>
    %stack3A_108 = tpu.concatenate %stack3A, %stack3A_107 in 0 : vector<1x1024xf32>, vector<1x1024xf32> -> vector<2x1024xf32>
    %swap3A_109 = arith.constant 0 : index
    %swap3A_110 = arith.constant 0 : index
    %swap3A_111 = vector.load %arg10[%swap3A_109, %swap3A_110] : memref<2x1024xf32, #tpu.memory_space<vmem>>, vector<2x1024xf32>
    tpu.vector_store %arg10[%swap3A_109, %swap3A_110], %stack3A_108 {strides = array<i32>} : memref<2x1024xf32, #tpu.memory_space<vmem>>, vector<2x1024xf32>,
    return
  }
  func.func @transform_0(%arg0: i32) -> (i32, i32) {
    %c0_i32 = arith.constant 0 : i32
    %c0_i32_0 = arith.constant 0 : i32
    return %c0_i32, %arg0 : i32, i32
  }
  func.func @transform_1(%arg0: i32) -> (i32, i32) {
    %c0_i32 = arith.constant 0 : i32
    %c0_i32_0 = arith.constant 0 : i32
    return %c0_i32, %arg0 : i32, i32
  }
  func.func @transform_2(%arg0: i32) -> (i32, i32) {
    %add3A = arith.constant 25 : i32
    %add3A_0 = arith.addi %arg0, %add3A : i32
    %c0_i32 = arith.constant 0 : i32
    %c0_i32_1 = arith.constant 0 : i32
    return %c0_i32, %add3A_0 : i32, i32
  }
  func.func @transform_3(%arg0: i32) -> (i32, i32) {
    %c0_i32 = arith.constant 0 : i32
    %c0_i32_0 = arith.constant 0 : i32
    %c0_i32_1 = arith.constant 0 : i32
    return %c0_i32, %c0_i32_0 : i32, i32
  }
  func.func @transform_4(%arg0: i32) -> (i32, i32) {
    %c0_i32 = arith.constant 0 : i32
    %c0_i32_0 = arith.constant 0 : i32
    %c0_i32_1 = arith.constant 0 : i32
    return %c0_i32, %c0_i32_0 : i32, i32
  }
  func.func @transform_5(%arg0: i32) -> (i32, i32) {
    %c0_i32 = arith.constant 0 : i32
    %c0_i32_0 = arith.constant 0 : i32
    %c0_i32_1 = arith.constant 0 : i32
    return %c0_i32, %c0_i32_0 : i32, i32
  }
  func.func @transform_6(%arg0: i32) -> i32 {
    %c0_i32 = arith.constant 0 : i32
    %c0_i32_0 = arith.constant 0 : i32
    return %c0_i32 : i32
  }
  func.func @transform_7(%arg0: i32) -> (i32, i32) {
    %c0_i32 = arith.constant 0 : i32
    %c0_i32_0 = arith.constant 0 : i32
    %c0_i32_1 = arith.constant 0 : i32
    return %c0_i32, %c0_i32_0 : i32, i32
  }
  func.func @transform_8(%arg0: i32) -> (i32, i32) {
    %c0_i32 = arith.constant 0 : i32
    %c0_i32_0 = arith.constant 0 : i32
    return %arg0, %c0_i32 : i32, i32
  }
  func.func @transform_9(%arg0: i32) -> (i32, i32) {
    %c0_i32 = arith.constant 0 : i32
    %c0_i32_0 = arith.constant 0 : i32
    return %c0_i32, %arg0 : i32, i32
  }
}

module attributes {stable_mosaic.version = 14 : i64} {
  func.func @_post1_body(%arg0: i32, %arg1: memref<1024x128xf32, #tpu.memory_space<vmem>>, %arg2: memref<1024x128xf32, #tpu.memory_space<vmem>>, %arg3: memref<2x1024xf32, #tpu.memory_space<vmem>>, %arg4: memref<64xf32, #tpu.memory_space<vmem>>, %arg5: memref<64x64xf32, #tpu.memory_space<vmem>>, %arg6: memref<1024x128xf32, #tpu.memory_space<vmem>>) attributes {dimension_semantics = [#tpu.dimension_semantics<arbitrary>], iteration_bounds = array<i64: 25>, scalar_prefetch = 0 : i64, scratch_operands = 0 : i64, tpu.core_type = #tpu.core_type<tc>, window_params = [{transform_indices = @transform_0, window_bounds = array<i64: 1024, 128>}, {transform_indices = @transform_1, window_bounds = array<i64: 1024, 128>}, {transform_indices = @transform_2, window_bounds = array<i64: 2, 1024>}, {pipeline_mode = #tpu.pipeline_mode<synchronous>, transform_indices = @transform_3, window_bounds = array<i64: 64>}, {pipeline_mode = #tpu.pipeline_mode<synchronous>, transform_indices = @transform_4, window_bounds = array<i64: 64, 64>}, {transform_indices = @transform_5, window_bounds = array<i64: 1024, 128>}]} {
    %get3A = arith.constant 0 : index
    %get3A_0 = arith.constant 0 : index
    %get3A_1 = vector.load %arg3[%get3A, %get3A_0] : memref<2x1024xf32, #tpu.memory_space<vmem>>, vector<2x1024xf32>
    %slice3A = vector.extract_strided_slice %get3A_1 {offsets = [0, 0], sizes = [1, 1024], strides = [1, 1]} : vector<2x1024xf32> to vector<1x1024xf32>
    %squeeze3A = vector.shape_cast %slice3A : vector<1x1024xf32> to vector<1024xf32>
    %broadcast_in_dim3A = vector.shape_cast %squeeze3A : vector<1024xf32> to vector<1024x1xf32>
    %broadcast_in_dim3A_2 = vector.shape_cast %broadcast_in_dim3A : vector<1024x1xf32> to vector<1024x1xf32>
    %broadcast_in_dim3A_3 = vector.broadcast %broadcast_in_dim3A_2 : vector<1024x1xf32> to vector<1024x64xf32>
    %slice3A_4 = vector.extract_strided_slice %get3A_1 {offsets = [1, 0], sizes = [1, 1024], strides = [1, 1]} : vector<2x1024xf32> to vector<1x1024xf32>
    %squeeze3A_5 = vector.shape_cast %slice3A_4 : vector<1x1024xf32> to vector<1024xf32>
    %broadcast_in_dim3A_6 = vector.shape_cast %squeeze3A_5 : vector<1024xf32> to vector<1024x1xf32>
    %broadcast_in_dim3A_7 = vector.shape_cast %broadcast_in_dim3A_6 : vector<1024x1xf32> to vector<1024x1xf32>
    %broadcast_in_dim3A_8 = vector.broadcast %broadcast_in_dim3A_7 : vector<1024x1xf32> to vector<1024x64xf32>
    %concatenate3A = tpu.concatenate %broadcast_in_dim3A_3, %broadcast_in_dim3A_8 in 1 : vector<1024x64xf32>, vector<1024x64xf32> -> vector<1024x128xf32>
    %get3A_9 = arith.constant 0 : index
    %get3A_10 = vector.load %arg4[%get3A_9] : memref<64xf32, #tpu.memory_space<vmem>>, vector<64xf32>
    %get3A_11 = arith.constant 0 : index
    %get3A_12 = vector.load %arg4[%get3A_11] : memref<64xf32, #tpu.memory_space<vmem>>, vector<64xf32>
    %concatenate3A_13 = tpu.concatenate %get3A_10, %get3A_12 in 0 : vector<64xf32>, vector<64xf32> -> vector<128xf32>
    %get3A_14 = arith.constant 0 : index
    %get3A_15 = arith.constant 0 : index
    %get3A_16 = vector.load %arg1[%get3A_14, %get3A_15] : memref<1024x128xf32, #tpu.memory_space<vmem>>, vector<1024x128xf32>
    %get3A_17 = arith.constant 0 : index
    %get3A_18 = arith.constant 0 : index
    %get3A_19 = vector.load %arg2[%get3A_17, %get3A_18] : memref<1024x128xf32, #tpu.memory_space<vmem>>, vector<1024x128xf32>
    %add3A = arith.addf %get3A_16, %get3A_19 : vector<1024x128xf32>
    %mul3A = arith.mulf %add3A, %concatenate3A : vector<1024x128xf32>
    %broadcast_in_dim3A_20 = vector.shape_cast %concatenate3A_13 : vector<128xf32> to vector<1x128xf32>
    %add3A_21 = vector.broadcast %broadcast_in_dim3A_20 : vector<1x128xf32> to vector<1024x128xf32>
    %add3A_22 = arith.addf %mul3A, %add3A_21 : vector<1024x128xf32>
    %max3A = arith.constant 0.000000e+00 : f32
    %max3A_23 = vector.broadcast %max3A : f32 to vector<1024x128xf32>
    %max3A_24 = arith.maximumf %add3A_22, %max3A_23 : vector<1024x128xf32>
    %get3A_25 = arith.constant 0 : index
    %get3A_26 = arith.constant 0 : index
    %get3A_27 = vector.load %arg5[%get3A_25, %get3A_26] : memref<64x64xf32, #tpu.memory_space<vmem>>, vector<64x64xf32>
    %broadcast_in_dim3A_28 = arith.constant 0.000000e+00 : f32
    %broadcast_in_dim3A_29 = vector.broadcast %broadcast_in_dim3A_28 : f32 to vector<64x64xf32>
    %concatenate3A_30 = tpu.concatenate %get3A_27, %broadcast_in_dim3A_29 in 1 : vector<64x64xf32>, vector<64x64xf32> -> vector<64x128xf32>
    %concatenate3A_31 = tpu.concatenate %broadcast_in_dim3A_29, %get3A_27 in 1 : vector<64x64xf32>, vector<64x64xf32> -> vector<64x128xf32>
    %concatenate3A_32 = tpu.concatenate %concatenate3A_30, %concatenate3A_31 in 0 : vector<64x128xf32>, vector<64x128xf32> -> vector<128x128xf32>
    %dot_general3A = arith.constant dense<0.000000e+00> : vector<1024x128xf32>
    %dot_general3A_33 = tpu.matmul %max3A_24, %concatenate3A_32, %dot_general3A {dimension_numbers = #tpu.dot_dimension_numbers<[1], [0], [0], [1], [0, 0, 1, 1], [], []>, transpose_lhs_hint = false} : vector<1024x128xf32>, vector<128x128xf32>, vector<1024x128xf32> -> vector<1024x128xf32>
    %mul3A_34 = arith.mulf %dot_general3A_33, %concatenate3A : vector<1024x128xf32>
    %swap3A = arith.constant 0 : index
    %swap3A_35 = arith.constant 0 : index
    %swap3A_36 = vector.load %arg6[%swap3A, %swap3A_35] : memref<1024x128xf32, #tpu.memory_space<vmem>>, vector<1024x128xf32>
    tpu.vector_store %arg6[%swap3A, %swap3A_35], %mul3A_34 {strides = array<i32>} : memref<1024x128xf32, #tpu.memory_space<vmem>>, vector<1024x128xf32>,
    return
  }
  func.func @transform_0(%arg0: i32) -> (i32, i32) {
    %c0_i32 = arith.constant 0 : i32
    %c0_i32_0 = arith.constant 0 : i32
    return %arg0, %c0_i32 : i32, i32
  }
  func.func @transform_1(%arg0: i32) -> (i32, i32) {
    %c0_i32 = arith.constant 0 : i32
    %c0_i32_0 = arith.constant 0 : i32
    return %arg0, %c0_i32 : i32, i32
  }
  func.func @transform_2(%arg0: i32) -> (i32, i32) {
    %c0_i32 = arith.constant 0 : i32
    %c0_i32_0 = arith.constant 0 : i32
    return %c0_i32, %arg0 : i32, i32
  }
  func.func @transform_3(%arg0: i32) -> i32 {
    %c0_i32 = arith.constant 0 : i32
    %c0_i32_0 = arith.constant 0 : i32
    return %c0_i32 : i32
  }
  func.func @transform_4(%arg0: i32) -> (i32, i32) {
    %c0_i32 = arith.constant 0 : i32
    %c0_i32_0 = arith.constant 0 : i32
    %c0_i32_1 = arith.constant 0 : i32
    return %c0_i32, %c0_i32_0 : i32, i32
  }
  func.func @transform_5(%arg0: i32) -> (i32, i32) {
    %c0_i32 = arith.constant 0 : i32
    %c0_i32_0 = arith.constant 0 : i32
    return %arg0, %c0_i32 : i32, i32
  }
}

module attributes {stable_mosaic.version = 14 : i64} {
  func.func @_post2_body(%arg0: i32, %arg1: memref<1024x128xf32, #tpu.memory_space<vmem>>, %arg2: memref<1024x128xf32, #tpu.memory_space<vmem>>, %arg3: memref<2x1024xf32, #tpu.memory_space<vmem>>, %arg4: memref<64xf32, #tpu.memory_space<vmem>>, %arg5: memref<2x1024xi32, #tpu.memory_space<vmem>>, %arg6: memref<64x128xf32, #tpu.memory_space<vmem>>, %arg7: memref<128xf32, #tpu.memory_space<vmem>>, %arg8: memref<256x128xf32, #tpu.memory_space<vmem>>, %arg9: memref<256x64xf32, #tpu.memory_space<vmem>>, %arg10: memref<256xf32, #tpu.memory_space<vmem>>) attributes {dimension_semantics = [#tpu.dimension_semantics<arbitrary>], iteration_bounds = array<i64: 25>, scalar_prefetch = 0 : i64, scratch_operands = 2 : i64, tpu.core_type = #tpu.core_type<tc>, window_params = [{transform_indices = @transform_0, window_bounds = array<i64: 1024, 128>}, {transform_indices = @transform_1, window_bounds = array<i64: 1024, 128>}, {transform_indices = @transform_2, window_bounds = array<i64: 2, 1024>}, {pipeline_mode = #tpu.pipeline_mode<synchronous>, transform_indices = @transform_3, window_bounds = array<i64: 64>}, {transform_indices = @transform_4, window_bounds = array<i64: 2, 1024>}, {pipeline_mode = #tpu.pipeline_mode<synchronous>, transform_indices = @transform_5, window_bounds = array<i64: 64, 128>}, {pipeline_mode = #tpu.pipeline_mode<synchronous>, transform_indices = @transform_6, window_bounds = array<i64: 128>}, {pipeline_mode = #tpu.pipeline_mode<synchronous>, transform_indices = @transform_7, window_bounds = array<i64: 256, 128>}]} {
    %eq3A = arith.constant 0 : i32
    %eq3A_0 = arith.cmpi eq, %arg0, %eq3A : i32
    %convert_element_type3A = arith.extui %eq3A_0 : i1 to i32
    %cond3A = arith.constant 0 : i32
    %cond3A_1 = arith.cmpi ne, %convert_element_type3A, %cond3A : i32
    scf.if %cond3A_1 {
      %broadcast_in_dim3A_89 = arith.constant 0.000000e+00 : f32
      %broadcast_in_dim3A_90 = vector.broadcast %broadcast_in_dim3A_89 : f32 to vector<256x64xf32>
      %swap3A_91 = arith.constant 0 : index
      %swap3A_92 = arith.constant 0 : index
      %swap3A_93 = vector.load %arg9[%swap3A_91, %swap3A_92] : memref<256x64xf32, #tpu.memory_space<vmem>>, vector<256x64xf32>
      tpu.vector_store %arg9[%swap3A_91, %swap3A_92], %broadcast_in_dim3A_90 {strides = array<i32>} : memref<256x64xf32, #tpu.memory_space<vmem>>, vector<256x64xf32>,
      %broadcast_in_dim3A_94 = arith.constant 0.000000e+00 : f32
      %broadcast_in_dim3A_95 = vector.broadcast %broadcast_in_dim3A_94 : f32 to vector<256xf32>
      %swap3A_96 = arith.constant 0 : index
      %swap3A_97 = vector.load %arg10[%swap3A_96] : memref<256xf32, #tpu.memory_space<vmem>>, vector<256xf32>
      tpu.vector_store %arg10[%swap3A_96], %broadcast_in_dim3A_95 {strides = array<i32>} : memref<256xf32, #tpu.memory_space<vmem>>, vector<256xf32>,
    } else {
    }
    %get3A = arith.constant 0 : index
    %get3A_2 = arith.constant 0 : index
    %get3A_3 = vector.load %arg3[%get3A, %get3A_2] : memref<2x1024xf32, #tpu.memory_space<vmem>>, vector<2x1024xf32>
    %slice3A = vector.extract_strided_slice %get3A_3 {offsets = [0, 0], sizes = [1, 1024], strides = [1, 1]} : vector<2x1024xf32> to vector<1x1024xf32>
    %squeeze3A = vector.shape_cast %slice3A : vector<1x1024xf32> to vector<1024xf32>
    %broadcast_in_dim3A = vector.shape_cast %squeeze3A : vector<1024xf32> to vector<1024x1xf32>
    %broadcast_in_dim3A_4 = vector.shape_cast %broadcast_in_dim3A : vector<1024x1xf32> to vector<1024x1xf32>
    %broadcast_in_dim3A_5 = vector.broadcast %broadcast_in_dim3A_4 : vector<1024x1xf32> to vector<1024x64xf32>
    %slice3A_6 = vector.extract_strided_slice %get3A_3 {offsets = [1, 0], sizes = [1, 1024], strides = [1, 1]} : vector<2x1024xf32> to vector<1x1024xf32>
    %squeeze3A_7 = vector.shape_cast %slice3A_6 : vector<1x1024xf32> to vector<1024xf32>
    %broadcast_in_dim3A_8 = vector.shape_cast %squeeze3A_7 : vector<1024xf32> to vector<1024x1xf32>
    %broadcast_in_dim3A_9 = vector.shape_cast %broadcast_in_dim3A_8 : vector<1024x1xf32> to vector<1024x1xf32>
    %broadcast_in_dim3A_10 = vector.broadcast %broadcast_in_dim3A_9 : vector<1024x1xf32> to vector<1024x64xf32>
    %concatenate3A = tpu.concatenate %broadcast_in_dim3A_5, %broadcast_in_dim3A_10 in 1 : vector<1024x64xf32>, vector<1024x64xf32> -> vector<1024x128xf32>
    %get3A_11 = arith.constant 0 : index
    %get3A_12 = vector.load %arg4[%get3A_11] : memref<64xf32, #tpu.memory_space<vmem>>, vector<64xf32>
    %get3A_13 = arith.constant 0 : index
    %get3A_14 = vector.load %arg4[%get3A_13] : memref<64xf32, #tpu.memory_space<vmem>>, vector<64xf32>
    %concatenate3A_15 = tpu.concatenate %get3A_12, %get3A_14 in 0 : vector<64xf32>, vector<64xf32> -> vector<128xf32>
    %get3A_16 = arith.constant 0 : index
    %get3A_17 = arith.constant 0 : index
    %get3A_18 = vector.load %arg1[%get3A_16, %get3A_17] : memref<1024x128xf32, #tpu.memory_space<vmem>>, vector<1024x128xf32>
    %get3A_19 = arith.constant 0 : index
    %get3A_20 = arith.constant 0 : index
    %get3A_21 = vector.load %arg2[%get3A_19, %get3A_20] : memref<1024x128xf32, #tpu.memory_space<vmem>>, vector<1024x128xf32>
    %add3A = arith.addf %get3A_18, %get3A_21 : vector<1024x128xf32>
    %mul3A = arith.mulf %add3A, %concatenate3A : vector<1024x128xf32>
    %broadcast_in_dim3A_22 = vector.shape_cast %concatenate3A_15 : vector<128xf32> to vector<1x128xf32>
    %add3A_23 = vector.broadcast %broadcast_in_dim3A_22 : vector<1x128xf32> to vector<1024x128xf32>
    %add3A_24 = arith.addf %mul3A, %add3A_23 : vector<1024x128xf32>
    %max3A = arith.constant 0.000000e+00 : f32
    %max3A_25 = vector.broadcast %max3A : f32 to vector<1024x128xf32>
    %max3A_26 = arith.maximumf %add3A_24, %max3A_25 : vector<1024x128xf32>
    %get3A_27 = arith.constant 0 : index
    %get3A_28 = arith.constant 0 : index
    %get3A_29 = vector.load %arg5[%get3A_27, %get3A_28] : memref<2x1024xi32, #tpu.memory_space<vmem>>, vector<2x1024xi32>
    %iota3A = tpu.iota {dimensions = array<i32: 0>} : vector<256x1024xi32>
    %slice3A_30 = vector.extract_strided_slice %get3A_29 {offsets = [0, 0], sizes = [1, 1024], strides = [1, 1]} : vector<2x1024xi32> to vector<1x1024xi32>
    %squeeze3A_31 = vector.shape_cast %slice3A_30 : vector<1x1024xi32> to vector<1024xi32>
    %broadcast_in_dim3A_32 = vector.shape_cast %squeeze3A_31 : vector<1024xi32> to vector<1x1024xi32>
    %eq3A_33 = vector.broadcast %broadcast_in_dim3A_32 : vector<1x1024xi32> to vector<256x1024xi32>
    %eq3A_34 = arith.cmpi eq, %iota3A, %eq3A_33 : vector<256x1024xi32>
    %convert_element_type3A_35 = arith.extui %eq3A_34 : vector<256x1024xi1> to vector<256x1024xi32>
    %convert_element_type3A_36 = arith.sitofp %convert_element_type3A_35 : vector<256x1024xi32> to vector<256x1024xf32>
    %iota3A_37 = tpu.iota {dimensions = array<i32: 0>} : vector<256x1024xi32>
    %slice3A_38 = vector.extract_strided_slice %get3A_29 {offsets = [1, 0], sizes = [1, 1024], strides = [1, 1]} : vector<2x1024xi32> to vector<1x1024xi32>
    %squeeze3A_39 = vector.shape_cast %slice3A_38 : vector<1x1024xi32> to vector<1024xi32>
    %broadcast_in_dim3A_40 = vector.shape_cast %squeeze3A_39 : vector<1024xi32> to vector<1x1024xi32>
    %eq3A_41 = vector.broadcast %broadcast_in_dim3A_40 : vector<1x1024xi32> to vector<256x1024xi32>
    %eq3A_42 = arith.cmpi eq, %iota3A_37, %eq3A_41 : vector<256x1024xi32>
    %convert_element_type3A_43 = arith.extui %eq3A_42 : vector<256x1024xi1> to vector<256x1024xi32>
    %convert_element_type3A_44 = arith.sitofp %convert_element_type3A_43 : vector<256x1024xi32> to vector<256x1024xf32>
    %get3A_45 = arith.constant 0 : index
    %get3A_46 = arith.constant 0 : index
    %get3A_47 = vector.load %arg9[%get3A_45, %get3A_46] : memref<256x64xf32, #tpu.memory_space<vmem>>, vector<256x64xf32>
    %slice3A_48 = vector.extract_strided_slice %max3A_26 {offsets = [0, 0], sizes = [1024, 64], strides = [1, 1]} : vector<1024x128xf32> to vector<1024x64xf32>
    %dot_general3A = arith.constant dense<0.000000e+00> : vector<256x64xf32>
    %dot_general3A_49 = tpu.matmul %convert_element_type3A_36, %slice3A_48, %dot_general3A {dimension_numbers = #tpu.dot_dimension_numbers<[1], [0], [0], [1], [0, 0, 1, 1], [], []>, transpose_lhs_hint = false} : vector<256x1024xf32>, vector<1024x64xf32>, vector<256x64xf32> -> vector<256x64xf32>
    %slice3A_50 = vector.extract_strided_slice %max3A_26 {offsets = [0, 64], sizes = [1024, 64], strides = [1, 1]} : vector<1024x128xf32> to vector<1024x64xf32>
    %dot_general3A_51 = arith.constant dense<0.000000e+00> : vector<256x64xf32>
    %dot_general3A_52 = tpu.matmul %convert_element_type3A_44, %slice3A_50, %dot_general3A_51 {dimension_numbers = #tpu.dot_dimension_numbers<[1], [0], [0], [1], [0, 0, 1, 1], [], []>, transpose_lhs_hint = false} : vector<256x1024xf32>, vector<1024x64xf32>, vector<256x64xf32> -> vector<256x64xf32>
    %add3A_53 = arith.addf %dot_general3A_49, %dot_general3A_52 : vector<256x64xf32>
    %add3A_54 = arith.addf %get3A_47, %add3A_53 : vector<256x64xf32>
    %swap3A = arith.constant 0 : index
    %swap3A_55 = arith.constant 0 : index
    %swap3A_56 = vector.load %arg9[%swap3A, %swap3A_55] : memref<256x64xf32, #tpu.memory_space<vmem>>, vector<256x64xf32>
    tpu.vector_store %arg9[%swap3A, %swap3A_55], %add3A_54 {strides = array<i32>} : memref<256x64xf32, #tpu.memory_space<vmem>>, vector<256x64xf32>,
    %get3A_57 = arith.constant 0 : index
    %get3A_58 = vector.load %arg10[%get3A_57] : memref<256xf32, #tpu.memory_space<vmem>>, vector<256xf32>
    %reduce_sum3A = arith.constant dense<0.000000e+00> : vector<256xf32>
    %reduce_sum3A_59 = vector.multi_reduction <add>, %convert_element_type3A_36, %reduce_sum3A [1] : vector<256x1024xf32> to vector<256xf32>
    %reduce_sum3A_60 = arith.constant dense<0.000000e+00> : vector<256xf32>
    %reduce_sum3A_61 = vector.multi_reduction <add>, %convert_element_type3A_44, %reduce_sum3A_60 [1] : vector<256x1024xf32> to vector<256xf32>
    %add3A_62 = arith.addf %reduce_sum3A_59, %reduce_sum3A_61 : vector<256xf32>
    %add3A_63 = arith.addf %get3A_58, %add3A_62 : vector<256xf32>
    %swap3A_64 = arith.constant 0 : index
    %swap3A_65 = vector.load %arg10[%swap3A_64] : memref<256xf32, #tpu.memory_space<vmem>>, vector<256xf32>
    tpu.vector_store %arg10[%swap3A_64], %add3A_63 {strides = array<i32>} : memref<256xf32, #tpu.memory_space<vmem>>, vector<256xf32>,
    %get3A_66 = arith.constant 0 : index
    %get3A_67 = arith.constant 0 : index
    %get3A_68 = vector.load %arg9[%get3A_66, %get3A_67] : memref<256x64xf32, #tpu.memory_space<vmem>>, vector<256x64xf32>
    %get3A_69 = arith.constant 0 : index
    %get3A_70 = vector.load %arg10[%get3A_69] : memref<256xf32, #tpu.memory_space<vmem>>, vector<256xf32>
    %max3A_71 = arith.constant 1.000000e+00 : f32
    %max3A_72 = vector.broadcast %max3A_71 : f32 to vector<256xf32>
    %max3A_73 = arith.maximumf %get3A_70, %max3A_72 : vector<256xf32>
    %broadcast_in_dim3A_74 = vector.shape_cast %max3A_73 : vector<256xf32> to vector<256x1xf32>
    %div3A = vector.broadcast %broadcast_in_dim3A_74 : vector<256x1xf32> to vector<256x64xf32>
    %div3A_75 = arith.divf %get3A_68, %div3A : vector<256x64xf32>
    %get3A_76 = arith.constant 0 : index
    %get3A_77 = arith.constant 0 : index
    %get3A_78 = vector.load %arg6[%get3A_76, %get3A_77] : memref<64x128xf32, #tpu.memory_space<vmem>>, vector<64x128xf32>
    %dot_general3A_79 = arith.constant dense<0.000000e+00> : vector<256x128xf32>
    %dot_general3A_80 = tpu.matmul %div3A_75, %get3A_78, %dot_general3A_79 {dimension_numbers = #tpu.dot_dimension_numbers<[1], [0], [0], [1], [0, 0, 1, 1], [], []>, transpose_lhs_hint = false} : vector<256x64xf32>, vector<64x128xf32>, vector<256x128xf32> -> vector<256x128xf32>
    %get3A_81 = arith.constant 0 : index
    %get3A_82 = vector.load %arg7[%get3A_81] : memref<128xf32, #tpu.memory_space<vmem>>, vector<128xf32>
    %broadcast_in_dim3A_83 = vector.shape_cast %get3A_82 : vector<128xf32> to vector<1x128xf32>
    %add3A_84 = vector.broadcast %broadcast_in_dim3A_83 : vector<1x128xf32> to vector<256x128xf32>
    %add3A_85 = arith.addf %dot_general3A_80, %add3A_84 : vector<256x128xf32>
    %swap3A_86 = arith.constant 0 : index
    %swap3A_87 = arith.constant 0 : index
    %swap3A_88 = vector.load %arg8[%swap3A_86, %swap3A_87] : memref<256x128xf32, #tpu.memory_space<vmem>>, vector<256x128xf32>
    tpu.vector_store %arg8[%swap3A_86, %swap3A_87], %add3A_85 {strides = array<i32>} : memref<256x128xf32, #tpu.memory_space<vmem>>, vector<256x128xf32>,
    return
  }
  func.func @transform_0(%arg0: i32) -> (i32, i32) {
    %c0_i32 = arith.constant 0 : i32
    %c0_i32_0 = arith.constant 0 : i32
    return %arg0, %c0_i32 : i32, i32
  }
  func.func @transform_1(%arg0: i32) -> (i32, i32) {
    %c0_i32 = arith.constant 0 : i32
    %c0_i32_0 = arith.constant 0 : i32
    return %arg0, %c0_i32 : i32, i32
  }
  func.func @transform_2(%arg0: i32) -> (i32, i32) {
    %c0_i32 = arith.constant 0 : i32
    %c0_i32_0 = arith.constant 0 : i32
    return %c0_i32, %arg0 : i32, i32
  }
  func.func @transform_3(%arg0: i32) -> i32 {
    %c0_i32 = arith.constant 0 : i32
    %c0_i32_0 = arith.constant 0 : i32
    return %c0_i32 : i32
  }
  func.func @transform_4(%arg0: i32) -> (i32, i32) {
    %c0_i32 = arith.constant 0 : i32
    %c0_i32_0 = arith.constant 0 : i32
    return %c0_i32, %arg0 : i32, i32
  }
  func.func @transform_5(%arg0: i32) -> (i32, i32) {
    %c0_i32 = arith.constant 0 : i32
    %c0_i32_0 = arith.constant 0 : i32
    %c0_i32_1 = arith.constant 0 : i32
    return %c0_i32, %c0_i32_0 : i32, i32
  }
  func.func @transform_6(%arg0: i32) -> i32 {
    %c0_i32 = arith.constant 0 : i32
    %c0_i32_0 = arith.constant 0 : i32
    return %c0_i32 : i32
  }
  func.func @transform_7(%arg0: i32) -> (i32, i32) {
    %c0_i32 = arith.constant 0 : i32
    %c0_i32_0 = arith.constant 0 : i32
    %c0_i32_1 = arith.constant 0 : i32
    return %c0_i32, %c0_i32_0 : i32, i32
  }
}

</mosaic_0001>

<sc_bundles>
// kernel: kernel.11.cloned.1.call-start
scs
__scs_entry_jumppad:
0x0: {  	(pc) =	sbr.rel $0x88, $3  }
0x1: {  	(tag) =	ssettag $0x0;
	lr =	simm.s32 $0x1  }
0x2: {  	[smem:$0x3F94] =	sst lr;
	_ =	strace $0xD0000000  }
0x3: {  	_ = 	snop  }
0x4: {  	_ = 	snop  }
0x5: {  	_ = 	snop  }
0x6: {  	_ = 	snop  }
0x7: {  	_ = 	snop  }
__scs_overlays_trampoline_lowered:
0x8: {  	[smem:$0x3FA3] =	sst s0  }
0x9: {  	[smem:$0x3FA4] =	sst s1  }
0xa: {  	[smem:$0x3FA5] =	sst s2  }
0xb: {  	[smem:$0x3FA6] =	sst s3  }
0xc: {  	[smem:$0x3FA7] =	sst s4  }
0xd: {  	[smem:$0x3FA8] =	sst s5  }
0xe: {  	[smem:$0x3FA9] =	sst s6  }
0xf: {  	[smem:$0x3FAA] =	sst s7  }
0x10: {  	[smem:$0x3FAB] =	sst s8  }
0x11: {  	[smem:$0x3FAC] =	sst s9;
	s0 =	simm.s32 @!p0 $0x0  }
0x12: {  	s1 =	sld [smem:$0x3F92];
	s0 =	simm.s32 @p0 $0x1  }
0x13: {  	[smem:$0x3FAD] =	sst s0;
	s0 =	simm.s32 @!p1 $0x0  }
0x14: {  	s2 =	sld [smem:$0x3F91];
	s0 =	simm.s32 @p1 $0x1  }
0x15: {  	[smem:$0x3FAE] =	sst s0;
	s0 =	simm.s32 @!p2 $0x0  }
0x16: {  	s3 =	sld [smem:$0x3FDB];
	s0 =	simm.s32 @p2 $0x1  }
0x17: {  	s4 =	simm.s32 $0x1BF5;
	[smem:$0x3FB0] =	sst s0  }
0x18: {  	s0 =	sld [smem:$0x3F93];
	_ =	swait.ge [sflag:s4], $0x0  }
0x19: {  	s7 =	sld [smem:$0x3F94]  }
0x1a: {  	s8 =	sadd.s32 $0xFFFFE003, lr  }
0x1b: {  	s9 =	sadd.s32 $0xFFFFFEF7, lr;
	s5 =	simm.s32 $0xFFFFFFFF;
	p2 =	slt.u32 s8, $0xFFFFF086  }
0x1c: {  	p1 =	slt.u32 s9, $0xF7A;
	s5 =	simm.s32 @!p2 $0x0  }
0x1d: {  	s5 =	simm.s32 @p1 $0x1;
	p0 =	seq.s32 s7, s2  }
0x1e: {  	s7 =	smul.u32 @!p0 $0xF7A, s2;
	p2 =	seq.s32 @!p0 s5, $0x0  }
0x1f: {  	s9 =	smul.u32 $0xF7A, s1;
	s8 =	simm.s32 @!p0 $0x1BF5;
	p2 =	por !p2, p0  }
0x20: {  	[sflag:s8] =	ssyncset.s32 @!p0 $0xFFFFF086;
	s6 =	sadd.s32 @!p0 s3, s7;
	s7 =	simm.s32 @!p0 $0x108  }
0x21: {  	s3 =	sadd.s32 s3, s9;
	s6 =	sadd.s32 @!p0 $0x88, s6;
	s7 =	simm.s32 @p2 $0x1082  }
0x22: {  	[simem:s7], [sflag:s8] =	dma.local @!p0 [hbm:s6], $0xF7A  }
0x23: {  	s9 =	sor.u32 $0xD0000000, s2;
	s6 =	simm.s32 $0x108;
	_ =	swait.ge @!p0 [sflag:s8], $0x0  }
0x24: {  	s3 =	sadd.s32 $0x88, s3;
	s6 =	simm.s32 @!p1 $0x1082;
	[sflag:s4] =	ssyncset.s32 $0xFFFFF086  }
0x25: {  	[simem:s6], [sflag:s4] =	dma.local [hbm:s3], $0xF7A  }
0x26: {  	[smem:$0x3F94] =	sst s1;
	(tag) =	ssettag s2;
	_ =	strace s9  }
0x27: {  	s1 =	sld [smem:$0x3FA4]  }
0x28: {  	s2 =	sld [smem:$0x3FA5]  }
0x29: {  	s4 =	sld [smem:$0x3FA7]  }
0x2a: {  	p0 =	seq.s32 s5, $0x0;
	s5 =	sld [smem:$0x3FA8]  }
0x2b: {  	s6 =	sld [smem:$0x3FA9]  }
0x2c: {  	s7 =	sld [smem:$0x3FAA]  }
0x2d: {  	s3 =	simm.s32 $0x108;
	s8 =	sld [smem:$0x3FAB]  }
0x2e: {  	s3 =	simm.s32 @!p0 $0x1082;
	s9 =	sld [smem:$0x3FAC]  }
0x2f: {  	lr =	sadd.s32 s0, s3;
	s0 =	sld [smem:$0x3FA3]  }
0x30: {  	s3 =	sld [smem:$0x3FA6]  }
0x31: {  	[smem:$0x3FAF] =	sst s10  }
0x32: {  	s10 =	sld [smem:$0x3FAD];
	_ =	sdelay $0x3  }
0x33: {  	p0 =	seq.s32 s10, $0x1;
	s10 =	sld [smem:$0x3FAF];
	_ =	sdelay $0x3  }
0x34: {  	[smem:$0x3FAF] =	sst s10  }
0x35: {  	s10 =	sld [smem:$0x3FAE];
	_ =	sdelay $0x3  }
0x36: {  	p1 =	seq.s32 s10, $0x1;
	s10 =	sld [smem:$0x3FAF];
	_ =	sdelay $0x3  }
0x37: {  	[smem:$0x3FAF] =	sst s10  }
0x38: {  	s10 =	sld [smem:$0x3FB0]  }
0x39: {  	_ = 	snop;
	(pc) =	sbr.ind lr, $3  }
0x3a: {  	_ = 	snop  }
0x3b: {  	_ = 	snop  }
0x3c: {  	p2 =	seq.s32 s10, $0x1;
	s10 =	sld [smem:$0x3FAF]  }
0x3d: {  	_ =	shalt  }
0x3e: {  	_ =	shalt  }
0x3f: {  	_ =	shalt  }
0x40: {  	_ =	shalt  }
0x41: {  	_ =	shalt  }
0x42: {  	_ =	shalt  }
0x43: {  	_ =	shalt  }
0x44: {  	_ =	shalt  }
0x45: {  	_ =	shalt  }
0x46: {  	_ =	shalt  }
0x47: {  	_ =	shalt  }
0x48: {  	_ =	shalt  }
0x49: {  	_ =	shalt  }
0x4a: {  	_ =	shalt  }
0x4b: {  	_ =	shalt  }
0x4c: {  	_ =	shalt  }
0x4d: {  	_ =	shalt  }
0x4e: {  	_ =	shalt  }
0x4f: {  	_ =	shalt  }
0x50: {  	_ =	shalt  }
0x51: {  	_ =	shalt  }
0x52: {  	_ =	shalt  }
0x53: {  	_ =	shalt  }
0x54: {  	_ =	shalt  }
0x55: {  	_ =	shalt  }
0x56: {  	_ =	shalt  }
0x57: {  	_ =	shalt  }
0x58: {  	_ =	shalt  }
0x59: {  	_ =	shalt  }
0x5a: {  	_ =	shalt  }
0x5b: {  	_ =	shalt  }
0x5c: {  	_ =	shalt  }
0x5d: {  	_ =	shalt  }
0x5e: {  	_ =	shalt  }
0x5f: {  	_ =	shalt  }
0x60: {  	_ =	shalt  }
0x61: {  	_ =	shalt  }
0x62: {  	_ =	shalt  }
0x63: {  	_ =	shalt  }
0x64: {  	_ =	shalt  }
0x65: {  	_ =	shalt  }
0x66: {  	_ =	shalt  }
0x67: {  	_ =	shalt  }
0x68: {  	_ =	shalt  }
0x69: {  	_ =	shalt  }
0x6a: {  	_ =	shalt  }
0x6b: {  	_ =	shalt  }
0x6c: {  	_ =	shalt  }
0x6d: {  	_ =	shalt  }
0x6e: {  	_ =	shalt  }
0x6f: {  	_ =	shalt  }
0x70: {  	_ =	shalt  }
0x71: {  	_ =	shalt  }
0x72: {  	_ =	shalt  }
0x73: {  	_ =	shalt  }
0x74: {  	_ =	shalt  }
0x75: {  	_ =	shalt  }
0x76: {  	_ =	shalt  }
0x77: {  	_ =	shalt  }
0x78: {  	_ =	shalt  }
0x79: {  	_ =	shalt  }
0x7a: {  	_ =	shalt  }
0x7b: {  	_ =	shalt  }
0x7c: {  	_ =	shalt  }
0x7d: {  	_ =	shalt  }
0x7e: {  	_ =	shalt  }
0x7f: {  	_ =	shalt  }
0x80: {  	_ =	shalt  }
0x81: {  	_ =	shalt  }
0x82: {  	_ =	shalt  }
0x83: {  	_ =	shalt  }
0x84: {  	_ =	shalt  }
0x85: {  	_ =	shalt  }
0x86: {  	_ =	shalt  }
0x87: {  	_ =	shalt  }
.Lfunc_end0:
.L_simem_size_0:
called_computation.1_lowered:
.L_overlay_start_0:
0x88: {  	s2 =	sld [smem:$0x3FD9]  }
0x89: {  	s3 =	sld [smem:$0x3FFE];
	_ =	sdelay $0x1  }
0x8a: {  	s1 =	srdreg.scid  }
0x8b: {  	s0 =	sand.u32 $0x1, s1  }
0x8c: {  	s16 =	sshll.u32 s0, $0xA;
	s2 =	sadd.s32 s3, s2  }
0x8d: {  	s2 =	sadd.s32 s2, s16  }
0x8e: {  	[smem:$0x3FBB] =	sst s2  }
0x8f: {  	_ = 	snop  }
0x90: {  	(tm) =	ssettm $0x1  }
0x91: {  	s17 =	sld [smem:$0x3FFB];
	_ =	sdelay $0x3  }
0x92: {  	_ =	strace s17  }
0x93: {  	s2 =	sld [smem:$0x3FFC];
	_ =	sdelay $0x3  }
0x94: {  	_ =	strace s2  }
0x95: {  	s2 =	sld [smem:$0x3FFD];
	_ =	sdelay $0x3  }
0x96: {  	_ =	strace s2  }
0x97: {  	_ =	strace $0x8FFFFFFF  }
0x98: {  	s18 =	sld [smem:$0x3FDB];
	_ =	sdelay $0x1  }
0x99: {  	s19 =	simm.s32 $_scs_section_size  }
0x9a: {  	s4 =	simm.s32 $_size__tile_overlayer_lowered;
	s5 =	simm.s32 $_tile_overlayer_lowered  }
0x9b: {  	s22 =	simm.s32 $0x1BFF;
	s21 =	sshll.u32 s5, $0x1;
	s2 =	sadd.s32 s19, s18  }
0x9c: {  	s6 =	simm.s32 $0x0;
	s20 =	sshll.u32 s4, $0x1;
	s4 =	sadd.s32 s21, s2  }
0x9d: {  	[timem:s6], [sflag:s22] =	dma.local [hbm:s4], s20  }
0x9e: {  	_ =	swait.ge [sflag:s22], s20  }
0x9f: {  	s3 =	ssub.s32 $0x0, s20;
	[sflag:s22] =	ssyncset.done $0x0  }
0xa0: {  	[sflag:s22] =	ssyncadd.s32 s3;
	_ =	sdelay $0x1  }
0xa1: {  	s23 =	simm.s32 $0x1B8B  }
0xa2: {  	_ =	swait.ge [sflag:s23], $0x1  }
0xa3: {  	[sflag:s23] =	ssyncset.done $0x0  }
0xa4: {  	s25 =	simm.s32 $0x1B8E;
	s24 =	sld [smem:$0x3FFE];
	[sflag:s23] =	ssyncadd.s32 $0xFFFFFFFF  }
0xa5: {  	s26 =	simm.s32 $execute0_lowered;
	[smem:$0x3FD2] =	sst s25  }
0xa6: {  	s4 =	sshll.u32 s26, $0x1;
	_ =	strace $0x80000049;
	[dreg:$0x1] =	wrdreg $0xFFFFFFFF  }
0xa7: {  	s28 =	simm.s32 $_size_execute0_lowered;
	s2 =	sadd.s32 s2, s4;
	[dreg:$0x0] =	wrdreg $0x0  }
0xa8: {  	s4 =	sshll.u32 s28, $0x1;
	[dreg:$0x2] =	wrdreg s2  }
0xa9: {  	[dreg:$0x3] =	wrdreg s4  }
0xaa: {  	[dreg:$0x4] =	wrdreg $0xC0  }
0xab: {  	_ =	task [dreg:s6], $0x5FFFF  }
0xac: {  	[dreg:$0x1] =	wrdreg $0xFFFFFFFF  }
0xad: {  	[dreg:$0x0] =	wrdreg $0x60  }
0xae: {  	[dreg:$0x2] =	wrdreg s24  }
0xaf: {  	[dreg:$0x3] =	wrdreg $0x0  }
0xb0: {  	[dreg:$0x4] =	wrdreg $0x9  }
0xb1: {  	_ =	task.clear_ibuf [dreg:s6], $0x5FFFF;
	_ =	strace $0x90000049  }
0xb2: {  	s29 =	simm.s32 $0x9;
	_ =	strace $0x8000004B  }
0xb3: {  	_ =	swait.ge [sflag:s29], $0x1  }
0xb4: {  	[sflag:s29] =	ssyncadd.s32 $0xFFFFFFFF  }
0xb5: {  	_ =	strace $0x9000004B  }
0xb6: {  	_ =	sfence  }
0xb7: {  	s30 =	sld [smem:$0x0];
	_ =	sdelay $0x2  }
0xb8: {  	s31 =	sshll.u32 s1, $0xD;
	s1 =	sshrl.u32 s1, $0x2  }
0xb9: {  	s3 =	sand.u32 $0x4000, s31;
	s1 =	sadd.s32 s1, s30  }
0xba: {  	s0 =	sor.u32 s3, s0;
	s1 =	sshll.u32 s1, $0x11  }
0xbb: {  	s0 =	sor.u32 s1, s0  }
0xbc: {  	s0 =	sadd.s32 $0x8F2B, s0  }
0xbd: {  	[sflag:s0] =	ssyncadd.remote.s32 $0x1  }
0xbe: {  	_ =	sfence.sel $0xFFFF  }
0xbf: {  	[dreg:$0x0] =	wrdreg $0xFFFFFFFF;
	(pc) =	sbr.abs _section_cstart, $3  }
0xc0: {  	[dreg:$0x1] =	wrdreg $0xFFFFFFFF  }
0xc1: {  	_ =	task.clear_ibuf [dreg:s6], $0x2FFFF;
	_ =	strace $0x9FFFFFFF  }
0xc2: {  	(tm) =	ssettm $0x7FFFFFFF  }
0xc3: {  	_ =	shalt  }
tec
execute0_lowered:
.L_overlay_start_1:
0x0: {  	(tag) =	ssettag $0x1  }
0x1: {  	s0 =	rddreg [dreg:$0x0]  }
0x2: {  	s2 =	rddreg [dreg:$0x1];
	s3 =	simm.s32 $0x0  }
0x3: {  	s8 =	stileid.u32;
	s1 =	srdreg.scid;
	s11 =	simm.s32 $0xC3  }
0x4: {  	s12 =	simm.s32 $0xC2;
	s17 =	simm.s32 $0xA;
	s18 =	simm.s32 $0x19000  }
0x5: {  	s20 =	simm.s32 $0x19100;
	s28 =	simm.s32 $0x3;
	s29 =	simm.s32 $0x19200  }
0x6: {  	s30 =	simm.s32 $0x1D600;
	s31 =	simm.s32 $0x7;
	[smem:$0x7FF] =	sst s3  }
0x7: {  	s1 =	sand.u32 $0x1, s1;
	s5 =	smul.u32 $0x32000, s8;
	s4 =	sadd.s32 $0x33C00, s0  }
0x8: {  	s6 =	sshll.u32 s8, $0x5;
	s21 =	smul.u32 $0x64000, s8;
	s22 =	sadd.s32 $0x97C00, s0  }
0x9: {  	s25 =	sshll.u32 s8, $0x6;
	p0 =	slt.u32 s8, $0x5;
	_ =	strace $0x8000004A  }
0xa: {  	s7 =	sshll.u32 s1, $0x5;
	s9 =	sadd.s32 s6, s0;
	[dreg:$0x3] =	wrdreg s22  }
0xb: {  	s23 =	ssub.s32 $0x2, s1;
	s11 =	simm.s32 @!p0 $0xC2;
	s12 =	simm.s32 @!p0 $0xC1  }
0xc: {  	s22 =	simm.s32 $0x1;
	v0 =	vmov s1;
	s1 =	simm.s32 $0x9;
	s5 =	sor.u32 s7, s5  }
0xd: {  	s24 =	sshrl.u32 s23, $0x1;
	s6 =	sshrl.u32 s21, $0x2;
	s7 =	simm.s32 $0xC4  }
0xe: {  	s8 =	sadd.s32 $0x2E00, s9;
	s10 =	sadd.s32 $0x1B4A0, s9;
	s26 =	sadd.s32 $0x3000, s9  }
0xf: {  	s9 =	sadd.s32 $0x1B6A0, s9;
	s21 =	simm.s32 $0x0;
	s5 =	sshrl.u32 s5, $0x3  }
0x10: {  	s16 =	sadd.s32 s6, s2;
	s6 =	sor.u32 $0x1C0A, s25;
	[dreg:$0x4] =	wrdreg s10  }
.Ltmp0:
0x11: {  	s7 =	simm.s32 @!p0 $0xC3;
	[dreg:$0x5] =	wrdreg s26;
	(pc) =	sbr.rel .LBB2_1-.Ltmp0, $4  }
0x12: {  	[dreg:$0x6] =	wrdreg s9;
	s25 =	simm.s32 $0x2;
	s26 =	simm.s32 $0x1B600  }
0x13: {  	s0 =	sadd.s32 s5, s0;
	s5 =	ssub.s32 s23, s24;
	s16 =	sshrl.u32 s16, $0x3  }
0x14: {  	s23 =	simm.s32 $0x100;
	s24 =	simm.s32 $0x19600;
	s0 =	sadd.s32 $0x9AE00, s0  }
0x15: {  	s15 =	smax.u32 s5, $0x1;
	[dreg:$0x7] =	wrdreg s0;
	s0 =	simm.s32 $0x8  }
.LBB2_9:
0x16: {  	_ =	swait.ge [sflag:s31], $0x2000  }
0x17: {  	[sflag:s31] =	ssyncset.done $0x0  }
0x18: {  	[sflag:s31] =	ssyncadd.s32 $0xFFFFE000  }
0x19: {  	_ =	swait.ge [sflag:s0], $0x2000  }
0x1a: {  	[sflag:s0] =	ssyncset.done $0x0  }
0x1b: {  	[sflag:s0] =	ssyncadd.s32 $0xFFFFE000  }
0x1c: {  	_ =	swait.ge [sflag:s1], $0x2000  }
0x1d: {  	[sflag:s1] =	ssyncset.done $0x0  }
0x1e: {  	s21 =	sadd.s32 $0x1, s21;
	[sflag:s1] =	ssyncadd.s32 $0xFFFFE000  }
0x1f: {  	p0 =	sne.s32 s21, s15;
	[bflag:$0x0] =	sbarrier.arrive $0xFFFF  }
.Ltmp1:
0x20: {  	s9 =	simm.s32 $0x4;
	s5 =	rddreg [dreg:$0x7];
	(pc) =	sbr.rel @!p0 .LBB2_10-.Ltmp1, $4  }
0x21: {  	[hbm:s5@s0], [sflag:s6] =	dma.strided [spmem:s16@s9], $0x3200, s22, $0x4   }
0x22: {  	_ =	swait.ge [sflag:s17], $0x3200  }
0x23: {  	[sflag:s17] =	ssyncset.done $0x0  }
0x24: {  	[sflag:s17] =	ssyncadd.s32 $0xFFFFCE00  }
.LBB2_1:
0x25: {  	s5 =	rddreg [dreg:$0x3]  }
0x26: {  	[spmem:s16], [sflag:s6] =	dma.local [hbm:s5], $0x3200  }
0x27: {  	_ =	swait.ge [sflag:s17], $0x3200  }
0x28: {  	[sflag:s17] =	ssyncset.done $0x0  }
0x29: {  	[sflag:s17] =	ssyncadd.s32 $0xFFFFCE00  }
0x2a: {  	[bflag:$0x0] =	sbarrier.arrive $0xFFFF  }
0x2b: {  	[tilespmem:s18], [sflag:$0x1] =	stream.linear.gather [hbm4b:s8+s3], $0x100, $0x38;
	[tilespmem:$0x1F600] =	vst v63  }
0x2c: {  	s9 =	simm.s32 $0x19300;
	s10 =	rddreg [dreg:$0x4]  }
0x2d: {  	[tilespmem:s9], [sflag:$0x1] =	stream.linear.gather [hbm4b:s10+s3], $0x100, $0x38;
	[tilespmem:$0x1F600] =	vst v63  }
0x2e: {  	s13 =	rddreg [dreg:$0x5]  }
0x2f: {  	[tilespmem:s20], [sflag:$0x2] =	stream.linear.gather [hbm4b:s13+s3], $0x100, $0x38;
	[tilespmem:$0x1F600] =	vst v63  }
0x30: {  	s19 =	simm.s32 $0x19400;
	s14 =	rddreg [dreg:$0x6]  }
0x31: {  	[tilespmem:s19], [sflag:$0x2] =	stream.linear.gather [hbm4b:s14+s3], $0x100, $0x38;
	[tilespmem:$0x1F600] =	vst v63  }
0x32: {  	_ =	swait.ge [sflag:s22], $0x100  }
0x33: {  	[sflag:s22] =	ssyncset.done $0x0  }
0x34: {  	[sflag:s22] =	ssyncadd.s32 $0xFFFFFF00  }
0x35: {  	_ =	swait.ge [sflag:s22], $0x100  }
0x36: {  	[sflag:s22] =	ssyncset.done $0x0  }
0x37: {  	[sflag:s22] =	ssyncadd.s32 $0xFFFFFF00  }
0x38: {  	v1 =	vld [tilespmem:$0x19000]  }
0x39: {  	v2 =	vld [tilespmem:$0x19010]  }
0x3a: {  	v3 =	vld [tilespmem:$0x19020]  }
0x3b: {  	v4 =	vld [tilespmem:$0x19030]  }
0x3c: {  	v5 =	vld [tilespmem:$0x19040]  }
0x3d: {  	v6 =	vld [tilespmem:$0x19050];
	v1 =	vshll.u32 v1, $0x1  }
0x3e: {  	v7 =	vld [tilespmem:$0x19060];
	v2 =	vshll.u32 v2, $0x1;
	v1 =	vor.u32 v0, v1  }
0x3f: {  	[tilespmem:$0x19000] =	vst v1;
	v1 =	vor.u32 v0, v2;
	v2 =	vshll.u32 v3, $0x1;
	v3 =	vld [tilespmem:$0x19070]  }
0x40: {  	v57 =	vld [tilespmem:$0x19080];
	[tilespmem:$0x19010] =	vst v1;
	v1 =	vor.u32 v0, v2;
	v2 =	vshll.u32 v4, $0x1  }
0x41: {  	v58 =	vld [tilespmem:$0x19090];
	[tilespmem:$0x19020] =	vst v1;
	v1 =	vor.u32 v0, v2;
	v2 =	vshll.u32 v5, $0x1  }
0x42: {  	v59 =	vld [tilespmem:$0x190A0];
	[tilespmem:$0x19030] =	vst v1;
	v1 =	vor.u32 v0, v2;
	v2 =	vshll.u32 v6, $0x1  }
0x43: {  	v60 =	vld [tilespmem:$0x190B0];
	[tilespmem:$0x19040] =	vst v1;
	v1 =	vor.u32 v0, v2;
	v2 =	vshll.u32 v7, $0x1  }
0x44: {  	[tilespmem:$0x19050] =	vst v1;
	v1 =	vor.u32 v0, v2;
	v2 =	vshll.u32 v3, $0x1;
	v3 =	vld [tilespmem:$0x190C0]  }
0x45: {  	v61 =	vld [tilespmem:$0x190D0];
	[tilespmem:$0x19060] =	vst v1;
	v1 =	vor.u32 v0, v2;
	v2 =	vshll.u32 v57, $0x1  }
0x46: {  	v62 =	vld [tilespmem:$0x190E0];
	[tilespmem:$0x19070] =	vst v1;
	v1 =	vor.u32 v0, v2;
	v2 =	vshll.u32 v58, $0x1  }
0x47: {  	v63 =	vld [tilespmem:$0x190F0];
	[tilespmem:$0x19080] =	vst v1;
	v1 =	vor.u32 v0, v2;
	v2 =	vshll.u32 v59, $0x1  }
0x48: {  	[tilespmem:$0x19090] =	vst v1;
	v1 =	vor.u32 v0, v2;
	v2 =	vshll.u32 v60, $0x1  }
0x49: {  	[tilespmem:$0x190A0] =	vst v1;
	v1 =	vor.u32 v0, v2;
	v2 =	vshll.u32 v3, $0x1  }
0x4a: {  	[tilespmem:$0x190B0] =	vst v1;
	v1 =	vor.u32 v0, v2;
	v2 =	vshll.u32 v61, $0x1  }
.Ltmp2:
0x4b: {  	[tilespmem:$0x190C0] =	vst v1;
	v1 =	vor.u32 v0, v2;
	v2 =	vshll.u32 v62, $0x1;
	(pc) =	sbr.rel .LBB2_2-.Ltmp2, $4  }
0x4c: {  	[tilespmem:$0x190D0] =	vst v1;
	v1 =	vor.u32 v0, v2;
	v2 =	vshll.u32 v63, $0x1  }
0x4d: {  	[tilespmem:$0x190E0] =	vst v1;
	v1 =	vor.u32 v0, v2  }
0x4e: {  	s5 =	simm.s32 $0x0;
	s19 =	simm.s32 $0x2;
	[tilespmem:$0x190F0] =	vst v1  }
0x4f: {  	[tilespmem:s24], [sflag:$0x4] =	stream.indirect.gather [hbm4b:s4+s23], $0x20, s18, s23, $0xb8;
	[tilespmem:$0x1F600] =	vst v63  }
.LBB2_8:
0x50: {  	p0 =	sge.u32 s19, s7  }
0x51: {  	s9 =	simm.s32 @!p0 $0x6  }
0x52: {  	_ =	swait.ge @!p0 [sflag:s9], $0x2000  }
0x53: {  	s10 =	simm.s32 @!p0 $0x19500;
	[sflag:s9] =	ssyncset.done @!p0 $0x0  }
0x54: {  	s13 =	simm.s32 @!p0 $0x1D600;
	[sflag:s9] =	ssyncadd.s32 @!p0 $0xFFFFE000;
	s9 =	simm.s32 @!p0 $0x100  }
0x55: {  	[spmem:s2] =	stream.indirect.scatter.add.f32 @!p0 [tilespmem:s13], [sflag:$0x9], $0x20, s10, s9, $0xb8;
	[tilespmem:$0x1F600] =	vst v63  }
0x56: {  	p0 =	sge.u32 s19, s12  }
0x57: {  	s9 =	simm.s32 @!p0 $0x8  }
0x58: {  	_ =	swait.ge @!p0 [sflag:s9], $0x2000  }
0x59: {  	[sflag:s9] =	ssyncset.done @!p0 $0x0  }
0x5a: {  	[sflag:s9] =	ssyncadd.s32 @!p0 $0xFFFFE000;
	s9 =	sadd.s32 @!p0 s5, s8  }
0x5b: {  	s13 =	simm.s32 @!p0 $0x0;
	s14 =	simm.s32 @!p0 $0x19100;
	s10 =	sadd.s32 @!p0 $0x800, s9  }
0x5c: {  	[tilespmem:s14], [sflag:$0x2] =	stream.linear.gather @!p0 [hbm4b:s10+s13], $0x100, $0x38;
	[tilespmem:$0x1F600] =	vst v63  }
0x5d: {  	s5 =	sadd.s32 $0x600, s5;
	s9 =	sadd.s32 @!p0 $0x18EA0, s9;
	s10 =	simm.s32 @!p0 $0x19400  }
0x5e: {  	[tilespmem:s10], [sflag:$0x2] =	stream.linear.gather @!p0 [hbm4b:s9+s13], $0x100, $0x38;
	[tilespmem:$0x1F600] =	vst v63  }
0x5f: {  	p0 =	sne.s32 s5, $0x18C00  }
.Ltmp3:
0x60: {  	_ = 	snop;
	(pc) =	sbr.rel @!p0 .LBB2_9-.Ltmp3, $2  }
0x61: {  	_ =	sdelay $0x2  }
0x62: {  	s19 =	sadd.s32 $0x3, s19  }
.LBB2_2:
0x63: {  	s9 =	sadd.s32 $0xFFFFFFFE, s19  }
0x64: {  	p0 =	sge.u32 s9, s11  }
.Ltmp4:
0x65: {  	_ = 	snop;
	(pc) =	sbr.rel @p0 .LBB2_4-.Ltmp4, $1  }
0x66: {  	_ =	sdelay $0x3  }
0x67: {  	_ =	swait.ge [sflag:s25], $0x100  }
0x68: {  	[sflag:s25] =	ssyncset.done $0x0  }
0x69: {  	[sflag:s25] =	ssyncadd.s32 $0xFFFFFF00  }
0x6a: {  	_ =	swait.ge [sflag:s25], $0x100  }
0x6b: {  	[sflag:s25] =	ssyncset.done $0x0  }
0x6c: {  	[sflag:s25] =	ssyncadd.s32 $0xFFFFFF00  }
0x6d: {  	v1 =	vld [tilespmem:$0x19100]  }
0x6e: {  	v2 =	vld [tilespmem:$0x19110]  }
0x6f: {  	v3 =	vld [tilespmem:$0x19120]  }
0x70: {  	v4 =	vld [tilespmem:$0x19130]  }
0x71: {  	v5 =	vld [tilespmem:$0x19140]  }
0x72: {  	v6 =	vld [tilespmem:$0x19150];
	v1 =	vshll.u32 v1, $0x1  }
0x73: {  	v7 =	vld [tilespmem:$0x19160];
	v2 =	vshll.u32 v2, $0x1;
	v1 =	vor.u32 v0, v1  }
0x74: {  	[tilespmem:$0x19100] =	vst v1;
	v1 =	vor.u32 v0, v2;
	v2 =	vshll.u32 v3, $0x1;
	v3 =	vld [tilespmem:$0x19170]  }
0x75: {  	v57 =	vld [tilespmem:$0x19180];
	[tilespmem:$0x19110] =	vst v1;
	v1 =	vor.u32 v0, v2;
	v2 =	vshll.u32 v4, $0x1  }
0x76: {  	v58 =	vld [tilespmem:$0x19190];
	[tilespmem:$0x19120] =	vst v1;
	v1 =	vor.u32 v0, v2;
	v2 =	vshll.u32 v5, $0x1  }
0x77: {  	v59 =	vld [tilespmem:$0x191A0];
	[tilespmem:$0x19130] =	vst v1;
	v1 =	vor.u32 v0, v2;
	v2 =	vshll.u32 v6, $0x1  }
0x78: {  	v60 =	vld [tilespmem:$0x191B0];
	[tilespmem:$0x19140] =	vst v1;
	v1 =	vor.u32 v0, v2;
	v2 =	vshll.u32 v7, $0x1  }
0x79: {  	[tilespmem:$0x19150] =	vst v1;
	v1 =	vor.u32 v0, v2;
	v2 =	vshll.u32 v3, $0x1;
	v3 =	vld [tilespmem:$0x191C0]  }
0x7a: {  	v61 =	vld [tilespmem:$0x191D0];
	[tilespmem:$0x19160] =	vst v1;
	v1 =	vor.u32 v0, v2;
	v2 =	vshll.u32 v57, $0x1  }
0x7b: {  	v62 =	vld [tilespmem:$0x191E0];
	[tilespmem:$0x19170] =	vst v1;
	v1 =	vor.u32 v0, v2;
	v2 =	vshll.u32 v58, $0x1  }
0x7c: {  	v63 =	vld [tilespmem:$0x191F0];
	[tilespmem:$0x19180] =	vst v1;
	v1 =	vor.u32 v0, v2;
	v2 =	vshll.u32 v59, $0x1  }
0x7d: {  	[tilespmem:$0x19190] =	vst v1;
	v1 =	vor.u32 v0, v2;
	v2 =	vshll.u32 v60, $0x1  }
0x7e: {  	[tilespmem:$0x191A0] =	vst v1;
	v1 =	vor.u32 v0, v2;
	v2 =	vshll.u32 v3, $0x1  }
0x7f: {  	[tilespmem:$0x191B0] =	vst v1;
	v1 =	vor.u32 v0, v2;
	v2 =	vshll.u32 v61, $0x1  }
0x80: {  	[tilespmem:$0x191C0] =	vst v1;
	v1 =	vor.u32 v0, v2;
	v2 =	vshll.u32 v62, $0x1  }
0x81: {  	[tilespmem:$0x191D0] =	vst v1;
	v1 =	vor.u32 v0, v2;
	v2 =	vshll.u32 v63, $0x1  }
0x82: {  	[tilespmem:$0x191E0] =	vst v1;
	v1 =	vor.u32 v0, v2  }
0x83: {  	[tilespmem:$0x191F0] =	vst v1  }
0x84: {  	[tilespmem:s26], [sflag:$0x5] =	stream.indirect.gather [hbm4b:s4+s23], $0x20, s20, s23, $0xb8;
	[tilespmem:$0x1F600] =	vst v63  }
.LBB2_4:
0x85: {  	p0 =	sge.u32 s9, s7  }
0x86: {  	s10 =	simm.s32 @!p0 $0x4  }
0x87: {  	_ =	swait.ge @!p0 [sflag:s10], $0x2000  }
0x88: {  	s13 =	simm.s32 @!p0 $0x19300;
	[sflag:s10] =	ssyncset.done @!p0 $0x0  }
0x89: {  	s14 =	simm.s32 @!p0 $0x19600;
	[sflag:s10] =	ssyncadd.s32 @!p0 $0xFFFFE000;
	s10 =	simm.s32 @!p0 $0x100  }
0x8a: {  	[spmem:s2] =	stream.indirect.scatter.add.f32 @!p0 [tilespmem:s14], [sflag:$0x7], $0x20, s13, s10, $0xb8;
	[tilespmem:$0x1F600] =	vst v63  }
0x8b: {  	p0 =	sge.u32 s9, s12  }
0x8c: {  	p1 =	seq.s32 @!p0 s5, $0x0  }
0x8d: {  	p1 =	por p1, p0  }
0x8e: {  	s9 =	simm.s32 @!p1 $0x9  }
0x8f: {  	_ =	swait.ge @!p1 [sflag:s9], $0x2000  }
0x90: {  	[sflag:s9] =	ssyncset.done @!p1 $0x0  }
0x91: {  	[sflag:s9] =	ssyncadd.s32 @!p1 $0xFFFFE000;
	s9 =	sadd.s32 @!p0 s5, s8  }
0x92: {  	s13 =	simm.s32 @!p0 $0x0;
	s14 =	simm.s32 @!p0 $0x19200;
	s10 =	sadd.s32 @!p0 $0x400, s9  }
0x93: {  	[tilespmem:s14], [sflag:$0x3] =	stream.linear.gather @!p0 [hbm4b:s10+s13], $0x100, $0x38;
	[tilespmem:$0x1F600] =	vst v63  }
0x94: {  	s9 =	sadd.s32 @!p0 $0x18AA0, s9;
	s10 =	simm.s32 @!p0 $0x19500  }
0x95: {  	[tilespmem:s10], [sflag:$0x3] =	stream.linear.gather @!p0 [hbm4b:s9+s13], $0x100, $0x38;
	[tilespmem:$0x1F600] =	vst v63  }
0x96: {  	s9 =	sadd.s32 $0xFFFFFFFF, s19  }
0x97: {  	p0 =	sge.u32 s9, s11  }
.Ltmp5:
0x98: {  	_ = 	snop;
	(pc) =	sbr.rel @p0 .LBB2_6-.Ltmp5, $1  }
0x99: {  	_ =	sdelay $0x3  }
0x9a: {  	_ =	swait.ge [sflag:s28], $0x100  }
0x9b: {  	[sflag:s28] =	ssyncset.done $0x0  }
0x9c: {  	[sflag:s28] =	ssyncadd.s32 $0xFFFFFF00  }
0x9d: {  	_ =	swait.ge [sflag:s28], $0x100  }
0x9e: {  	[sflag:s28] =	ssyncset.done $0x0  }
0x9f: {  	[sflag:s28] =	ssyncadd.s32 $0xFFFFFF00  }
0xa0: {  	v1 =	vld [tilespmem:$0x19200]  }
0xa1: {  	v2 =	vld [tilespmem:$0x19210]  }
0xa2: {  	v3 =	vld [tilespmem:$0x19220]  }
0xa3: {  	v4 =	vld [tilespmem:$0x19230]  }
0xa4: {  	v5 =	vld [tilespmem:$0x19240]  }
0xa5: {  	v6 =	vld [tilespmem:$0x19250];
	v1 =	vshll.u32 v1, $0x1  }
0xa6: {  	v7 =	vld [tilespmem:$0x19260];
	v2 =	vshll.u32 v2, $0x1;
	v1 =	vor.u32 v0, v1  }
0xa7: {  	[tilespmem:$0x19200] =	vst v1;
	v1 =	vor.u32 v0, v2;
	v2 =	vshll.u32 v3, $0x1;
	v3 =	vld [tilespmem:$0x19270]  }
0xa8: {  	v57 =	vld [tilespmem:$0x19280];
	[tilespmem:$0x19210] =	vst v1;
	v1 =	vor.u32 v0, v2;
	v2 =	vshll.u32 v4, $0x1  }
0xa9: {  	v58 =	vld [tilespmem:$0x19290];
	[tilespmem:$0x19220] =	vst v1;
	v1 =	vor.u32 v0, v2;
	v2 =	vshll.u32 v5, $0x1  }
0xaa: {  	v59 =	vld [tilespmem:$0x192A0];
	[tilespmem:$0x19230] =	vst v1;
	v1 =	vor.u32 v0, v2;
	v2 =	vshll.u32 v6, $0x1  }
0xab: {  	v60 =	vld [tilespmem:$0x192B0];
	[tilespmem:$0x19240] =	vst v1;
	v1 =	vor.u32 v0, v2;
	v2 =	vshll.u32 v7, $0x1  }
0xac: {  	[tilespmem:$0x19250] =	vst v1;
	v1 =	vor.u32 v0, v2;
	v2 =	vshll.u32 v3, $0x1;
	v3 =	vld [tilespmem:$0x192C0]  }
0xad: {  	v61 =	vld [tilespmem:$0x192D0];
	[tilespmem:$0x19260] =	vst v1;
	v1 =	vor.u32 v0, v2;
	v2 =	vshll.u32 v57, $0x1  }
0xae: {  	v62 =	vld [tilespmem:$0x192E0];
	[tilespmem:$0x19270] =	vst v1;
	v1 =	vor.u32 v0, v2;
	v2 =	vshll.u32 v58, $0x1  }
0xaf: {  	v63 =	vld [tilespmem:$0x192F0];
	[tilespmem:$0x19280] =	vst v1;
	v1 =	vor.u32 v0, v2;
	v2 =	vshll.u32 v59, $0x1  }
0xb0: {  	[tilespmem:$0x19290] =	vst v1;
	v1 =	vor.u32 v0, v2;
	v2 =	vshll.u32 v60, $0x1  }
0xb1: {  	[tilespmem:$0x192A0] =	vst v1;
	v1 =	vor.u32 v0, v2;
	v2 =	vshll.u32 v3, $0x1  }
0xb2: {  	[tilespmem:$0x192B0] =	vst v1;
	v1 =	vor.u32 v0, v2;
	v2 =	vshll.u32 v61, $0x1  }
0xb3: {  	[tilespmem:$0x192C0] =	vst v1;
	v1 =	vor.u32 v0, v2;
	v2 =	vshll.u32 v62, $0x1  }
0xb4: {  	[tilespmem:$0x192D0] =	vst v1;
	v1 =	vor.u32 v0, v2;
	v2 =	vshll.u32 v63, $0x1  }
0xb5: {  	[tilespmem:$0x192E0] =	vst v1;
	v1 =	vor.u32 v0, v2  }
0xb6: {  	[tilespmem:$0x192F0] =	vst v1  }
0xb7: {  	[tilespmem:s30], [sflag:$0x6] =	stream.indirect.gather [hbm4b:s4+s23], $0x20, s29, s23, $0xb8;
	[tilespmem:$0x1F600] =	vst v63  }
.LBB2_6:
0xb8: {  	p0 =	sge.u32 s9, s7  }
0xb9: {  	s10 =	simm.s32 @!p0 $0x5  }
0xba: {  	_ =	swait.ge @!p0 [sflag:s10], $0x2000  }
0xbb: {  	s13 =	simm.s32 @!p0 $0x19400;
	[sflag:s10] =	ssyncset.done @!p0 $0x0  }
0xbc: {  	s14 =	simm.s32 @!p0 $0x1B600;
	[sflag:s10] =	ssyncadd.s32 @!p0 $0xFFFFE000;
	s10 =	simm.s32 @!p0 $0x100  }
0xbd: {  	[spmem:s2] =	stream.indirect.scatter.add.f32 @!p0 [tilespmem:s14], [sflag:$0x8], $0x20, s13, s10, $0xb8;
	[tilespmem:$0x1F600] =	vst v63  }
0xbe: {  	p0 =	sge.u32 s9, s12  }
0xbf: {  	s9 =	simm.s32 @!p0 $0x7  }
0xc0: {  	_ =	swait.ge @!p0 [sflag:s9], $0x2000  }
0xc1: {  	[sflag:s9] =	ssyncset.done @!p0 $0x0  }
0xc2: {  	[sflag:s9] =	ssyncadd.s32 @!p0 $0xFFFFE000;
	s9 =	sadd.s32 @!p0 s5, s8  }
0xc3: {  	s13 =	simm.s32 @!p0 $0x0;
	s14 =	simm.s32 @!p0 $0x19000;
	s10 =	sadd.s32 @!p0 $0x600, s9  }
0xc4: {  	[tilespmem:s14], [sflag:$0x1] =	stream.linear.gather @!p0 [hbm4b:s10+s13], $0x100, $0x38;
	[tilespmem:$0x1F600] =	vst v63  }
0xc5: {  	s9 =	sadd.s32 @!p0 $0x18CA0, s9;
	s10 =	simm.s32 @!p0 $0x19300  }
0xc6: {  	[tilespmem:s10], [sflag:$0x1] =	stream.linear.gather @!p0 [hbm4b:s9+s13], $0x100, $0x38;
	[tilespmem:$0x1F600] =	vst v63  }
0xc7: {  	p0 =	sge.u32 s19, s11  }
.Ltmp6:
0xc8: {  	_ = 	snop;
	(pc) =	sbr.rel @p0 .LBB2_8-.Ltmp6, $1  }
0xc9: {  	_ =	sdelay $0x3  }
0xca: {  	_ =	swait.ge [sflag:s22], $0x100  }
0xcb: {  	[sflag:s22] =	ssyncset.done $0x0  }
0xcc: {  	[sflag:s22] =	ssyncadd.s32 $0xFFFFFF00  }
0xcd: {  	_ =	swait.ge [sflag:s22], $0x100  }
0xce: {  	[sflag:s22] =	ssyncset.done $0x0  }
0xcf: {  	[sflag:s22] =	ssyncadd.s32 $0xFFFFFF00  }
0xd0: {  	v1 =	vld [tilespmem:$0x19000]  }
0xd1: {  	v2 =	vld [tilespmem:$0x19010]  }
0xd2: {  	v3 =	vld [tilespmem:$0x19020]  }
0xd3: {  	v4 =	vld [tilespmem:$0x19030]  }
0xd4: {  	v5 =	vld [tilespmem:$0x19040]  }
0xd5: {  	v6 =	vld [tilespmem:$0x19050];
	v1 =	vshll.u32 v1, $0x1  }
0xd6: {  	v7 =	vld [tilespmem:$0x19060];
	v2 =	vshll.u32 v2, $0x1;
	v1 =	vor.u32 v0, v1  }
0xd7: {  	[tilespmem:$0x19000] =	vst v1;
	v1 =	vor.u32 v0, v2;
	v2 =	vshll.u32 v3, $0x1;
	v3 =	vld [tilespmem:$0x19070]  }
0xd8: {  	v57 =	vld [tilespmem:$0x19080];
	[tilespmem:$0x19010] =	vst v1;
	v1 =	vor.u32 v0, v2;
	v2 =	vshll.u32 v4, $0x1  }
0xd9: {  	v58 =	vld [tilespmem:$0x19090];
	[tilespmem:$0x19020] =	vst v1;
	v1 =	vor.u32 v0, v2;
	v2 =	vshll.u32 v5, $0x1  }
0xda: {  	v59 =	vld [tilespmem:$0x190A0];
	[tilespmem:$0x19030] =	vst v1;
	v1 =	vor.u32 v0, v2;
	v2 =	vshll.u32 v6, $0x1  }
0xdb: {  	v60 =	vld [tilespmem:$0x190B0];
	[tilespmem:$0x19040] =	vst v1;
	v1 =	vor.u32 v0, v2;
	v2 =	vshll.u32 v7, $0x1  }
0xdc: {  	[tilespmem:$0x19050] =	vst v1;
	v1 =	vor.u32 v0, v2;
	v2 =	vshll.u32 v3, $0x1;
	v3 =	vld [tilespmem:$0x190C0]  }
0xdd: {  	v61 =	vld [tilespmem:$0x190D0];
	[tilespmem:$0x19060] =	vst v1;
	v1 =	vor.u32 v0, v2;
	v2 =	vshll.u32 v57, $0x1  }
0xde: {  	v62 =	vld [tilespmem:$0x190E0];
	[tilespmem:$0x19070] =	vst v1;
	v1 =	vor.u32 v0, v2;
	v2 =	vshll.u32 v58, $0x1  }
0xdf: {  	v63 =	vld [tilespmem:$0x190F0];
	[tilespmem:$0x19080] =	vst v1;
	v1 =	vor.u32 v0, v2;
	v2 =	vshll.u32 v59, $0x1  }
0xe0: {  	[tilespmem:$0x19090] =	vst v1;
	v1 =	vor.u32 v0, v2;
	v2 =	vshll.u32 v60, $0x1  }
0xe1: {  	[tilespmem:$0x190A0] =	vst v1;
	v1 =	vor.u32 v0, v2;
	v2 =	vshll.u32 v3, $0x1  }
0xe2: {  	[tilespmem:$0x190B0] =	vst v1;
	v1 =	vor.u32 v0, v2;
	v2 =	vshll.u32 v61, $0x1  }
.Ltmp7:
0xe3: {  	[tilespmem:$0x190C0] =	vst v1;
	v1 =	vor.u32 v0, v2;
	v2 =	vshll.u32 v62, $0x1;
	(pc) =	sbr.rel .LBB2_8-.Ltmp7, $4  }
0xe4: {  	[tilespmem:$0x190D0] =	vst v1;
	v1 =	vor.u32 v0, v2;
	v2 =	vshll.u32 v63, $0x1  }
0xe5: {  	[tilespmem:$0x190E0] =	vst v1;
	v1 =	vor.u32 v0, v2  }
0xe6: {  	[tilespmem:$0x190F0] =	vst v1  }
0xe7: {  	[tilespmem:s24], [sflag:$0x4] =	stream.indirect.gather [hbm4b:s4+s23], $0x20, s18, s23, $0xb8;
	[tilespmem:$0x1F600] =	vst v63  }
.LBB2_10:
0xe8: {  	_ =	sfence.sel $0x180000  }
0xe9: {  	[bflag:$0x0] =	sbarrier.arrive $0xFFFF  }
0xea: {  	_ =	strace $0x9000004A  }
0xeb: {  	s0 =	stileid.u32;
	[bflag:$0x2] =	sbarrier.arrive $0xFFFF  }
0xec: {  	p0 =	sne.s32 s0, $0x0;
	s0 =	rddreg [dreg:$0x2]  }
0xed: {  	s0 =	sadd.s32 @!p0 $0x100000, s0  }
0xee: {  	[sflag:s0] =	ssyncadd.tile.s32 @!p0 $0x1;
	_ =	shalt  }
.Lfunc_end2:
_tile_overlayer_lowered:
.L_overlay_start_2:
0xef: {  	(tag) =	ssettag $0x2  }
0xf0: {  	s0 =	rddreg [dreg:$0x0];
	s2 =	stileid.u32  }
0xf1: {  	s1 =	rddreg [dreg:$0x1];
	p0 =	sne.s32 s2, $0x0  }
0xf2: {  	s3 =	rddreg [dreg:$0x2];
	[bflag:$0x3] =	sbarrier.arrive $0xFFFF;
	s2 =	simm.s32 @!p0 $0x1C0A  }
0xf3: {  	[timem:s3], [sflag:s2] =	dma.local @!p0 [hbm:s0], s1  }
0xf4: {  	s0 =	simm.s32 @!p0 $0xA  }
0xf5: {  	_ =	swait.ge @!p0 [sflag:s0], s1  }
0xf6: {  	s1 =	ssub.s32 @!p0 $0x0, s1;
	[sflag:s0] =	ssyncset.done @!p0 $0x0  }
0xf7: {  	[sflag:s0] =	ssyncadd.s32 @!p0 s1  }
0xf8: {  	[bflag:$0x3] =	sbarrier.arrive $0xFFFF  }
0xf9: {  	_ =	shalt  }

// kernel: kernel.14.cloned.1.call-start
scs
__scs_entry_jumppad:
0x0: {  	(pc) =	sbr.rel $0x88, $3  }
0x1: {  	(tag) =	ssettag $0x0;
	lr =	simm.s32 $0x1  }
0x2: {  	[smem:$0x3F94] =	sst lr;
	_ =	strace $0xD0000000  }
0x3: {  	_ = 	snop  }
0x4: {  	_ = 	snop  }
0x5: {  	_ = 	snop  }
0x6: {  	_ = 	snop  }
0x7: {  	_ = 	snop  }
__scs_overlays_trampoline_lowered:
0x8: {  	[smem:$0x3FA3] =	sst s0  }
0x9: {  	[smem:$0x3FA4] =	sst s1  }
0xa: {  	[smem:$0x3FA5] =	sst s2  }
0xb: {  	[smem:$0x3FA6] =	sst s3  }
0xc: {  	[smem:$0x3FA7] =	sst s4  }
0xd: {  	[smem:$0x3FA8] =	sst s5  }
0xe: {  	[smem:$0x3FA9] =	sst s6  }
0xf: {  	[smem:$0x3FAA] =	sst s7  }
0x10: {  	[smem:$0x3FAB] =	sst s8  }
0x11: {  	[smem:$0x3FAC] =	sst s9;
	s0 =	simm.s32 @!p0 $0x0  }
0x12: {  	s1 =	sld [smem:$0x3F92];
	s0 =	simm.s32 @p0 $0x1  }
0x13: {  	[smem:$0x3FAD] =	sst s0;
	s0 =	simm.s32 @!p1 $0x0  }
0x14: {  	s2 =	sld [smem:$0x3F91];
	s0 =	simm.s32 @p1 $0x1  }
0x15: {  	[smem:$0x3FAE] =	sst s0;
	s0 =	simm.s32 @!p2 $0x0  }
0x16: {  	s3 =	sld [smem:$0x3FDB];
	s0 =	simm.s32 @p2 $0x1  }
0x17: {  	s4 =	simm.s32 $0x1BF5;
	[smem:$0x3FB0] =	sst s0  }
0x18: {  	s0 =	sld [smem:$0x3F93];
	_ =	swait.ge [sflag:s4], $0x0  }
0x19: {  	s7 =	sld [smem:$0x3F94]  }
0x1a: {  	s8 =	sadd.s32 $0xFFFFE003, lr  }
0x1b: {  	s9 =	sadd.s32 $0xFFFFFEF7, lr;
	s5 =	simm.s32 $0xFFFFFFFF;
	p2 =	slt.u32 s8, $0xFFFFF086  }
0x1c: {  	p1 =	slt.u32 s9, $0xF7A;
	s5 =	simm.s32 @!p2 $0x0  }
0x1d: {  	s5 =	simm.s32 @p1 $0x1;
	p0 =	seq.s32 s7, s2  }
0x1e: {  	s7 =	smul.u32 @!p0 $0xF7A, s2;
	p2 =	seq.s32 @!p0 s5, $0x0  }
0x1f: {  	s9 =	smul.u32 $0xF7A, s1;
	s8 =	simm.s32 @!p0 $0x1BF5;
	p2 =	por !p2, p0  }
0x20: {  	[sflag:s8] =	ssyncset.s32 @!p0 $0xFFFFF086;
	s6 =	sadd.s32 @!p0 s3, s7;
	s7 =	simm.s32 @!p0 $0x108  }
0x21: {  	s3 =	sadd.s32 s3, s9;
	s6 =	sadd.s32 @!p0 $0x88, s6;
	s7 =	simm.s32 @p2 $0x1082  }
0x22: {  	[simem:s7], [sflag:s8] =	dma.local @!p0 [hbm:s6], $0xF7A  }
0x23: {  	s9 =	sor.u32 $0xD0000000, s2;
	s6 =	simm.s32 $0x108;
	_ =	swait.ge @!p0 [sflag:s8], $0x0  }
0x24: {  	s3 =	sadd.s32 $0x88, s3;
	s6 =	simm.s32 @!p1 $0x1082;
	[sflag:s4] =	ssyncset.s32 $0xFFFFF086  }
0x25: {  	[simem:s6], [sflag:s4] =	dma.local [hbm:s3], $0xF7A  }
0x26: {  	[smem:$0x3F94] =	sst s1;
	(tag) =	ssettag s2;
	_ =	strace s9  }
0x27: {  	s1 =	sld [smem:$0x3FA4]  }
0x28: {  	s2 =	sld [smem:$0x3FA5]  }
0x29: {  	s4 =	sld [smem:$0x3FA7]  }
0x2a: {  	p0 =	seq.s32 s5, $0x0;
	s5 =	sld [smem:$0x3FA8]  }
0x2b: {  	s6 =	sld [smem:$0x3FA9]  }
0x2c: {  	s7 =	sld [smem:$0x3FAA]  }
0x2d: {  	s3 =	simm.s32 $0x108;
	s8 =	sld [smem:$0x3FAB]  }
0x2e: {  	s3 =	simm.s32 @!p0 $0x1082;
	s9 =	sld [smem:$0x3FAC]  }
0x2f: {  	lr =	sadd.s32 s0, s3;
	s0 =	sld [smem:$0x3FA3]  }
0x30: {  	s3 =	sld [smem:$0x3FA6]  }
0x31: {  	[smem:$0x3FAF] =	sst s10  }
0x32: {  	s10 =	sld [smem:$0x3FAD];
	_ =	sdelay $0x3  }
0x33: {  	p0 =	seq.s32 s10, $0x1;
	s10 =	sld [smem:$0x3FAF];
	_ =	sdelay $0x3  }
0x34: {  	[smem:$0x3FAF] =	sst s10  }
0x35: {  	s10 =	sld [smem:$0x3FAE];
	_ =	sdelay $0x3  }
0x36: {  	p1 =	seq.s32 s10, $0x1;
	s10 =	sld [smem:$0x3FAF];
	_ =	sdelay $0x3  }
0x37: {  	[smem:$0x3FAF] =	sst s10  }
0x38: {  	s10 =	sld [smem:$0x3FB0]  }
0x39: {  	_ = 	snop;
	(pc) =	sbr.ind lr, $3  }
0x3a: {  	_ = 	snop  }
0x3b: {  	_ = 	snop  }
0x3c: {  	p2 =	seq.s32 s10, $0x1;
	s10 =	sld [smem:$0x3FAF]  }
0x3d: {  	_ =	shalt  }
0x3e: {  	_ =	shalt  }
0x3f: {  	_ =	shalt  }
0x40: {  	_ =	shalt  }
0x41: {  	_ =	shalt  }
0x42: {  	_ =	shalt  }
0x43: {  	_ =	shalt  }
0x44: {  	_ =	shalt  }
0x45: {  	_ =	shalt  }
0x46: {  	_ =	shalt  }
0x47: {  	_ =	shalt  }
0x48: {  	_ =	shalt  }
0x49: {  	_ =	shalt  }
0x4a: {  	_ =	shalt  }
0x4b: {  	_ =	shalt  }
0x4c: {  	_ =	shalt  }
0x4d: {  	_ =	shalt  }
0x4e: {  	_ =	shalt  }
0x4f: {  	_ =	shalt  }
0x50: {  	_ =	shalt  }
0x51: {  	_ =	shalt  }
0x52: {  	_ =	shalt  }
0x53: {  	_ =	shalt  }
0x54: {  	_ =	shalt  }
0x55: {  	_ =	shalt  }
0x56: {  	_ =	shalt  }
0x57: {  	_ =	shalt  }
0x58: {  	_ =	shalt  }
0x59: {  	_ =	shalt  }
0x5a: {  	_ =	shalt  }
0x5b: {  	_ =	shalt  }
0x5c: {  	_ =	shalt  }
0x5d: {  	_ =	shalt  }
0x5e: {  	_ =	shalt  }
0x5f: {  	_ =	shalt  }
0x60: {  	_ =	shalt  }
0x61: {  	_ =	shalt  }
0x62: {  	_ =	shalt  }
0x63: {  	_ =	shalt  }
0x64: {  	_ =	shalt  }
0x65: {  	_ =	shalt  }
0x66: {  	_ =	shalt  }
0x67: {  	_ =	shalt  }
0x68: {  	_ =	shalt  }
0x69: {  	_ =	shalt  }
0x6a: {  	_ =	shalt  }
0x6b: {  	_ =	shalt  }
0x6c: {  	_ =	shalt  }
0x6d: {  	_ =	shalt  }
0x6e: {  	_ =	shalt  }
0x6f: {  	_ =	shalt  }
0x70: {  	_ =	shalt  }
0x71: {  	_ =	shalt  }
0x72: {  	_ =	shalt  }
0x73: {  	_ =	shalt  }
0x74: {  	_ =	shalt  }
0x75: {  	_ =	shalt  }
0x76: {  	_ =	shalt  }
0x77: {  	_ =	shalt  }
0x78: {  	_ =	shalt  }
0x79: {  	_ =	shalt  }
0x7a: {  	_ =	shalt  }
0x7b: {  	_ =	shalt  }
0x7c: {  	_ =	shalt  }
0x7d: {  	_ =	shalt  }
0x7e: {  	_ =	shalt  }
0x7f: {  	_ =	shalt  }
0x80: {  	_ =	shalt  }
0x81: {  	_ =	shalt  }
0x82: {  	_ =	shalt  }
0x83: {  	_ =	shalt  }
0x84: {  	_ =	shalt  }
0x85: {  	_ =	shalt  }
0x86: {  	_ =	shalt  }
0x87: {  	_ =	shalt  }
.Lfunc_end0:
.L_simem_size_0:
called_computation.2_lowered:
.L_overlay_start_0:
0x88: {  	s2 =	sld [smem:$0x3FD9]  }
0x89: {  	s3 =	sld [smem:$0x3FFE];
	_ =	sdelay $0x1  }
0x8a: {  	s1 =	srdreg.scid  }
0x8b: {  	s0 =	sand.u32 $0x1, s1  }
0x8c: {  	s16 =	sshll.u32 s0, $0xA;
	s2 =	sadd.s32 s3, s2  }
0x8d: {  	s2 =	sadd.s32 s2, s16  }
0x8e: {  	[smem:$0x3FBB] =	sst s2  }
0x8f: {  	_ = 	snop  }
0x90: {  	(tm) =	ssettm $0x1  }
0x91: {  	s17 =	sld [smem:$0x3FFB];
	_ =	sdelay $0x3  }
0x92: {  	_ =	strace s17  }
0x93: {  	s2 =	sld [smem:$0x3FFC];
	_ =	sdelay $0x3  }
0x94: {  	_ =	strace s2  }
0x95: {  	s2 =	sld [smem:$0x3FFD];
	_ =	sdelay $0x3  }
0x96: {  	_ =	strace s2  }
0x97: {  	_ =	strace $0x8FFFFFFF  }
0x98: {  	s18 =	sld [smem:$0x3FDB];
	_ =	sdelay $0x1  }
0x99: {  	s19 =	simm.s32 $_scs_section_size  }
0x9a: {  	s4 =	simm.s32 $_size__tile_overlayer_lowered;
	s5 =	simm.s32 $_tile_overlayer_lowered  }
0x9b: {  	s22 =	simm.s32 $0x1BFF;
	s21 =	sshll.u32 s5, $0x1;
	s2 =	sadd.s32 s19, s18  }
0x9c: {  	s6 =	simm.s32 $0x0;
	s20 =	sshll.u32 s4, $0x1;
	s4 =	sadd.s32 s21, s2  }
0x9d: {  	[timem:s6], [sflag:s22] =	dma.local [hbm:s4], s20  }
0x9e: {  	_ =	swait.ge [sflag:s22], s20  }
0x9f: {  	s3 =	ssub.s32 $0x0, s20;
	[sflag:s22] =	ssyncset.done $0x0  }
0xa0: {  	[sflag:s22] =	ssyncadd.s32 s3;
	_ =	sdelay $0x1  }
0xa1: {  	s23 =	simm.s32 $0x1B8B  }
0xa2: {  	_ =	swait.ge [sflag:s23], $0x1  }
0xa3: {  	[sflag:s23] =	ssyncset.done $0x0  }
0xa4: {  	s25 =	simm.s32 $0x1B8E;
	s24 =	sld [smem:$0x3FFE];
	[sflag:s23] =	ssyncadd.s32 $0xFFFFFFFF  }
0xa5: {  	s26 =	simm.s32 $execute0_lowered;
	[smem:$0x3FD2] =	sst s25  }
0xa6: {  	s4 =	sshll.u32 s26, $0x1;
	_ =	strace $0x8000004C;
	[dreg:$0x1] =	wrdreg $0xFFFFFFFF  }
0xa7: {  	s28 =	simm.s32 $_size_execute0_lowered;
	s2 =	sadd.s32 s2, s4;
	[dreg:$0x0] =	wrdreg $0x0  }
0xa8: {  	s4 =	sshll.u32 s28, $0x1;
	[dreg:$0x2] =	wrdreg s2  }
0xa9: {  	[dreg:$0x3] =	wrdreg s4  }
0xaa: {  	[dreg:$0x4] =	wrdreg $0xC0  }
0xab: {  	_ =	task [dreg:s6], $0x5FFFF  }
0xac: {  	[dreg:$0x1] =	wrdreg $0xFFFFFFFF  }
0xad: {  	[dreg:$0x0] =	wrdreg $0x60  }
0xae: {  	[dreg:$0x2] =	wrdreg s24  }
0xaf: {  	[dreg:$0x3] =	wrdreg $0x0  }
0xb0: {  	[dreg:$0x4] =	wrdreg $0x9  }
0xb1: {  	_ =	task.clear_ibuf [dreg:s6], $0x5FFFF;
	_ =	strace $0x9000004C  }
0xb2: {  	s29 =	simm.s32 $0x9;
	_ =	strace $0x8000004E  }
0xb3: {  	_ =	swait.ge [sflag:s29], $0x1  }
0xb4: {  	[sflag:s29] =	ssyncadd.s32 $0xFFFFFFFF  }
0xb5: {  	_ =	strace $0x9000004E  }
0xb6: {  	_ =	sfence  }
0xb7: {  	s30 =	sld [smem:$0x0];
	_ =	sdelay $0x2  }
0xb8: {  	s31 =	sshll.u32 s1, $0xD;
	s1 =	sshrl.u32 s1, $0x2  }
0xb9: {  	s3 =	sand.u32 $0x4000, s31;
	s1 =	sadd.s32 s1, s30  }
0xba: {  	s0 =	sor.u32 s3, s0;
	s1 =	sshll.u32 s1, $0x11  }
0xbb: {  	s0 =	sor.u32 s1, s0  }
0xbc: {  	s0 =	sadd.s32 $0x8F2B, s0  }
0xbd: {  	[sflag:s0] =	ssyncadd.remote.s32 $0x1  }
0xbe: {  	_ =	sfence.sel $0xFFFF  }
0xbf: {  	[dreg:$0x0] =	wrdreg $0xFFFFFFFF;
	(pc) =	sbr.abs _section_cstart, $3  }
0xc0: {  	[dreg:$0x1] =	wrdreg $0xFFFFFFFF  }
0xc1: {  	_ =	task.clear_ibuf [dreg:s6], $0x2FFFF;
	_ =	strace $0x9FFFFFFF  }
0xc2: {  	(tm) =	ssettm $0x7FFFFFFF  }
0xc3: {  	_ =	shalt  }
tec
execute0_lowered:
.L_overlay_start_1:
0x0: {  	(tag) =	ssettag $0x1  }
0x1: {  	s0 =	rddreg [dreg:$0x0]  }
0x2: {  	s2 =	rddreg [dreg:$0x1];
	s3 =	simm.s32 $0x0  }
0x3: {  	s8 =	stileid.u32;
	s1 =	srdreg.scid;
	s11 =	simm.s32 $0xC3  }
0x4: {  	s12 =	simm.s32 $0xC2;
	s17 =	simm.s32 $0xA;
	s18 =	simm.s32 $0x19000  }
0x5: {  	s20 =	simm.s32 $0x19100;
	s28 =	simm.s32 $0x3;
	s29 =	simm.s32 $0x19200  }
0x6: {  	s30 =	simm.s32 $0x1D600;
	s31 =	simm.s32 $0x7;
	[smem:$0x7FF] =	sst s3  }
0x7: {  	s1 =	sand.u32 $0x1, s1;
	s5 =	smul.u32 $0x32000, s8;
	s4 =	sadd.s32 $0x33C00, s0  }
0x8: {  	s6 =	sshll.u32 s8, $0x5;
	s21 =	smul.u32 $0x64000, s8;
	s22 =	sadd.s32 $0x97C00, s0  }
0x9: {  	s25 =	sshll.u32 s8, $0x6;
	p0 =	slt.u32 s8, $0x5;
	_ =	strace $0x8000004D  }
0xa: {  	s7 =	sshll.u32 s1, $0x5;
	s9 =	sadd.s32 s6, s0;
	[dreg:$0x3] =	wrdreg s22  }
0xb: {  	s23 =	ssub.s32 $0x2, s1;
	s11 =	simm.s32 @!p0 $0xC2;
	s12 =	simm.s32 @!p0 $0xC1  }
0xc: {  	s22 =	simm.s32 $0x1;
	v0 =	vmov s1;
	s1 =	simm.s32 $0x9;
	s5 =	sor.u32 s7, s5  }
0xd: {  	s24 =	sshrl.u32 s23, $0x1;
	s6 =	sshrl.u32 s21, $0x2;
	s7 =	simm.s32 $0xC4  }
0xe: {  	s8 =	sadd.s32 $0x2E00, s9;
	s10 =	sadd.s32 $0x1B4A0, s9;
	s26 =	sadd.s32 $0x3000, s9  }
0xf: {  	s9 =	sadd.s32 $0x1B6A0, s9;
	s21 =	simm.s32 $0x0;
	s5 =	sshrl.u32 s5, $0x3  }
0x10: {  	s16 =	sadd.s32 s6, s2;
	s6 =	sor.u32 $0x1C0A, s25;
	[dreg:$0x4] =	wrdreg s10  }
.Ltmp0:
0x11: {  	s7 =	simm.s32 @!p0 $0xC3;
	[dreg:$0x5] =	wrdreg s26;
	(pc) =	sbr.rel .LBB2_1-.Ltmp0, $4  }
0x12: {  	[dreg:$0x6] =	wrdreg s9;
	s25 =	simm.s32 $0x2;
	s26 =	simm.s32 $0x1B600  }
0x13: {  	s0 =	sadd.s32 s5, s0;
	s5 =	ssub.s32 s23, s24;
	s16 =	sshrl.u32 s16, $0x3  }
0x14: {  	s23 =	simm.s32 $0x100;
	s24 =	simm.s32 $0x19600;
	s0 =	sadd.s32 $0x9AE00, s0  }
0x15: {  	s15 =	smax.u32 s5, $0x1;
	[dreg:$0x7] =	wrdreg s0;
	s0 =	simm.s32 $0x8  }
.LBB2_9:
0x16: {  	_ =	swait.ge [sflag:s31], $0x2000  }
0x17: {  	[sflag:s31] =	ssyncset.done $0x0  }
0x18: {  	[sflag:s31] =	ssyncadd.s32 $0xFFFFE000  }
0x19: {  	_ =	swait.ge [sflag:s0], $0x2000  }
0x1a: {  	[sflag:s0] =	ssyncset.done $0x0  }
0x1b: {  	[sflag:s0] =	ssyncadd.s32 $0xFFFFE000  }
0x1c: {  	_ =	swait.ge [sflag:s1], $0x2000  }
0x1d: {  	[sflag:s1] =	ssyncset.done $0x0  }
0x1e: {  	s21 =	sadd.s32 $0x1, s21;
	[sflag:s1] =	ssyncadd.s32 $0xFFFFE000  }
0x1f: {  	p0 =	sne.s32 s21, s15;
	[bflag:$0x0] =	sbarrier.arrive $0xFFFF  }
.Ltmp1:
0x20: {  	s9 =	simm.s32 $0x4;
	s5 =	rddreg [dreg:$0x7];
	(pc) =	sbr.rel @!p0 .LBB2_10-.Ltmp1, $4  }
0x21: {  	[hbm:s5@s0], [sflag:s6] =	dma.strided [spmem:s16@s9], $0x3200, s22, $0x4   }
0x22: {  	_ =	swait.ge [sflag:s17], $0x3200  }
0x23: {  	[sflag:s17] =	ssyncset.done $0x0  }
0x24: {  	[sflag:s17] =	ssyncadd.s32 $0xFFFFCE00  }
.LBB2_1:
0x25: {  	s5 =	rddreg [dreg:$0x3]  }
0x26: {  	[spmem:s16], [sflag:s6] =	dma.local [hbm:s5], $0x3200  }
0x27: {  	_ =	swait.ge [sflag:s17], $0x3200  }
0x28: {  	[sflag:s17] =	ssyncset.done $0x0  }
0x29: {  	[sflag:s17] =	ssyncadd.s32 $0xFFFFCE00  }
0x2a: {  	[bflag:$0x0] =	sbarrier.arrive $0xFFFF  }
0x2b: {  	[tilespmem:s18], [sflag:$0x1] =	stream.linear.gather [hbm4b:s8+s3], $0x100, $0x38;
	[tilespmem:$0x1F600] =	vst v63  }
0x2c: {  	s9 =	simm.s32 $0x19300;
	s10 =	rddreg [dreg:$0x4]  }
0x2d: {  	[tilespmem:s9], [sflag:$0x1] =	stream.linear.gather [hbm4b:s10+s3], $0x100, $0x38;
	[tilespmem:$0x1F600] =	vst v63  }
0x2e: {  	s13 =	rddreg [dreg:$0x5]  }
0x2f: {  	[tilespmem:s20], [sflag:$0x2] =	stream.linear.gather [hbm4b:s13+s3], $0x100, $0x38;
	[tilespmem:$0x1F600] =	vst v63  }
0x30: {  	s19 =	simm.s32 $0x19400;
	s14 =	rddreg [dreg:$0x6]  }
0x31: {  	[tilespmem:s19], [sflag:$0x2] =	stream.linear.gather [hbm4b:s14+s3], $0x100, $0x38;
	[tilespmem:$0x1F600] =	vst v63  }
0x32: {  	_ =	swait.ge [sflag:s22], $0x100  }
0x33: {  	[sflag:s22] =	ssyncset.done $0x0  }
0x34: {  	[sflag:s22] =	ssyncadd.s32 $0xFFFFFF00  }
0x35: {  	_ =	swait.ge [sflag:s22], $0x100  }
0x36: {  	[sflag:s22] =	ssyncset.done $0x0  }
0x37: {  	[sflag:s22] =	ssyncadd.s32 $0xFFFFFF00  }
0x38: {  	v1 =	vld [tilespmem:$0x19000]  }
0x39: {  	v2 =	vld [tilespmem:$0x19010]  }
0x3a: {  	v3 =	vld [tilespmem:$0x19020]  }
0x3b: {  	v4 =	vld [tilespmem:$0x19030]  }
0x3c: {  	v5 =	vld [tilespmem:$0x19040]  }
0x3d: {  	v6 =	vld [tilespmem:$0x19050];
	v1 =	vshll.u32 v1, $0x1  }
0x3e: {  	v7 =	vld [tilespmem:$0x19060];
	v2 =	vshll.u32 v2, $0x1;
	v1 =	vor.u32 v0, v1  }
0x3f: {  	[tilespmem:$0x19000] =	vst v1;
	v1 =	vor.u32 v0, v2;
	v2 =	vshll.u32 v3, $0x1;
	v3 =	vld [tilespmem:$0x19070]  }
0x40: {  	v57 =	vld [tilespmem:$0x19080];
	[tilespmem:$0x19010] =	vst v1;
	v1 =	vor.u32 v0, v2;
	v2 =	vshll.u32 v4, $0x1  }
0x41: {  	v58 =	vld [tilespmem:$0x19090];
	[tilespmem:$0x19020] =	vst v1;
	v1 =	vor.u32 v0, v2;
	v2 =	vshll.u32 v5, $0x1  }
0x42: {  	v59 =	vld [tilespmem:$0x190A0];
	[tilespmem:$0x19030] =	vst v1;
	v1 =	vor.u32 v0, v2;
	v2 =	vshll.u32 v6, $0x1  }
0x43: {  	v60 =	vld [tilespmem:$0x190B0];
	[tilespmem:$0x19040] =	vst v1;
	v1 =	vor.u32 v0, v2;
	v2 =	vshll.u32 v7, $0x1  }
0x44: {  	[tilespmem:$0x19050] =	vst v1;
	v1 =	vor.u32 v0, v2;
	v2 =	vshll.u32 v3, $0x1;
	v3 =	vld [tilespmem:$0x190C0]  }
0x45: {  	v61 =	vld [tilespmem:$0x190D0];
	[tilespmem:$0x19060] =	vst v1;
	v1 =	vor.u32 v0, v2;
	v2 =	vshll.u32 v57, $0x1  }
0x46: {  	v62 =	vld [tilespmem:$0x190E0];
	[tilespmem:$0x19070] =	vst v1;
	v1 =	vor.u32 v0, v2;
	v2 =	vshll.u32 v58, $0x1  }
0x47: {  	v63 =	vld [tilespmem:$0x190F0];
	[tilespmem:$0x19080] =	vst v1;
	v1 =	vor.u32 v0, v2;
	v2 =	vshll.u32 v59, $0x1  }
0x48: {  	[tilespmem:$0x19090] =	vst v1;
	v1 =	vor.u32 v0, v2;
	v2 =	vshll.u32 v60, $0x1  }
0x49: {  	[tilespmem:$0x190A0] =	vst v1;
	v1 =	vor.u32 v0, v2;
	v2 =	vshll.u32 v3, $0x1  }
0x4a: {  	[tilespmem:$0x190B0] =	vst v1;
	v1 =	vor.u32 v0, v2;
	v2 =	vshll.u32 v61, $0x1  }
.Ltmp2:
0x4b: {  	[tilespmem:$0x190C0] =	vst v1;
	v1 =	vor.u32 v0, v2;
	v2 =	vshll.u32 v62, $0x1;
	(pc) =	sbr.rel .LBB2_2-.Ltmp2, $4  }
0x4c: {  	[tilespmem:$0x190D0] =	vst v1;
	v1 =	vor.u32 v0, v2;
	v2 =	vshll.u32 v63, $0x1  }
0x4d: {  	[tilespmem:$0x190E0] =	vst v1;
	v1 =	vor.u32 v0, v2  }
0x4e: {  	s5 =	simm.s32 $0x0;
	s19 =	simm.s32 $0x2;
	[tilespmem:$0x190F0] =	vst v1  }
0x4f: {  	[tilespmem:s24], [sflag:$0x4] =	stream.indirect.gather [hbm4b:s4+s23], $0x20, s18, s23, $0xb8;
	[tilespmem:$0x1F600] =	vst v63  }
.LBB2_8:
0x50: {  	p0 =	sge.u32 s19, s7  }
0x51: {  	s9 =	simm.s32 @!p0 $0x6  }
0x52: {  	_ =	swait.ge @!p0 [sflag:s9], $0x2000  }
0x53: {  	s10 =	simm.s32 @!p0 $0x19500;
	[sflag:s9] =	ssyncset.done @!p0 $0x0  }
0x54: {  	s13 =	simm.s32 @!p0 $0x1D600;
	[sflag:s9] =	ssyncadd.s32 @!p0 $0xFFFFE000;
	s9 =	simm.s32 @!p0 $0x100  }
0x55: {  	[spmem:s2] =	stream.indirect.scatter.add.f32 @!p0 [tilespmem:s13], [sflag:$0x9], $0x20, s10, s9, $0xb8;
	[tilespmem:$0x1F600] =	vst v63  }
0x56: {  	p0 =	sge.u32 s19, s12  }
0x57: {  	s9 =	simm.s32 @!p0 $0x8  }
0x58: {  	_ =	swait.ge @!p0 [sflag:s9], $0x2000  }
0x59: {  	[sflag:s9] =	ssyncset.done @!p0 $0x0  }
0x5a: {  	[sflag:s9] =	ssyncadd.s32 @!p0 $0xFFFFE000;
	s9 =	sadd.s32 @!p0 s5, s8  }
0x5b: {  	s13 =	simm.s32 @!p0 $0x0;
	s14 =	simm.s32 @!p0 $0x19100;
	s10 =	sadd.s32 @!p0 $0x800, s9  }
0x5c: {  	[tilespmem:s14], [sflag:$0x2] =	stream.linear.gather @!p0 [hbm4b:s10+s13], $0x100, $0x38;
	[tilespmem:$0x1F600] =	vst v63  }
0x5d: {  	s5 =	sadd.s32 $0x600, s5;
	s9 =	sadd.s32 @!p0 $0x18EA0, s9;
	s10 =	simm.s32 @!p0 $0x19400  }
0x5e: {  	[tilespmem:s10], [sflag:$0x2] =	stream.linear.gather @!p0 [hbm4b:s9+s13], $0x100, $0x38;
	[tilespmem:$0x1F600] =	vst v63  }
0x5f: {  	p0 =	sne.s32 s5, $0x18C00  }
.Ltmp3:
0x60: {  	_ = 	snop;
	(pc) =	sbr.rel @!p0 .LBB2_9-.Ltmp3, $2  }
0x61: {  	_ =	sdelay $0x2  }
0x62: {  	s19 =	sadd.s32 $0x3, s19  }
.LBB2_2:
0x63: {  	s9 =	sadd.s32 $0xFFFFFFFE, s19  }
0x64: {  	p0 =	sge.u32 s9, s11  }
.Ltmp4:
0x65: {  	_ = 	snop;
	(pc) =	sbr.rel @p0 .LBB2_4-.Ltmp4, $1  }
0x66: {  	_ =	sdelay $0x3  }
0x67: {  	_ =	swait.ge [sflag:s25], $0x100  }
0x68: {  	[sflag:s25] =	ssyncset.done $0x0  }
0x69: {  	[sflag:s25] =	ssyncadd.s32 $0xFFFFFF00  }
0x6a: {  	_ =	swait.ge [sflag:s25], $0x100  }
0x6b: {  	[sflag:s25] =	ssyncset.done $0x0  }
0x6c: {  	[sflag:s25] =	ssyncadd.s32 $0xFFFFFF00  }
0x6d: {  	v1 =	vld [tilespmem:$0x19100]  }
0x6e: {  	v2 =	vld [tilespmem:$0x19110]  }
0x6f: {  	v3 =	vld [tilespmem:$0x19120]  }
0x70: {  	v4 =	vld [tilespmem:$0x19130]  }
0x71: {  	v5 =	vld [tilespmem:$0x19140]  }
0x72: {  	v6 =	vld [tilespmem:$0x19150];
	v1 =	vshll.u32 v1, $0x1  }
0x73: {  	v7 =	vld [tilespmem:$0x19160];
	v2 =	vshll.u32 v2, $0x1;
	v1 =	vor.u32 v0, v1  }
0x74: {  	[tilespmem:$0x19100] =	vst v1;
	v1 =	vor.u32 v0, v2;
	v2 =	vshll.u32 v3, $0x1;
	v3 =	vld [tilespmem:$0x19170]  }
0x75: {  	v57 =	vld [tilespmem:$0x19180];
	[tilespmem:$0x19110] =	vst v1;
	v1 =	vor.u32 v0, v2;
	v2 =	vshll.u32 v4, $0x1  }
0x76: {  	v58 =	vld [tilespmem:$0x19190];
	[tilespmem:$0x19120] =	vst v1;
	v1 =	vor.u32 v0, v2;
	v2 =	vshll.u32 v5, $0x1  }
0x77: {  	v59 =	vld [tilespmem:$0x191A0];
	[tilespmem:$0x19130] =	vst v1;
	v1 =	vor.u32 v0, v2;
	v2 =	vshll.u32 v6, $0x1  }
0x78: {  	v60 =	vld [tilespmem:$0x191B0];
	[tilespmem:$0x19140] =	vst v1;
	v1 =	vor.u32 v0, v2;
	v2 =	vshll.u32 v7, $0x1  }
0x79: {  	[tilespmem:$0x19150] =	vst v1;
	v1 =	vor.u32 v0, v2;
	v2 =	vshll.u32 v3, $0x1;
	v3 =	vld [tilespmem:$0x191C0]  }
0x7a: {  	v61 =	vld [tilespmem:$0x191D0];
	[tilespmem:$0x19160] =	vst v1;
	v1 =	vor.u32 v0, v2;
	v2 =	vshll.u32 v57, $0x1  }
0x7b: {  	v62 =	vld [tilespmem:$0x191E0];
	[tilespmem:$0x19170] =	vst v1;
	v1 =	vor.u32 v0, v2;
	v2 =	vshll.u32 v58, $0x1  }
0x7c: {  	v63 =	vld [tilespmem:$0x191F0];
	[tilespmem:$0x19180] =	vst v1;
	v1 =	vor.u32 v0, v2;
	v2 =	vshll.u32 v59, $0x1  }
0x7d: {  	[tilespmem:$0x19190] =	vst v1;
	v1 =	vor.u32 v0, v2;
	v2 =	vshll.u32 v60, $0x1  }
0x7e: {  	[tilespmem:$0x191A0] =	vst v1;
	v1 =	vor.u32 v0, v2;
	v2 =	vshll.u32 v3, $0x1  }
0x7f: {  	[tilespmem:$0x191B0] =	vst v1;
	v1 =	vor.u32 v0, v2;
	v2 =	vshll.u32 v61, $0x1  }
0x80: {  	[tilespmem:$0x191C0] =	vst v1;
	v1 =	vor.u32 v0, v2;
	v2 =	vshll.u32 v62, $0x1  }
0x81: {  	[tilespmem:$0x191D0] =	vst v1;
	v1 =	vor.u32 v0, v2;
	v2 =	vshll.u32 v63, $0x1  }
0x82: {  	[tilespmem:$0x191E0] =	vst v1;
	v1 =	vor.u32 v0, v2  }
0x83: {  	[tilespmem:$0x191F0] =	vst v1  }
0x84: {  	[tilespmem:s26], [sflag:$0x5] =	stream.indirect.gather [hbm4b:s4+s23], $0x20, s20, s23, $0xb8;
	[tilespmem:$0x1F600] =	vst v63  }
.LBB2_4:
0x85: {  	p0 =	sge.u32 s9, s7  }
0x86: {  	s10 =	simm.s32 @!p0 $0x4  }
0x87: {  	_ =	swait.ge @!p0 [sflag:s10], $0x2000  }
0x88: {  	s13 =	simm.s32 @!p0 $0x19300;
	[sflag:s10] =	ssyncset.done @!p0 $0x0  }
0x89: {  	s14 =	simm.s32 @!p0 $0x19600;
	[sflag:s10] =	ssyncadd.s32 @!p0 $0xFFFFE000;
	s10 =	simm.s32 @!p0 $0x100  }
0x8a: {  	[spmem:s2] =	stream.indirect.scatter.add.f32 @!p0 [tilespmem:s14], [sflag:$0x7], $0x20, s13, s10, $0xb8;
	[tilespmem:$0x1F600] =	vst v63  }
0x8b: {  	p0 =	sge.u32 s9, s12  }
0x8c: {  	p1 =	seq.s32 @!p0 s5, $0x0  }
0x8d: {  	p1 =	por p1, p0  }
0x8e: {  	s9 =	simm.s32 @!p1 $0x9  }
0x8f: {  	_ =	swait.ge @!p1 [sflag:s9], $0x2000  }
0x90: {  	[sflag:s9] =	ssyncset.done @!p1 $0x0  }
0x91: {  	[sflag:s9] =	ssyncadd.s32 @!p1 $0xFFFFE000;
	s9 =	sadd.s32 @!p0 s5, s8  }
0x92: {  	s13 =	simm.s32 @!p0 $0x0;
	s14 =	simm.s32 @!p0 $0x19200;
	s10 =	sadd.s32 @!p0 $0x400, s9  }
0x93: {  	[tilespmem:s14], [sflag:$0x3] =	stream.linear.gather @!p0 [hbm4b:s10+s13], $0x100, $0x38;
	[tilespmem:$0x1F600] =	vst v63  }
0x94: {  	s9 =	sadd.s32 @!p0 $0x18AA0, s9;
	s10 =	simm.s32 @!p0 $0x19500  }
0x95: {  	[tilespmem:s10], [sflag:$0x3] =	stream.linear.gather @!p0 [hbm4b:s9+s13], $0x100, $0x38;
	[tilespmem:$0x1F600] =	vst v63  }
0x96: {  	s9 =	sadd.s32 $0xFFFFFFFF, s19  }
0x97: {  	p0 =	sge.u32 s9, s11  }
.Ltmp5:
0x98: {  	_ = 	snop;
	(pc) =	sbr.rel @p0 .LBB2_6-.Ltmp5, $1  }
0x99: {  	_ =	sdelay $0x3  }
0x9a: {  	_ =	swait.ge [sflag:s28], $0x100  }
0x9b: {  	[sflag:s28] =	ssyncset.done $0x0  }
0x9c: {  	[sflag:s28] =	ssyncadd.s32 $0xFFFFFF00  }
0x9d: {  	_ =	swait.ge [sflag:s28], $0x100  }
0x9e: {  	[sflag:s28] =	ssyncset.done $0x0  }
0x9f: {  	[sflag:s28] =	ssyncadd.s32 $0xFFFFFF00  }
0xa0: {  	v1 =	vld [tilespmem:$0x19200]  }
0xa1: {  	v2 =	vld [tilespmem:$0x19210]  }
0xa2: {  	v3 =	vld [tilespmem:$0x19220]  }
0xa3: {  	v4 =	vld [tilespmem:$0x19230]  }
0xa4: {  	v5 =	vld [tilespmem:$0x19240]  }
0xa5: {  	v6 =	vld [tilespmem:$0x19250];
	v1 =	vshll.u32 v1, $0x1  }
0xa6: {  	v7 =	vld [tilespmem:$0x19260];
	v2 =	vshll.u32 v2, $0x1;
	v1 =	vor.u32 v0, v1  }
0xa7: {  	[tilespmem:$0x19200] =	vst v1;
	v1 =	vor.u32 v0, v2;
	v2 =	vshll.u32 v3, $0x1;
	v3 =	vld [tilespmem:$0x19270]  }
0xa8: {  	v57 =	vld [tilespmem:$0x19280];
	[tilespmem:$0x19210] =	vst v1;
	v1 =	vor.u32 v0, v2;
	v2 =	vshll.u32 v4, $0x1  }
0xa9: {  	v58 =	vld [tilespmem:$0x19290];
	[tilespmem:$0x19220] =	vst v1;
	v1 =	vor.u32 v0, v2;
	v2 =	vshll.u32 v5, $0x1  }
0xaa: {  	v59 =	vld [tilespmem:$0x192A0];
	[tilespmem:$0x19230] =	vst v1;
	v1 =	vor.u32 v0, v2;
	v2 =	vshll.u32 v6, $0x1  }
0xab: {  	v60 =	vld [tilespmem:$0x192B0];
	[tilespmem:$0x19240] =	vst v1;
	v1 =	vor.u32 v0, v2;
	v2 =	vshll.u32 v7, $0x1  }
0xac: {  	[tilespmem:$0x19250] =	vst v1;
	v1 =	vor.u32 v0, v2;
	v2 =	vshll.u32 v3, $0x1;
	v3 =	vld [tilespmem:$0x192C0]  }
0xad: {  	v61 =	vld [tilespmem:$0x192D0];
	[tilespmem:$0x19260] =	vst v1;
	v1 =	vor.u32 v0, v2;
	v2 =	vshll.u32 v57, $0x1  }
0xae: {  	v62 =	vld [tilespmem:$0x192E0];
	[tilespmem:$0x19270] =	vst v1;
	v1 =	vor.u32 v0, v2;
	v2 =	vshll.u32 v58, $0x1  }
0xaf: {  	v63 =	vld [tilespmem:$0x192F0];
	[tilespmem:$0x19280] =	vst v1;
	v1 =	vor.u32 v0, v2;
	v2 =	vshll.u32 v59, $0x1  }
0xb0: {  	[tilespmem:$0x19290] =	vst v1;
	v1 =	vor.u32 v0, v2;
	v2 =	vshll.u32 v60, $0x1  }
0xb1: {  	[tilespmem:$0x192A0] =	vst v1;
	v1 =	vor.u32 v0, v2;
	v2 =	vshll.u32 v3, $0x1  }
0xb2: {  	[tilespmem:$0x192B0] =	vst v1;
	v1 =	vor.u32 v0, v2;
	v2 =	vshll.u32 v61, $0x1  }
0xb3: {  	[tilespmem:$0x192C0] =	vst v1;
	v1 =	vor.u32 v0, v2;
	v2 =	vshll.u32 v62, $0x1  }
0xb4: {  	[tilespmem:$0x192D0] =	vst v1;
	v1 =	vor.u32 v0, v2;
	v2 =	vshll.u32 v63, $0x1  }
0xb5: {  	[tilespmem:$0x192E0] =	vst v1;
	v1 =	vor.u32 v0, v2  }
0xb6: {  	[tilespmem:$0x192F0] =	vst v1  }
0xb7: {  	[tilespmem:s30], [sflag:$0x6] =	stream.indirect.gather [hbm4b:s4+s23], $0x20, s29, s23, $0xb8;
	[tilespmem:$0x1F600] =	vst v63  }
.LBB2_6:
0xb8: {  	p0 =	sge.u32 s9, s7  }
0xb9: {  	s10 =	simm.s32 @!p0 $0x5  }
0xba: {  	_ =	swait.ge @!p0 [sflag:s10], $0x2000  }
0xbb: {  	s13 =	simm.s32 @!p0 $0x19400;
	[sflag:s10] =	ssyncset.done @!p0 $0x0  }
0xbc: {  	s14 =	simm.s32 @!p0 $0x1B600;
	[sflag:s10] =	ssyncadd.s32 @!p0 $0xFFFFE000;
	s10 =	simm.s32 @!p0 $0x100  }
0xbd: {  	[spmem:s2] =	stream.indirect.scatter.add.f32 @!p0 [tilespmem:s14], [sflag:$0x8], $0x20, s13, s10, $0xb8;
	[tilespmem:$0x1F600] =	vst v63  }
0xbe: {  	p0 =	sge.u32 s9, s12  }
0xbf: {  	s9 =	simm.s32 @!p0 $0x7  }
0xc0: {  	_ =	swait.ge @!p0 [sflag:s9], $0x2000  }
0xc1: {  	[sflag:s9] =	ssyncset.done @!p0 $0x0  }
0xc2: {  	[sflag:s9] =	ssyncadd.s32 @!p0 $0xFFFFE000;
	s9 =	sadd.s32 @!p0 s5, s8  }
0xc3: {  	s13 =	simm.s32 @!p0 $0x0;
	s14 =	simm.s32 @!p0 $0x19000;
	s10 =	sadd.s32 @!p0 $0x600, s9  }
0xc4: {  	[tilespmem:s14], [sflag:$0x1] =	stream.linear.gather @!p0 [hbm4b:s10+s13], $0x100, $0x38;
	[tilespmem:$0x1F600] =	vst v63  }
0xc5: {  	s9 =	sadd.s32 @!p0 $0x18CA0, s9;
	s10 =	simm.s32 @!p0 $0x19300  }
0xc6: {  	[tilespmem:s10], [sflag:$0x1] =	stream.linear.gather @!p0 [hbm4b:s9+s13], $0x100, $0x38;
	[tilespmem:$0x1F600] =	vst v63  }
0xc7: {  	p0 =	sge.u32 s19, s11  }
.Ltmp6:
0xc8: {  	_ = 	snop;
	(pc) =	sbr.rel @p0 .LBB2_8-.Ltmp6, $1  }
0xc9: {  	_ =	sdelay $0x3  }
0xca: {  	_ =	swait.ge [sflag:s22], $0x100  }
0xcb: {  	[sflag:s22] =	ssyncset.done $0x0  }
0xcc: {  	[sflag:s22] =	ssyncadd.s32 $0xFFFFFF00  }
0xcd: {  	_ =	swait.ge [sflag:s22], $0x100  }
0xce: {  	[sflag:s22] =	ssyncset.done $0x0  }
0xcf: {  	[sflag:s22] =	ssyncadd.s32 $0xFFFFFF00  }
0xd0: {  	v1 =	vld [tilespmem:$0x19000]  }
0xd1: {  	v2 =	vld [tilespmem:$0x19010]  }
0xd2: {  	v3 =	vld [tilespmem:$0x19020]  }
0xd3: {  	v4 =	vld [tilespmem:$0x19030]  }
0xd4: {  	v5 =	vld [tilespmem:$0x19040]  }
0xd5: {  	v6 =	vld [tilespmem:$0x19050];
	v1 =	vshll.u32 v1, $0x1  }
0xd6: {  	v7 =	vld [tilespmem:$0x19060];
	v2 =	vshll.u32 v2, $0x1;
	v1 =	vor.u32 v0, v1  }
0xd7: {  	[tilespmem:$0x19000] =	vst v1;
	v1 =	vor.u32 v0, v2;
	v2 =	vshll.u32 v3, $0x1;
	v3 =	vld [tilespmem:$0x19070]  }
0xd8: {  	v57 =	vld [tilespmem:$0x19080];
	[tilespmem:$0x19010] =	vst v1;
	v1 =	vor.u32 v0, v2;
	v2 =	vshll.u32 v4, $0x1  }
0xd9: {  	v58 =	vld [tilespmem:$0x19090];
	[tilespmem:$0x19020] =	vst v1;
	v1 =	vor.u32 v0, v2;
	v2 =	vshll.u32 v5, $0x1  }
0xda: {  	v59 =	vld [tilespmem:$0x190A0];
	[tilespmem:$0x19030] =	vst v1;
	v1 =	vor.u32 v0, v2;
	v2 =	vshll.u32 v6, $0x1  }
0xdb: {  	v60 =	vld [tilespmem:$0x190B0];
	[tilespmem:$0x19040] =	vst v1;
	v1 =	vor.u32 v0, v2;
	v2 =	vshll.u32 v7, $0x1  }
0xdc: {  	[tilespmem:$0x19050] =	vst v1;
	v1 =	vor.u32 v0, v2;
	v2 =	vshll.u32 v3, $0x1;
	v3 =	vld [tilespmem:$0x190C0]  }
0xdd: {  	v61 =	vld [tilespmem:$0x190D0];
	[tilespmem:$0x19060] =	vst v1;
	v1 =	vor.u32 v0, v2;
	v2 =	vshll.u32 v57, $0x1  }
0xde: {  	v62 =	vld [tilespmem:$0x190E0];
	[tilespmem:$0x19070] =	vst v1;
	v1 =	vor.u32 v0, v2;
	v2 =	vshll.u32 v58, $0x1  }
0xdf: {  	v63 =	vld [tilespmem:$0x190F0];
	[tilespmem:$0x19080] =	vst v1;
	v1 =	vor.u32 v0, v2;
	v2 =	vshll.u32 v59, $0x1  }
0xe0: {  	[tilespmem:$0x19090] =	vst v1;
	v1 =	vor.u32 v0, v2;
	v2 =	vshll.u32 v60, $0x1  }
0xe1: {  	[tilespmem:$0x190A0] =	vst v1;
	v1 =	vor.u32 v0, v2;
	v2 =	vshll.u32 v3, $0x1  }
0xe2: {  	[tilespmem:$0x190B0] =	vst v1;
	v1 =	vor.u32 v0, v2;
	v2 =	vshll.u32 v61, $0x1  }
.Ltmp7:
0xe3: {  	[tilespmem:$0x190C0] =	vst v1;
	v1 =	vor.u32 v0, v2;
	v2 =	vshll.u32 v62, $0x1;
	(pc) =	sbr.rel .LBB2_8-.Ltmp7, $4  }
0xe4: {  	[tilespmem:$0x190D0] =	vst v1;
	v1 =	vor.u32 v0, v2;
	v2 =	vshll.u32 v63, $0x1  }
0xe5: {  	[tilespmem:$0x190E0] =	vst v1;
	v1 =	vor.u32 v0, v2  }
0xe6: {  	[tilespmem:$0x190F0] =	vst v1  }
0xe7: {  	[tilespmem:s24], [sflag:$0x4] =	stream.indirect.gather [hbm4b:s4+s23], $0x20, s18, s23, $0xb8;
	[tilespmem:$0x1F600] =	vst v63  }
.LBB2_10:
0xe8: {  	_ =	sfence.sel $0x180000  }
0xe9: {  	[bflag:$0x0] =	sbarrier.arrive $0xFFFF  }
0xea: {  	_ =	strace $0x9000004D  }
0xeb: {  	s0 =	stileid.u32;
	[bflag:$0x2] =	sbarrier.arrive $0xFFFF  }
0xec: {  	p0 =	sne.s32 s0, $0x0;
	s0 =	rddreg [dreg:$0x2]  }
0xed: {  	s0 =	sadd.s32 @!p0 $0x100000, s0  }
0xee: {  	[sflag:s0] =	ssyncadd.tile.s32 @!p0 $0x1;
	_ =	shalt  }
.Lfunc_end2:
_tile_overlayer_lowered:
.L_overlay_start_2:
0xef: {  	(tag) =	ssettag $0x2  }
0xf0: {  	s0 =	rddreg [dreg:$0x0];
	s2 =	stileid.u32  }
0xf1: {  	s1 =	rddreg [dreg:$0x1];
	p0 =	sne.s32 s2, $0x0  }
0xf2: {  	s3 =	rddreg [dreg:$0x2];
	[bflag:$0x3] =	sbarrier.arrive $0xFFFF;
	s2 =	simm.s32 @!p0 $0x1C0A  }
0xf3: {  	[timem:s3], [sflag:s2] =	dma.local @!p0 [hbm:s0], s1  }
0xf4: {  	s0 =	simm.s32 @!p0 $0xA  }
0xf5: {  	_ =	swait.ge @!p0 [sflag:s0], s1  }
0xf6: {  	s1 =	ssub.s32 @!p0 $0x0, s1;
	[sflag:s0] =	ssyncset.done @!p0 $0x0  }
0xf7: {  	[sflag:s0] =	ssyncadd.s32 @!p0 s1  }
0xf8: {  	[bflag:$0x3] =	sbarrier.arrive $0xFFFF  }
0xf9: {  	_ =	shalt  }

// kernel: kernel.8.cloned.1.call-start
scs
__scs_entry_jumppad:
0x0: {  	(pc) =	sbr.rel $0x88, $3  }
0x1: {  	(tag) =	ssettag $0x0;
	lr =	simm.s32 $0x1  }
0x2: {  	[smem:$0x3F94] =	sst lr;
	_ =	strace $0xD0000000  }
0x3: {  	_ = 	snop  }
0x4: {  	_ = 	snop  }
0x5: {  	_ = 	snop  }
0x6: {  	_ = 	snop  }
0x7: {  	_ = 	snop  }
__scs_overlays_trampoline_lowered:
0x8: {  	[smem:$0x3FA3] =	sst s0  }
0x9: {  	[smem:$0x3FA4] =	sst s1  }
0xa: {  	[smem:$0x3FA5] =	sst s2  }
0xb: {  	[smem:$0x3FA6] =	sst s3  }
0xc: {  	[smem:$0x3FA7] =	sst s4  }
0xd: {  	[smem:$0x3FA8] =	sst s5  }
0xe: {  	[smem:$0x3FA9] =	sst s6  }
0xf: {  	[smem:$0x3FAA] =	sst s7  }
0x10: {  	[smem:$0x3FAB] =	sst s8  }
0x11: {  	[smem:$0x3FAC] =	sst s9;
	s0 =	simm.s32 @!p0 $0x0  }
0x12: {  	s1 =	sld [smem:$0x3F92];
	s0 =	simm.s32 @p0 $0x1  }
0x13: {  	[smem:$0x3FAD] =	sst s0;
	s0 =	simm.s32 @!p1 $0x0  }
0x14: {  	s2 =	sld [smem:$0x3F91];
	s0 =	simm.s32 @p1 $0x1  }
0x15: {  	[smem:$0x3FAE] =	sst s0;
	s0 =	simm.s32 @!p2 $0x0  }
0x16: {  	s3 =	sld [smem:$0x3FDB];
	s0 =	simm.s32 @p2 $0x1  }
0x17: {  	s4 =	simm.s32 $0x1BF5;
	[smem:$0x3FB0] =	sst s0  }
0x18: {  	s0 =	sld [smem:$0x3F93];
	_ =	swait.ge [sflag:s4], $0x0  }
0x19: {  	s7 =	sld [smem:$0x3F94]  }
0x1a: {  	s8 =	sadd.s32 $0xFFFFE003, lr  }
0x1b: {  	s9 =	sadd.s32 $0xFFFFFEF7, lr;
	s5 =	simm.s32 $0xFFFFFFFF;
	p2 =	slt.u32 s8, $0xFFFFF086  }
0x1c: {  	p1 =	slt.u32 s9, $0xF7A;
	s5 =	simm.s32 @!p2 $0x0  }
0x1d: {  	s5 =	simm.s32 @p1 $0x1;
	p0 =	seq.s32 s7, s2  }
0x1e: {  	s7 =	smul.u32 @!p0 $0xF7A, s2;
	p2 =	seq.s32 @!p0 s5, $0x0  }
0x1f: {  	s9 =	smul.u32 $0xF7A, s1;
	s8 =	simm.s32 @!p0 $0x1BF5;
	p2 =	por !p2, p0  }
0x20: {  	[sflag:s8] =	ssyncset.s32 @!p0 $0xFFFFF086;
	s6 =	sadd.s32 @!p0 s3, s7;
	s7 =	simm.s32 @!p0 $0x108  }
0x21: {  	s3 =	sadd.s32 s3, s9;
	s6 =	sadd.s32 @!p0 $0x88, s6;
	s7 =	simm.s32 @p2 $0x1082  }
0x22: {  	[simem:s7], [sflag:s8] =	dma.local @!p0 [hbm:s6], $0xF7A  }
0x23: {  	s9 =	sor.u32 $0xD0000000, s2;
	s6 =	simm.s32 $0x108;
	_ =	swait.ge @!p0 [sflag:s8], $0x0  }
0x24: {  	s3 =	sadd.s32 $0x88, s3;
	s6 =	simm.s32 @!p1 $0x1082;
	[sflag:s4] =	ssyncset.s32 $0xFFFFF086  }
0x25: {  	[simem:s6], [sflag:s4] =	dma.local [hbm:s3], $0xF7A  }
0x26: {  	[smem:$0x3F94] =	sst s1;
	(tag) =	ssettag s2;
	_ =	strace s9  }
0x27: {  	s1 =	sld [smem:$0x3FA4]  }
0x28: {  	s2 =	sld [smem:$0x3FA5]  }
0x29: {  	s4 =	sld [smem:$0x3FA7]  }
0x2a: {  	p0 =	seq.s32 s5, $0x0;
	s5 =	sld [smem:$0x3FA8]  }
0x2b: {  	s6 =	sld [smem:$0x3FA9]  }
0x2c: {  	s7 =	sld [smem:$0x3FAA]  }
0x2d: {  	s3 =	simm.s32 $0x108;
	s8 =	sld [smem:$0x3FAB]  }
0x2e: {  	s3 =	simm.s32 @!p0 $0x1082;
	s9 =	sld [smem:$0x3FAC]  }
0x2f: {  	lr =	sadd.s32 s0, s3;
	s0 =	sld [smem:$0x3FA3]  }
0x30: {  	s3 =	sld [smem:$0x3FA6]  }
0x31: {  	[smem:$0x3FAF] =	sst s10  }
0x32: {  	s10 =	sld [smem:$0x3FAD];
	_ =	sdelay $0x3  }
0x33: {  	p0 =	seq.s32 s10, $0x1;
	s10 =	sld [smem:$0x3FAF];
	_ =	sdelay $0x3  }
0x34: {  	[smem:$0x3FAF] =	sst s10  }
0x35: {  	s10 =	sld [smem:$0x3FAE];
	_ =	sdelay $0x3  }
0x36: {  	p1 =	seq.s32 s10, $0x1;
	s10 =	sld [smem:$0x3FAF];
	_ =	sdelay $0x3  }
0x37: {  	[smem:$0x3FAF] =	sst s10  }
0x38: {  	s10 =	sld [smem:$0x3FB0]  }
0x39: {  	_ = 	snop;
	(pc) =	sbr.ind lr, $3  }
0x3a: {  	_ = 	snop  }
0x3b: {  	_ = 	snop  }
0x3c: {  	p2 =	seq.s32 s10, $0x1;
	s10 =	sld [smem:$0x3FAF]  }
0x3d: {  	_ =	shalt  }
0x3e: {  	_ =	shalt  }
0x3f: {  	_ =	shalt  }
0x40: {  	_ =	shalt  }
0x41: {  	_ =	shalt  }
0x42: {  	_ =	shalt  }
0x43: {  	_ =	shalt  }
0x44: {  	_ =	shalt  }
0x45: {  	_ =	shalt  }
0x46: {  	_ =	shalt  }
0x47: {  	_ =	shalt  }
0x48: {  	_ =	shalt  }
0x49: {  	_ =	shalt  }
0x4a: {  	_ =	shalt  }
0x4b: {  	_ =	shalt  }
0x4c: {  	_ =	shalt  }
0x4d: {  	_ =	shalt  }
0x4e: {  	_ =	shalt  }
0x4f: {  	_ =	shalt  }
0x50: {  	_ =	shalt  }
0x51: {  	_ =	shalt  }
0x52: {  	_ =	shalt  }
0x53: {  	_ =	shalt  }
0x54: {  	_ =	shalt  }
0x55: {  	_ =	shalt  }
0x56: {  	_ =	shalt  }
0x57: {  	_ =	shalt  }
0x58: {  	_ =	shalt  }
0x59: {  	_ =	shalt  }
0x5a: {  	_ =	shalt  }
0x5b: {  	_ =	shalt  }
0x5c: {  	_ =	shalt  }
0x5d: {  	_ =	shalt  }
0x5e: {  	_ =	shalt  }
0x5f: {  	_ =	shalt  }
0x60: {  	_ =	shalt  }
0x61: {  	_ =	shalt  }
0x62: {  	_ =	shalt  }
0x63: {  	_ =	shalt  }
0x64: {  	_ =	shalt  }
0x65: {  	_ =	shalt  }
0x66: {  	_ =	shalt  }
0x67: {  	_ =	shalt  }
0x68: {  	_ =	shalt  }
0x69: {  	_ =	shalt  }
0x6a: {  	_ =	shalt  }
0x6b: {  	_ =	shalt  }
0x6c: {  	_ =	shalt  }
0x6d: {  	_ =	shalt  }
0x6e: {  	_ =	shalt  }
0x6f: {  	_ =	shalt  }
0x70: {  	_ =	shalt  }
0x71: {  	_ =	shalt  }
0x72: {  	_ =	shalt  }
0x73: {  	_ =	shalt  }
0x74: {  	_ =	shalt  }
0x75: {  	_ =	shalt  }
0x76: {  	_ =	shalt  }
0x77: {  	_ =	shalt  }
0x78: {  	_ =	shalt  }
0x79: {  	_ =	shalt  }
0x7a: {  	_ =	shalt  }
0x7b: {  	_ =	shalt  }
0x7c: {  	_ =	shalt  }
0x7d: {  	_ =	shalt  }
0x7e: {  	_ =	shalt  }
0x7f: {  	_ =	shalt  }
0x80: {  	_ =	shalt  }
0x81: {  	_ =	shalt  }
0x82: {  	_ =	shalt  }
0x83: {  	_ =	shalt  }
0x84: {  	_ =	shalt  }
0x85: {  	_ =	shalt  }
0x86: {  	_ =	shalt  }
0x87: {  	_ =	shalt  }
.Lfunc_end0:
.L_simem_size_0:
called_computation_lowered:
.L_overlay_start_0:
0x88: {  	s2 =	sld [smem:$0x3FD9]  }
0x89: {  	s3 =	sld [smem:$0x3FFE];
	_ =	sdelay $0x1  }
0x8a: {  	s1 =	srdreg.scid  }
0x8b: {  	s0 =	sand.u32 $0x1, s1  }
0x8c: {  	s16 =	sshll.u32 s0, $0xA;
	s2 =	sadd.s32 s3, s2  }
0x8d: {  	s2 =	sadd.s32 s2, s16  }
0x8e: {  	[smem:$0x3FBB] =	sst s2  }
0x8f: {  	_ = 	snop  }
0x90: {  	(tm) =	ssettm $0x1  }
0x91: {  	s17 =	sld [smem:$0x3FFB];
	_ =	sdelay $0x3  }
0x92: {  	_ =	strace s17  }
0x93: {  	s2 =	sld [smem:$0x3FFC];
	_ =	sdelay $0x3  }
0x94: {  	_ =	strace s2  }
0x95: {  	s2 =	sld [smem:$0x3FFD];
	_ =	sdelay $0x3  }
0x96: {  	_ =	strace s2  }
0x97: {  	_ =	strace $0x8FFFFFFF  }
0x98: {  	s18 =	sld [smem:$0x3FDB];
	_ =	sdelay $0x1  }
0x99: {  	s19 =	simm.s32 $_scs_section_size  }
0x9a: {  	s4 =	simm.s32 $_size__tile_overlayer_lowered;
	s5 =	simm.s32 $_tile_overlayer_lowered  }
0x9b: {  	s22 =	simm.s32 $0x1BFF;
	s21 =	sshll.u32 s5, $0x1;
	s2 =	sadd.s32 s19, s18  }
0x9c: {  	s6 =	simm.s32 $0x0;
	s20 =	sshll.u32 s4, $0x1;
	s4 =	sadd.s32 s21, s2  }
0x9d: {  	[timem:s6], [sflag:s22] =	dma.local [hbm:s4], s20  }
0x9e: {  	_ =	swait.ge [sflag:s22], s20  }
0x9f: {  	s3 =	ssub.s32 $0x0, s20;
	[sflag:s22] =	ssyncset.done $0x0  }
0xa0: {  	[sflag:s22] =	ssyncadd.s32 s3;
	_ =	sdelay $0x1  }
0xa1: {  	s23 =	simm.s32 $0x1B8B  }
0xa2: {  	_ =	swait.ge [sflag:s23], $0x1  }
0xa3: {  	[sflag:s23] =	ssyncset.done $0x0  }
0xa4: {  	s25 =	simm.s32 $0x1B8E;
	s24 =	sld [smem:$0x3FFE];
	[sflag:s23] =	ssyncadd.s32 $0xFFFFFFFF  }
0xa5: {  	s26 =	simm.s32 $execute0_lowered;
	[smem:$0x3FD2] =	sst s25  }
0xa6: {  	s4 =	sshll.u32 s26, $0x1;
	_ =	strace $0x80000046;
	[dreg:$0x1] =	wrdreg $0xFFFFFFFF  }
0xa7: {  	s28 =	simm.s32 $_size_execute0_lowered;
	s2 =	sadd.s32 s2, s4;
	[dreg:$0x0] =	wrdreg $0x0  }
0xa8: {  	s4 =	sshll.u32 s28, $0x1;
	[dreg:$0x2] =	wrdreg s2  }
0xa9: {  	[dreg:$0x3] =	wrdreg s4  }
0xaa: {  	[dreg:$0x4] =	wrdreg $0xC0  }
0xab: {  	_ =	task [dreg:s6], $0x5FFFF  }
0xac: {  	[dreg:$0x1] =	wrdreg $0xFFFFFFFF  }
0xad: {  	[dreg:$0x0] =	wrdreg $0x60  }
0xae: {  	[dreg:$0x2] =	wrdreg s24  }
0xaf: {  	[dreg:$0x3] =	wrdreg $0x15D480  }
0xb0: {  	[dreg:$0x4] =	wrdreg $0x9  }
0xb1: {  	_ =	task.clear_ibuf [dreg:s6], $0x5FFFF;
	_ =	strace $0x90000046  }
0xb2: {  	s29 =	simm.s32 $0x9;
	_ =	strace $0x80000048  }
0xb3: {  	_ =	swait.ge [sflag:s29], $0x1  }
0xb4: {  	[sflag:s29] =	ssyncadd.s32 $0xFFFFFFFF  }
0xb5: {  	_ =	strace $0x90000048  }
0xb6: {  	_ =	sfence  }
0xb7: {  	s30 =	sld [smem:$0x0];
	_ =	sdelay $0x2  }
0xb8: {  	s31 =	sshll.u32 s1, $0xD;
	s1 =	sshrl.u32 s1, $0x2  }
0xb9: {  	s3 =	sand.u32 $0x4000, s31;
	s1 =	sadd.s32 s1, s30  }
0xba: {  	s0 =	sor.u32 s3, s0;
	s1 =	sshll.u32 s1, $0x11  }
0xbb: {  	s0 =	sor.u32 s1, s0  }
0xbc: {  	s0 =	sadd.s32 $0x8F2B, s0  }
0xbd: {  	[sflag:s0] =	ssyncadd.remote.s32 $0x1  }
0xbe: {  	_ =	sfence.sel $0xFFFF  }
0xbf: {  	[dreg:$0x0] =	wrdreg $0xFFFFFFFF;
	(pc) =	sbr.abs _section_cstart, $3  }
0xc0: {  	[dreg:$0x1] =	wrdreg $0xFFFFFFFF  }
0xc1: {  	_ =	task.clear_ibuf [dreg:s6], $0x2FFFF;
	_ =	strace $0x9FFFFFFF  }
0xc2: {  	(tm) =	ssettm $0x7FFFFFFF  }
0xc3: {  	_ =	shalt  }
tec
execute0_lowered:
.L_overlay_start_1:
0x0: {  	(tag) =	ssettag $0x1  }
0x1: {  	s9 =	rddreg [dreg:$0x0];
	s0 =	stileid.u32  }
0x2: {  	s1 =	srdreg.scid;
	s2 =	rddreg [dreg:$0x1];
	s3 =	simm.s32 $0x0  }
0x3: {  	s16 =	simm.s32 $0x14A88;
	s17 =	simm.s32 $0x150C8;
	s18 =	simm.s32 $0x15708  }
0x4: {  	s19 =	simm.s32 $0x61B8;
	s20 =	simm.s32 $0x190;
	s4 =	smul.u32 $0x320, s0  }
0x5: {  	s21 =	simm.s32 $0x129B8;
	s22 =	simm.s32 $0x0;
	s10 =	smul.u32 $0xC80, s0  }
0x6: {  	s13 =	sand.u32 $0x1, s1;
	s1 =	rddreg [dreg:$0x2];
	s6 =	smul.u32 $0x640, s0  }
0x7: {  	[smem:$0x7FF] =	sst s3;
	s7 =	sshll.u32 s0, $0x1;
	s5 =	smul.u32 $0xC800, s13  }
0x8: {  	_ =	strace $0x80000047;
	s30 =	ssub.s32 $0x2, s13;
	s7 =	sor.u32 s13, s7  }
0x9: {  	p0 =	sne.s32 s13, $0x0;
	s13 =	simm.s32 $0x12B48;
	s4 =	sadd.s32 s4, s9  }
0xa: {  	s6 =	sshrl.u32 s6, $0x3;
	s8 =	sshrl.u32 s30, $0x1;
	s7 =	smul.u32 $0x61A8, s7  }
0xb: {  	v0 =	vlaneseq.u32;
	s5 =	sadd.s32 s10, s5;
	s12 =	sadd.s32 s6, s9;
	s14 =	ssub.s32 s30, s8  }
0xc: {  	v1 =	vand.u32 $0x1, v0;
	s4 =	sadd.s32 $0x33C00, s4;
	s5 =	sshrl.u32 s5, $0x3;
	s6 =	sadd.s32 $0x3AC80, s12  }
0xd: {  	v2 =	vmul.u32 $0x4, v1;
	s15 =	sshrl.u32 s7, $0x3;
	s7 =	sadd.s32 $0x3B900, s12;
	s8 =	sadd.s32 $0x3C580, s12  }
0xe: {  	v6 =	vimm.f32 $0.0e+00;
	v1 =	vmul.u32 $0x4, v0;
	s11 =	sadd.s32 s5, s9;
	s5 =	sadd.s32 $0x3A000, s12;
	s31 =	sadd.s32 s9, s15  }
0xf: {  	v7 =	vimm.s32 $0x0;
	v8 =	vimm.f32 $1.000000000e+00;
	v2 =	vor.u32 $0xFFFFFFF8, v2;
	s9 =	sadd.s32 s10, s2;
	s12 =	smax.u32 s14, $0x1;
	s14 =	simm.s32 $0x1  }
0x10: {  	v3 =	vor.u32 $0x2, v1;
	v4 =	vor.u32 $0x1, v1;
	v5 =	vor.u32 $0x3, v1;
	s15 =	simm.s32 $0x14448;
	s10 =	sadd.s32 $0x1B4A0, s31;
	s11 =	sadd.s32 $0x36E00, s11  }
.LBB2_1:
.Ltmp0:
0x11: {  	(pc) =	sbr.rel @p0 .LBB2_5-.Ltmp0, $1  }
0x12: {  	_ =	sdelay $0x3  }
0x13: {  	s23 =	simm.s32 $0x0  }
0x14: {  	v9 =	vor.u32 s23, v1  }
0x15: {  	v9 =	vand.u32 v2, v9  }
0x16: {  	[tilespmem:s13], [sflag:$0x1] =	stream.linear.gather [hbm4b:s4+s23], $0x1900, $0x38;
	[tilespmem:$0x169C8] =	vst v63  }
0x17: {  	_ =	swait.ge [sflag:s14], $0x1900  }
0x18: {  	[sflag:s14] =	ssyncset.done $0x0  }
0x19: {  	[sflag:s14] =	ssyncadd.s32 $0xFFFFE700  }
0x1a: {  	v9 =	vld.idx.msk [tilespmem:v9+s13+$0x0], $0xffff  }
0x1b: {  	v10 =	vor.u32 s23, v3;
	_ =	sdelay $0x2  }
0x1c: {  	s24 =	simm.s32 $0x0  }
0x1d: {  	[tilespmem:s24+$0x14448] =	vst v9  }
0x1e: {  	v9 =	vld.idx.msk [tilespmem:v10+s13+$0x0], $0xffff  }
0x1f: {  	v10 =	vor.u32 s23, v4;
	_ =	sdelay $0x3  }
0x20: {  	[tilespmem:s24+$0x14A88] =	vst v9  }
0x21: {  	v9 =	vld.idx.msk [tilespmem:v10+s13+$0x0], $0xffff  }
0x22: {  	v10 =	vor.u32 s23, v5;
	_ =	sdelay $0x3  }
0x23: {  	s23 =	simm.s32 $0x40;
	[tilespmem:s24+$0x150C8] =	vst v9  }
0x24: {  	s25 =	simm.s32 $0x80;
	v9 =	vld.idx.msk [tilespmem:v10+s13+$0x0], $0xffff;
	v10 =	vor.u32 s23, v1  }
.LBB2_3:
0x25: {  	p1 =	sne.s32 s25, $0x18C0;
	v10 =	vand.u32 v2, v10;
	_ =	sdelay $0x3  }
0x26: {  	[tilespmem:s24+$0x15708] =	vst v9  }
0x27: {  	v9 =	vld.idx.msk [tilespmem:v10+s13+$0x0], $0xffff;
	_ =	sdelay $0x1  }
0x28: {  	v10 =	vor.u32 s23, v3;
	_ =	sdelay $0x2  }
0x29: {  	s24 =	sshra.s32 s23, $0x2  }
0x2a: {  	[tilespmem:s24+$0x14448] =	vst v9  }
0x2b: {  	v9 =	vld.idx.msk [tilespmem:v10+s13+$0x0], $0xffff;
	_ =	sdelay $0x1  }
0x2c: {  	v10 =	vor.u32 s23, v4;
	_ =	sdelay $0x3  }
0x2d: {  	[tilespmem:s24+$0x14A88] =	vst v9  }
0x2e: {  	v9 =	vld.idx.msk [tilespmem:v10+s13+$0x0], $0xffff;
	_ =	sdelay $0x1  }
0x2f: {  	v10 =	vor.u32 s23, v5;
	s23 =	smov.u32 s25;
	_ =	sdelay $0x1  }
.Ltmp1:
0x30: {  	(pc) =	sbr.rel @p1 .LBB2_3-.Ltmp1, $4  }
0x31: {  	_ = 	snop  }
0x32: {  	[tilespmem:s24+$0x150C8] =	vst v9  }
0x33: {  	v9 =	vld.idx.msk [tilespmem:v10+s13+$0x0], $0xffff  }
0x34: {  	s25 =	sadd.s32 $0x40, s25;
	v10 =	vor.u32 s23, v1  }
0x35: {  	v10 =	vand.u32 v2, v10;
	_ =	sdelay $0x3  }
0x36: {  	[tilespmem:s24+$0x15708] =	vst v9  }
0x37: {  	v9 =	vld.idx.msk [tilespmem:v10+s13+$0x0], $0xffff  }
0x38: {  	v10 =	vor.u32 s23, v3;
	_ =	sdelay $0x2  }
0x39: {  	s31 =	sshra.s32 s23, $0x2  }
0x3a: {  	[tilespmem:s31+$0x14448] =	vst v9  }
0x3b: {  	v9 =	vld.idx.msk [tilespmem:v10+s13+$0x0], $0xffff  }
0x3c: {  	v10 =	vor.u32 s23, v4;
	_ =	sdelay $0x3  }
0x3d: {  	[tilespmem:s31+$0x14A88] =	vst v9  }
0x3e: {  	v9 =	vld.idx.msk [tilespmem:v10+s13+$0x0], $0xffff  }
0x3f: {  	v10 =	vor.u32 s23, v5;
	_ =	sdelay $0x3  }
0x40: {  	[tilespmem:s31+$0x150C8] =	vst v9  }
0x41: {  	v9 =	vld.idx.msk [tilespmem:v10+s13+$0x0], $0xffff;
	_ =	sdelay $0x4  }
0x42: {  	[tilespmem:s31+$0x15708] =	vst v9  }
0x43: {  	[hbm4b:s5+s3] =	stream.linear.scatter [tilespmem:s15], [sflag:$0x1], $0x640, $0x38;
	[tilespmem:$0x169C8] =	vst v63  }
0x44: {  	_ =	swait.ge [sflag:s14], $0x640  }
0x45: {  	[sflag:s14] =	ssyncset.done $0x0  }
0x46: {  	[sflag:s14] =	ssyncadd.s32 $0xFFFFF9C0  }
0x47: {  	[hbm4b:s6+s3] =	stream.linear.scatter [tilespmem:s16], [sflag:$0x1], $0x640, $0x38;
	[tilespmem:$0x169C8] =	vst v63  }
0x48: {  	_ =	swait.ge [sflag:s14], $0x640  }
0x49: {  	[sflag:s14] =	ssyncset.done $0x0  }
0x4a: {  	[sflag:s14] =	ssyncadd.s32 $0xFFFFF9C0  }
0x4b: {  	[hbm4b:s7+s3] =	stream.linear.scatter [tilespmem:s17], [sflag:$0x1], $0x640, $0x38;
	[tilespmem:$0x169C8] =	vst v63  }
0x4c: {  	_ =	swait.ge [sflag:s14], $0x640  }
0x4d: {  	[sflag:s14] =	ssyncset.done $0x0  }
0x4e: {  	[sflag:s14] =	ssyncadd.s32 $0xFFFFF9C0  }
0x4f: {  	[hbm4b:s8+s3] =	stream.linear.scatter [tilespmem:s18], [sflag:$0x1], $0x640, $0x38;
	[tilespmem:$0x169C8] =	vst v63  }
0x50: {  	_ =	swait.ge [sflag:s14], $0x640  }
0x51: {  	[sflag:s14] =	ssyncset.done $0x0  }
0x52: {  	[sflag:s14] =	ssyncadd.s32 $0xFFFFF9C0  }
.LBB2_5:
0x53: {  	s24 =	simm.s32 $0x0;
	s23 =	simm.s32 $0x0  }
.LBB2_6:
0x54: {  	p1 =	sne.s32 s23, $0x31FC0  }
.Ltmp2:
0x55: {  	_ = 	snop;
	(pc) =	sbr.rel @p1 .LBB2_6-.Ltmp2, $4  }
0x56: {  	_ = 	snop  }
0x57: {  	s25 =	sand.u32 $0x3FFC0, s23  }
0x58: {  	s25 =	sshrl.u32 s25, $0x2  }
0x59: {  	s23 =	sadd.s32 $0x40, s23;
	[tilespmem:s25+$0x61B8] =	vst v6  }
0x5a: {  	s23 =	simm.s32 $0x129B8;
	v9 =	vor.u32 s24, v0  }
0x5b: {  	s24 =	simm.s32 $0x10;
	[tilespmem:s23+$0x0] =	vst v9  }
.LBB2_8:
0x5c: {  	p1 =	sne.s32 s24, $0x180  }
.Ltmp3:
0x5d: {  	_ = 	snop;
	(pc) =	sbr.rel @p1 .LBB2_8-.Ltmp3, $3  }
0x5e: {  	_ =	sdelay $0x1  }
0x5f: {  	v9 =	vor.u32 s24, v0;
	s24 =	sadd.s32 $0x10, s24;
	s23 =	sadd.s32 $0x10, s23  }
0x60: {  	[tilespmem:s23+$0x0] =	vst v9  }
0x61: {  	[spmem:s9] =	stream.linear.scatter [tilespmem:s19], [sflag:$0x1], $0xC80, $0x38;
	[tilespmem:$0x169C8] =	vst v63  }
0x62: {  	_ =	swait.ge [sflag:s14], $0xC80  }
0x63: {  	[sflag:s14] =	ssyncset.done $0x0  }
0x64: {  	[sflag:s14] =	ssyncadd.s32 $0xFFFFF380  }
0x65: {  	s23 =	simm.s32 $0x0;
	[bflag:$0x0] =	sbarrier.arrive $0xFFFF  }
0x66: {  	[tilespmem:s23], [sflag:$0x1] =	stream.linear.gather [hbm4b:s10+s23], $0x61A8, $0x38;
	[tilespmem:$0x169C8] =	vst v63  }
0x67: {  	_ =	swait.ge [sflag:s14], $0x61A8  }
0x68: {  	[sflag:s14] =	ssyncset.done $0x0  }
0x69: {  	s24 =	simm.s32 $0x0;
	s23 =	simm.s32 $0x40;
	[sflag:s14] =	ssyncadd.s32 $0xFFFF9E58  }
.LBB2_10:
0x6a: {  	p1 =	sne.s32 s23, $0x18640;
	v9 =	vld [tilespmem:s24+$0x0];
	_ =	sdelay $0x4  }
0x6b: {  	v10 =	vand.u32 $0x1, v9  }
0x6c: {  	vm0 =	veq.s32 v10, $0x1  }
0x6d: {  	v9 =	vshrl.u32 v9, $0x1;
	v10 =	vsel vm0, $0x6400, v7  }
0x6e: {  	v9 =	vadd.s32 v9, v10  }
.Ltmp4:
0x6f: {  	(pc) =	sbr.rel @p1 .LBB2_10-.Ltmp4, $2  }
0x70: {  	_ =	sdelay $0x2  }
0x71: {  	s24 =	sshra.s32 s23, $0x2;
	s23 =	sadd.s32 $0x40, s23;
	[tilespmem:v9+s19+$0x0] =	vst.idx.add.f32.msk $0xffff, v8  }
0x72: {  	v9 =	vld [tilespmem:s24+$0x0];
	_ =	sdelay $0x4  }
0x73: {  	v10 =	vand.u32 $0x1, v9  }
0x74: {  	vm0 =	veq.s32 v10, $0x1  }
0x75: {  	v9 =	vshrl.u32 v9, $0x1;
	v10 =	vsel vm0, $0x6400, v7  }
0x76: {  	v9 =	vadd.s32 v9, v10;
	_ =	sdelay $0x4  }
0x77: {  	[tilespmem:v9+s19+$0x0] =	vst.idx.add.f32.msk $0xffff, v8  }
0x78: {  	v9 =	vld [tilespmem:$0x61A0];
	_ =	sdelay $0x4  }
0x79: {  	v10 =	vand.u32 $0x1, v9  }
0x7a: {  	vm15 =	veq.s32 v10, $0x1  }
0x7b: {  	v9 =	vshrl.u32 v9, $0x1;
	v10 =	vsel vm15, $0x6400, v7  }
0x7c: {  	v9 =	vadd.s32 v9, v10;
	_ =	sdelay $0x4  }
0x7d: {  	[tilespmem:v9+s19+$0x0] =	vst.idx.add.f32.msk $0xff, v8  }
0x7e: {  	[bflag:$0x0] =	sbarrier.arrive $0xFFFF  }
0x7f: {  	[spmem:s2] =	stream.indirect.scatter.add.f32 [tilespmem:s19], [sflag:$0x1], $0x80, s21, s20, $0xb8;
	[tilespmem:$0x169C8] =	vst v63  }
0x80: {  	_ =	swait.ge [sflag:s14], $0xC800  }
0x81: {  	s23 =	sshll.u32 s0, $0x6;
	s22 =	sadd.s32 $0x1, s22;
	[sflag:s14] =	ssyncset.done $0x0  }
0x82: {  	s31 =	sshrl.u32 s9, $0x3;
	p1 =	sne.s32 s22, s12;
	[sflag:s14] =	ssyncadd.s32 $0xFFFF3800  }
.Ltmp5:
0x83: {  	s23 =	sor.u32 $0x1C01, s23;
	[bflag:$0x0] =	sbarrier.arrive $0xFFFF;
	(pc) =	sbr.rel @p1 .LBB2_1-.Ltmp5, $4  }
0x84: {  	[hbm:s11], [sflag:s23] =	dma.local [spmem:s31], $0x190  }
0x85: {  	_ =	swait.ge [sflag:s14], $0x190  }
0x86: {  	[sflag:s14] =	ssyncset.done $0x0  }
0x87: {  	[sflag:s14] =	ssyncadd.s32 $0xFFFFFE70  }
0x88: {  	_ =	sfence.sel $0x180000  }
0x89: {  	[bflag:$0x0] =	sbarrier.arrive $0xFFFF  }
0x8a: {  	p0 =	sne.s32 s0, $0x0;
	_ =	strace $0x90000047  }
0x8b: {  	s0 =	sadd.s32 @!p0 $0x100000, s1;
	[bflag:$0x2] =	sbarrier.arrive $0xFFFF  }
0x8c: {  	[sflag:s0] =	ssyncadd.tile.s32 @!p0 $0x1;
	_ =	shalt  }
.Lfunc_end2:
_tile_overlayer_lowered:
.L_overlay_start_2:
0x8d: {  	(tag) =	ssettag $0x2  }
0x8e: {  	s0 =	rddreg [dreg:$0x0];
	s2 =	stileid.u32  }
0x8f: {  	s1 =	rddreg [dreg:$0x1];
	p0 =	sne.s32 s2, $0x0  }
0x90: {  	s3 =	rddreg [dreg:$0x2];
	[bflag:$0x3] =	sbarrier.arrive $0xFFFF;
	s2 =	simm.s32 @!p0 $0x1C01  }
0x91: {  	[timem:s3], [sflag:s2] =	dma.local @!p0 [hbm:s0], s1  }
0x92: {  	s0 =	simm.s32 @!p0 $0x1  }
0x93: {  	_ =	swait.ge @!p0 [sflag:s0], s1  }
0x94: {  	s1 =	ssub.s32 @!p0 $0x0, s1;
	[sflag:s0] =	ssyncset.done @!p0 $0x0  }
0x95: {  	[sflag:s0] =	ssyncadd.s32 @!p0 s1  }
0x96: {  	[bflag:$0x3] =	sbarrier.arrive $0xFFFF  }
0x97: {  	_ =	shalt  }

</sc_bundles>
